<compile_context>
chip_gen: v7x
topology: tpu7x:2x2x1
jax: 0.10.2.dev20260603
libtpu: 0.0.44.dev20260713+nightly
codegen_flags: <defaults>
</compile_context>

<pallas_src>
import functools

import jax
import jax.numpy as jnp
from jax import lax
from jax.experimental import pallas as pl
from jax.experimental.pallas import tpu as pltpu
from jax.experimental.pallas import tpu_sc as plsc

F32 = jnp.float32

_NC = 2
_NS = 16
_NW = _NC * _NS
_C = 80
_U = 80


def _sc_mesh():
    return plsc.VectorSubcoreMesh(core_axis_name="c", subcore_axis_name="s")


_SC_PARAMS = pltpu.CompilerParams(use_tc_tiling_on_sc=False)


def _zero_acc(acc, zbuf, s, d, nunits, zsem):
    mtrips = (nunits + _NS - 1) // _NS

    def zinit(i, carry):
        for j in range(d // 16):
            zbuf[i, pl.ds(j * 16, 16)] = jnp.zeros((16,), F32)
        return carry

    lax.fori_loop(0, _U, zinit, 0)

    def zcopy(m, carry):
        t = s + m * _NS

        @pl.when(t < nunits)
        def _():
            pltpu.async_copy(zbuf, acc.at[pl.ds(t * _U, _U)], zsem)

        return carry

    lax.fori_loop(0, mtrips, zcopy, 0)

    def zdrain(m, carry):
        t = s + m * _NS

        @pl.when(t < nunits)
        def _():
            pltpu.make_async_copy(zbuf, acc.at[pl.ds(t * _U, _U)],
                                  zsem).wait()

        return carry

    lax.fori_loop(0, mtrips, zdrain, 0)


def _copy_out(acc, out_h, c, s, nunits, osem):
    mtrips = (nunits + _NS - 1) // _NS

    def ocopy(m, carry):
        t = s + m * _NS

        @pl.when(t < nunits)
        def _():
            pltpu.async_copy(acc.at[pl.ds(t * _U, _U)],
                             out_h.at[c, pl.ds(t * _U, _U)], osem)

        return carry

    lax.fori_loop(0, mtrips, ocopy, 0)

    def odrain(m, carry):
        t = s + m * _NS

        @pl.when(t < nunits)
        def _():
            pltpu.make_async_copy(acc.at[pl.ds(t * _U, _U)],
                                  out_h.at[c, pl.ds(t * _U, _U)], osem).wait()

        return carry

    lax.fori_loop(0, mtrips, odrain, 0)


def _deg_partials(edges4, n):
    _, nw, nch, c_ = edges4.shape
    nunits = n // _U

    @functools.partial(
        pl.kernel,
        out_type=jax.ShapeDtypeStruct((_NC, n, 16), F32),
        mesh=_sc_mesh(),
        compiler_params=_SC_PARAMS,
        scratch_types=[
            pltpu.VMEM_SHARED((n, 16), F32),
            pltpu.VMEM((nch, _C), jnp.int32),
            pltpu.VMEM((_C, 16), F32),
            pltpu.VMEM((_U, 16), F32),
            pltpu.SemaphoreType.DMA,
            pltpu.SemaphoreType.DMA,
            pltpu.SemaphoreType.DMA,
        ],
    )
    def k(edges_h, out_h, acc, uidx, ones_v, zbuf, isem, ssem, zsem):
        c = lax.axis_index("c")
        s = lax.axis_index("s")
        w = c * _NS + s

        pltpu.async_copy(edges_h.at[0, w], uidx, isem)

        def init(i, carry):
            ones_v[i, :] = jnp.full((16,), 1.0, F32)
            return carry

        lax.fori_loop(0, _C, init, 0)
        _zero_acc(acc, zbuf, s, 16, nunits, zsem)
        plsc.subcore_barrier()
        pltpu.make_async_copy(edges_h.at[0, w], uidx, isem).wait()

        lag = 4

        def body(kk, carry):
            pltpu.async_copy(ones_v, acc.at[uidx.at[kk]], ssem, add=True)

            @pl.when(kk >= lag)
            def _():
                pltpu.make_async_copy(ones_v, acc.at[uidx.at[kk]], ssem).wait()

            return carry

        lax.fori_loop(0, nch, body, 0)
        for _ in range(min(lag, nch)):
            pltpu.make_async_copy(ones_v, acc.at[uidx.at[0]], ssem).wait()
        plsc.subcore_barrier()
        _copy_out(acc, out_h, c, s, nunits, isem)

    return k(edges4)


def _spmm_partials(table, edges4):
    n, d = table.shape
    _, nw, nch, c_ = edges4.shape
    nunits = n // _U
    nbuf = 3 if d >= 128 else 8
    ngrp = nch // nbuf
    ntail = nch - ngrp * nbuf

    @functools.partial(
        pl.kernel,
        out_type=jax.ShapeDtypeStruct((_NC, n, d), F32),
        mesh=_sc_mesh(),
        compiler_params=_SC_PARAMS,
        scratch_types=[
            pltpu.VMEM_SHARED((n, d), F32),
            pltpu.VMEM((nch, _C), jnp.int32),
            pltpu.VMEM((nch, _C), jnp.int32),
            [pltpu.VMEM((_C, d), F32)] * nbuf,
            pltpu.SemaphoreType.DMA,
            [pltpu.SemaphoreType.DMA] * nbuf,
            [pltpu.SemaphoreType.DMA] * nbuf,
            pltpu.SemaphoreType.DMA,
        ],
    )
    def k(table_h, edges_h, out_h, acc, vidx, uidx, rows,
          isem, gsem, ssem, zsem):
        c = lax.axis_index("c")
        s = lax.axis_index("s")
        w = c * _NS + s
        src = table_h

        pltpu.async_copy(edges_h.at[1, w], vidx, isem)
        pltpu.async_copy(edges_h.at[0, w], uidx, isem)
        _zero_acc(acc, rows[0], s, d, nunits, zsem)
        pltpu.make_async_copy(edges_h.at[1, w], vidx, isem).wait()
        pltpu.make_async_copy(edges_h.at[0, w], uidx, isem).wait()
        for b in range(nbuf):
            pltpu.async_copy(src.at[vidx.at[b]], rows[b], gsem[b])
        plsc.subcore_barrier()

        def stage(kk, b):
            pltpu.make_async_copy(src.at[vidx.at[kk]], rows[b],
                                  gsem[b]).wait()
            pltpu.async_copy(rows[b], acc.at[uidx.at[kk]], ssem[b], add=True)
            pltpu.make_async_copy(rows[b], acc.at[uidx.at[kk]],
                                  ssem[b]).wait()

            @pl.when(kk + nbuf < nch)
            def _():
                pltpu.async_copy(src.at[vidx.at[kk + nbuf]], rows[b],
                                 gsem[b])

        def body(j, carry):
            for b in range(nbuf):
                stage(nbuf * j + b, b)
            return carry

        lax.fori_loop(0, ngrp, body, 0)
        for t in range(ntail):
            kk = ngrp * nbuf + t
            pltpu.make_async_copy(src.at[vidx.at[kk]], rows[t],
                                  gsem[t]).wait()
            pltpu.sync_copy(rows[t], acc.at[uidx.at[kk]], add=True)
        plsc.subcore_barrier()
        _copy_out(acc, out_h, c, s, nunits, isem)

    return k(table, edges4)


_BN = 2000


def _xw(x, w1):
    n, din = x.shape
    dh = w1.shape[1]

    def body(x_ref, w_ref, xw_ref):
        xw_ref[...] = jnp.dot(x_ref[...], w_ref[...],
                              preferred_element_type=F32)

    return pl.pallas_call(
        body,
        grid=(n // _BN,),
        in_specs=[
            pl.BlockSpec((_BN, din), lambda i: (i, 0)),
            pl.BlockSpec((din, dh), lambda i: (0, 0)),
        ],
        out_specs=pl.BlockSpec((_BN, dh), lambda i: (i, 0)),
        out_shape=jax.ShapeDtypeStruct((n, dh), F32),
    )(x, w1)


def _pre(xw, degp):
    n, dh = xw.shape

    def body(xw_ref, dp_ref, xws_ref, isd_ref):
        deg = dp_ref[0] + dp_ref[1]
        isd = jnp.where(deg > 0, lax.rsqrt(deg), 0.0)
        isd_col = isd[:, 0:1]
        xws_ref[...] = xw_ref[...] * isd_col
        isd_ref[...] = isd_col

    return pl.pallas_call(
        body,
        grid=(n // _BN,),
        in_specs=[
            pl.BlockSpec((_BN, dh), lambda i: (i, 0)),
            pl.BlockSpec((2, _BN, 16), lambda i: (0, i, 0)),
        ],
        out_specs=[
            pl.BlockSpec((_BN, dh), lambda i: (i, 0)),
            pl.BlockSpec((_BN, 1), lambda i: (i, 0)),
        ],
        out_shape=[
            jax.ShapeDtypeStruct((n, dh), F32),
            jax.ShapeDtypeStruct((n, 1), F32),
        ],
    )(xw, degp)


def _mid(accp, isd, w2):
    _, n, dh = accp.shape
    dout = w2.shape[1]

    def body(a_ref, isd_ref, w_ref, out_ref):
        isd_col = isd_ref[...]
        h = jnp.maximum((a_ref[0] + a_ref[1]) * isd_col, 0.0)
        out_ref[...] = jnp.dot(h, w_ref[...],
                               preferred_element_type=F32) * isd_col

    return pl.pallas_call(
        body,
        grid=(n // _BN,),
        in_specs=[
            pl.BlockSpec((2, _BN, dh), lambda i: (0, i, 0)),
            pl.BlockSpec((_BN, 1), lambda i: (i, 0)),
            pl.BlockSpec((dh, dout), lambda i: (0, 0)),
        ],
        out_specs=pl.BlockSpec((_BN, dout), lambda i: (i, 0)),
        out_shape=jax.ShapeDtypeStruct((n, dout), F32),
    )(accp, isd, w2)


def _post(p, isd):
    _, n, dout = p.shape

    def body(p_ref, isd_ref, out_ref):
        out_ref[...] = (p_ref[0] + p_ref[1]) * isd_ref[...]

    return pl.pallas_call(
        body,
        grid=(n // _BN,),
        in_specs=[
            pl.BlockSpec((2, _BN, dout), lambda i: (0, i, 0)),
            pl.BlockSpec((_BN, 1), lambda i: (i, 0)),
        ],
        out_specs=pl.BlockSpec((_BN, dout), lambda i: (i, 0)),
        out_shape=jax.ShapeDtypeStruct((n, dout), F32),
    )(p, isd)


def kernel(x, edge_index, W1, W2):
    n = x.shape[0]
    e = edge_index.shape[1]
    epw = e // _NW
    edges4 = edge_index.reshape(2, _NW, epw // _C, _C)
    xw = _xw(x, W1)
    degp = _deg_partials(edges4, n)
    xws, isd = _pre(xw, degp)
    accp = _spmm_partials(xws, edges4)
    hws = _mid(accp, isd, W2)
    p2 = _spmm_partials(hws, edges4)
    return _post(p2, isd)

# --- scband reference (transcript-rebuilt; emitter-appended) ---
"""Pipeline reference for scband-gcn-9345848836220 (READ-ONLY COPY).

The authoritative reference and input builder live on the scoring server;
editing this copy changes nothing except your own understanding.
"""

import jax
import jax.numpy as jnp
import numpy as np

N = 10000
E = 320000
D_IN = 128
D_H = 128
D_OUT = 64


def setup_inputs(seed: int = 0) -> dict:
    key = jax.random.key(seed)
    k1, k2, k3, k4 = jax.random.split(key, 4)
    x = jax.random.normal(k1, (N, D_IN), dtype=jnp.float32)
    edge_index = jax.random.randint(k2, (2, E), 0, N, dtype=jnp.int32)
    # Xavier-uniform init as in nn.init.xavier_uniform_
    s1 = float(np.sqrt(6.0 / (D_IN + D_H)))
    W1 = jax.random.uniform(k3, (D_IN, D_H), dtype=jnp.float32, minval=-s1, maxval=s1)
    s2 = float(np.sqrt(6.0 / (D_H + D_OUT)))
    W2 = jax.random.uniform(k4, (D_H, D_OUT), dtype=jnp.float32, minval=-s2, maxval=s2)
    return {"x": x, "edge_index": edge_index, "W1": W1, "W2": W2}


def _spmm_norm_adj(edge_index, feat):
    # adj = sparse_coo(edge_index, D^-1/2[u] * D^-1/2[v]); returns adj @ feat
    u = edge_index[0]
    v = edge_index[1]
    deg = jnp.zeros((N,), dtype=jnp.float32).at[u].add(1.0)  # bincount(u)
    inv_sqrt_d = jnp.where(deg > 0, deg ** -0.5, 0.0)
    ew = inv_sqrt_d[u] * inv_sqrt_d[v]
    gathered = feat[v] * ew[:, None]          # gather neighbor features
    return jax.ops.segment_sum(gathered, u, num_segments=N)  # scatter-add to rows


def reference(x, edge_index, W1, W2):
    # layer1: y = adj @ x @ W1 ; dropout (identity in eval) ; relu
    h = _spmm_norm_adj(edge_index, x)
    h = jax.nn.relu(h @ W1)
    # layer2: y = adj @ h @ W2 (no relu, no dropout)
    out = _spmm_norm_adj(edge_index, h)
    out = out @ W2
    return out

if __name__ == "__main__":
    import jax
    _d = setup_inputs()
    print(jax.jit(kernel)(*tuple(_d.values())))

</pallas_src>

<mosaic_0001>
#map = affine_map<(d0, d1) -> (0, 0)>
#map1 = affine_map<(d0, d1) -> (0, 0, 0, 0)>
#map2 = affine_map<(d0, d1) -> (0, 0, 0)>
module attributes {stable_mosaic.version = 14 : i64} {
  func.func @k(%arg0: i32, %arg1: i32, %arg2: memref<10000x64xf32, #tpu.memory_space<hbm>>, %arg3: memref<2x32x125x80xi32, #tpu.memory_space<hbm>>, %arg4: memref<2x10000x64xf32, #tpu.memory_space<hbm>>, %arg5: memref<10000x64xf32, #tpu.memory_space<vmem_shared>>, %arg6: memref<125x80xi32, #tpu.memory_space<vmem>>, %arg7: memref<125x80xi32, #tpu.memory_space<vmem>>, %arg8: memref<80x64xf32, #tpu.memory_space<vmem>>, %arg9: memref<80x64xf32, #tpu.memory_space<vmem>>, %arg10: memref<80x64xf32, #tpu.memory_space<vmem>>, %arg11: memref<80x64xf32, #tpu.memory_space<vmem>>, %arg12: memref<80x64xf32, #tpu.memory_space<vmem>>, %arg13: memref<80x64xf32, #tpu.memory_space<vmem>>, %arg14: memref<80x64xf32, #tpu.memory_space<vmem>>, %arg15: memref<80x64xf32, #tpu.memory_space<vmem>>, %arg16: memref<!tpu.dma_semaphore, #tpu.memory_space<semaphore_mem>>, %arg17: memref<!tpu.dma_semaphore, #tpu.memory_space<semaphore_mem>>, %arg18: memref<!tpu.dma_semaphore, #tpu.memory_space<semaphore_mem>>, %arg19: memref<!tpu.dma_semaphore, #tpu.memory_space<semaphore_mem>>, %arg20: memref<!tpu.dma_semaphore, #tpu.memory_space<semaphore_mem>>, %arg21: memref<!tpu.dma_semaphore, #tpu.memory_space<semaphore_mem>>, %arg22: memref<!tpu.dma_semaphore, #tpu.memory_space<semaphore_mem>>, %arg23: memref<!tpu.dma_semaphore, #tpu.memory_space<semaphore_mem>>, %arg24: memref<!tpu.dma_semaphore, #tpu.memory_space<semaphore_mem>>, %arg25: memref<!tpu.dma_semaphore, #tpu.memory_space<semaphore_mem>>, %arg26: memref<!tpu.dma_semaphore, #tpu.memory_space<semaphore_mem>>, %arg27: memref<!tpu.dma_semaphore, #tpu.memory_space<semaphore_mem>>, %arg28: memref<!tpu.dma_semaphore, #tpu.memory_space<semaphore_mem>>, %arg29: memref<!tpu.dma_semaphore, #tpu.memory_space<semaphore_mem>>, %arg30: memref<!tpu.dma_semaphore, #tpu.memory_space<semaphore_mem>>, %arg31: memref<!tpu.dma_semaphore, #tpu.memory_space<semaphore_mem>>, %arg32: memref<!tpu.dma_semaphore, #tpu.memory_space<semaphore_mem>>, %arg33: memref<!tpu.dma_semaphore, #tpu.memory_space<semaphore_mem>>) attributes {dimension_semantics = [#tpu.dimension_semantics<core_parallel>, #tpu.dimension_semantics<subcore_parallel>], iteration_bounds = array<i64: 2, 16>, scalar_prefetch = 0 : i64, scratch_operands = 29 : i64, tpu.core_type = #tpu.core_type<sc_vector_subcore>, window_params = [{transform_indices = #map}, {transform_indices = #map1}, {transform_indices = #map2}]} {
    %mul3A = arith.constant 16 : i32
    %mul3A_0 = arith.muli %arg0, %mul3A : i32
    %add3A = arith.addi %mul3A_0, %arg1 : i32
    %dma_start3A = arith.constant 1 : i32
    %dma_start3A_1 = arith.constant 0 : i32
    %dma_start3A_2 = arith.constant 0 : i32
    %dma_start3A_3 = tpu.memref_slice %arg3[%dma_start3A, %add3A, %dma_start3A_1, %dma_start3A_2] : memref<2x32x125x80xi32, #tpu.memory_space<hbm>> -> memref<1x1x125x80xi32, #tpu.memory_space<hbm>>
    %dma_start3A_4 = tpu.memref_squeeze %dma_start3A_3 : memref<1x1x125x80xi32, #tpu.memory_space<hbm>> -> memref<125x80xi32, #tpu.memory_space<hbm>>
    %dma_start3A_5 = arith.constant 0 : i32
    %dma_start3A_6 = arith.constant 0 : i32
    %dma_start3A_7 = tpu.memref_slice %arg3[%dma_start3A, %add3A, %dma_start3A_5, %dma_start3A_6] : memref<2x32x125x80xi32, #tpu.memory_space<hbm>> -> memref<1x1x125x80xi32, #tpu.memory_space<hbm>>
    %dma_start3A_8 = tpu.memref_squeeze %dma_start3A_7 : memref<1x1x125x80xi32, #tpu.memory_space<hbm>> -> memref<125x80xi32, #tpu.memory_space<hbm>>
    tpu.enqueue_dma source(%dma_start3A_8 : memref<125x80xi32, #tpu.memory_space<hbm>>) target(%arg6 : memref<125x80xi32, #tpu.memory_space<vmem>>) target_semaphore(%arg16 : memref<!tpu.dma_semaphore, #tpu.memory_space<semaphore_mem>>)
    %dma_start3A_9 = arith.constant 0 : i32
    %dma_start3A_10 = arith.constant 0 : i32
    %dma_start3A_11 = arith.constant 0 : i32
    %dma_start3A_12 = tpu.memref_slice %arg3[%dma_start3A_9, %add3A, %dma_start3A_10, %dma_start3A_11] : memref<2x32x125x80xi32, #tpu.memory_space<hbm>> -> memref<1x1x125x80xi32, #tpu.memory_space<hbm>>
    %dma_start3A_13 = tpu.memref_squeeze %dma_start3A_12 : memref<1x1x125x80xi32, #tpu.memory_space<hbm>> -> memref<125x80xi32, #tpu.memory_space<hbm>>
    %dma_start3A_14 = arith.constant 0 : i32
    %dma_start3A_15 = arith.constant 0 : i32
    %dma_start3A_16 = tpu.memref_slice %arg3[%dma_start3A_9, %add3A, %dma_start3A_14, %dma_start3A_15] : memref<2x32x125x80xi32, #tpu.memory_space<hbm>> -> memref<1x1x125x80xi32, #tpu.memory_space<hbm>>
    %dma_start3A_17 = tpu.memref_squeeze %dma_start3A_16 : memref<1x1x125x80xi32, #tpu.memory_space<hbm>> -> memref<125x80xi32, #tpu.memory_space<hbm>>
    tpu.enqueue_dma source(%dma_start3A_17 : memref<125x80xi32, #tpu.memory_space<hbm>>) target(%arg7 : memref<125x80xi32, #tpu.memory_space<vmem>>) target_semaphore(%arg16 : memref<!tpu.dma_semaphore, #tpu.memory_space<semaphore_mem>>)
    %scan3A = arith.constant 0 : i32
    %scan3A_18 = arith.constant 0 : i32
    %scan3A_19 = arith.constant 80 : i32
    %scan3A_20 = arith.addi %scan3A_18, %scan3A_19 : i32
    %scan3A_21 = arith.constant 1 : i32
    scf.for %scan3A_166 = %scan3A_18 to %scan3A_20 step %scan3A_21  : i32 {
      %broadcast_in_dim3A = arith.constant 0.000000e+00 : f32
      %broadcast_in_dim3A_167 = vector.broadcast %broadcast_in_dim3A : f32 to vector<16xf32>
      %swap3A = arith.index_cast %scan3A_166 : i32 to index
      %swap3A_168 = arith.constant 0 : index
      %swap3A_169 = tpu.vector_load %arg8[%swap3A, %swap3A_168] {strides = array<i32>} : memref<80x64xf32, #tpu.memory_space<vmem>>, vector<1x16xf32>,
      %swap3A_170 = vector.shape_cast %swap3A_169 : vector<1x16xf32> to vector<16xf32>
      %swap3A_171 = vector.shape_cast %broadcast_in_dim3A_167 : vector<16xf32> to vector<1x16xf32>
      tpu.vector_store %arg8[%swap3A, %swap3A_168], %swap3A_171 {strides = array<i32>} : memref<80x64xf32, #tpu.memory_space<vmem>>, vector<1x16xf32>,
      %broadcast_in_dim3A_172 = arith.constant 0.000000e+00 : f32
      %broadcast_in_dim3A_173 = vector.broadcast %broadcast_in_dim3A_172 : f32 to vector<16xf32>
      %swap3A_174 = arith.index_cast %scan3A_166 : i32 to index
      %swap3A_175 = arith.constant 16 : index
      %swap3A_176 = tpu.vector_load %arg8[%swap3A_174, %swap3A_175] {strides = array<i32>} : memref<80x64xf32, #tpu.memory_space<vmem>>, vector<1x16xf32>,
      %swap3A_177 = vector.shape_cast %swap3A_176 : vector<1x16xf32> to vector<16xf32>
      %swap3A_178 = vector.shape_cast %broadcast_in_dim3A_173 : vector<16xf32> to vector<1x16xf32>
      tpu.vector_store %arg8[%swap3A_174, %swap3A_175], %swap3A_178 {strides = array<i32>} : memref<80x64xf32, #tpu.memory_space<vmem>>, vector<1x16xf32>,
      %broadcast_in_dim3A_179 = arith.constant 0.000000e+00 : f32
      %broadcast_in_dim3A_180 = vector.broadcast %broadcast_in_dim3A_179 : f32 to vector<16xf32>
      %swap3A_181 = arith.index_cast %scan3A_166 : i32 to index
      %swap3A_182 = arith.constant 32 : index
      %swap3A_183 = tpu.vector_load %arg8[%swap3A_181, %swap3A_182] {strides = array<i32>} : memref<80x64xf32, #tpu.memory_space<vmem>>, vector<1x16xf32>,
      %swap3A_184 = vector.shape_cast %swap3A_183 : vector<1x16xf32> to vector<16xf32>
      %swap3A_185 = vector.shape_cast %broadcast_in_dim3A_180 : vector<16xf32> to vector<1x16xf32>
      tpu.vector_store %arg8[%swap3A_181, %swap3A_182], %swap3A_185 {strides = array<i32>} : memref<80x64xf32, #tpu.memory_space<vmem>>, vector<1x16xf32>,
      %broadcast_in_dim3A_186 = arith.constant 0.000000e+00 : f32
      %broadcast_in_dim3A_187 = vector.broadcast %broadcast_in_dim3A_186 : f32 to vector<16xf32>
      %swap3A_188 = arith.index_cast %scan3A_166 : i32 to index
      %swap3A_189 = arith.constant 48 : index
      %swap3A_190 = tpu.vector_load %arg8[%swap3A_188, %swap3A_189] {strides = array<i32>} : memref<80x64xf32, #tpu.memory_space<vmem>>, vector<1x16xf32>,
      %swap3A_191 = vector.shape_cast %swap3A_190 : vector<1x16xf32> to vector<16xf32>
      %swap3A_192 = vector.shape_cast %broadcast_in_dim3A_187 : vector<16xf32> to vector<1x16xf32>
      tpu.vector_store %arg8[%swap3A_188, %swap3A_189], %swap3A_192 {strides = array<i32>} : memref<80x64xf32, #tpu.memory_space<vmem>>, vector<1x16xf32>,
    }
    %scan3A_22 = arith.constant 80 : i32
    %scan3A_23 = arith.constant 0 : i32
    %scan3A_24 = arith.constant 0 : i32
    %scan3A_25 = arith.constant 8 : i32
    %scan3A_26 = arith.addi %scan3A_24, %scan3A_25 : i32
    %scan3A_27 = arith.constant 1 : i32
    scf.for %scan3A_166 = %scan3A_24 to %scan3A_26 step %scan3A_27  : i32 {
      %mul3A_167 = arith.constant 16 : i32
      %mul3A_168 = arith.muli %scan3A_166, %mul3A_167 : i32
      %add3A_169 = arith.addi %arg1, %mul3A_168 : i32
      %lt3A = arith.constant 125 : i32
      %lt3A_170 = arith.cmpi slt, %add3A_169, %lt3A : i32
      %convert_element_type3A = arith.extui %lt3A_170 : i1 to i32
      %cond3A = arith.constant 0 : i32
      %cond3A_171 = arith.cmpi ne, %convert_element_type3A, %cond3A : i32
      scf.if %cond3A_171 {
        %mul3A_172 = arith.constant 80 : i32
        %mul3A_173 = arith.muli %add3A_169, %mul3A_172 : i32
        %dma_start3A_174 = arith.constant 0 : i32
        %dma_start3A_175 = tpu.memref_slice %arg5[%mul3A_173, %dma_start3A_174] : memref<10000x64xf32, #tpu.memory_space<vmem_shared>> -> memref<80x64xf32, #tpu.memory_space<vmem_shared>>
        %dma_start3A_176 = arith.constant 0 : i32
        %dma_start3A_177 = tpu.memref_slice %arg5[%mul3A_173, %dma_start3A_176] : memref<10000x64xf32, #tpu.memory_space<vmem_shared>> -> memref<80x64xf32, #tpu.memory_space<vmem_shared>>
        tpu.enqueue_dma source(%arg8 : memref<80x64xf32, #tpu.memory_space<vmem>>) target(%dma_start3A_177 : memref<80x64xf32, #tpu.memory_space<vmem_shared>>) target_semaphore(%arg33 : memref<!tpu.dma_semaphore, #tpu.memory_space<semaphore_mem>>)
      } else {
      }
    }
    %scan3A_28 = arith.constant 8 : i32
    %scan3A_29 = arith.constant 0 : i32
    %scan3A_30 = arith.constant 0 : i32
    %scan3A_31 = arith.constant 8 : i32
    %scan3A_32 = arith.addi %scan3A_30, %scan3A_31 : i32
    %scan3A_33 = arith.constant 1 : i32
    scf.for %scan3A_166 = %scan3A_30 to %scan3A_32 step %scan3A_33  : i32 {
      %mul3A_167 = arith.constant 16 : i32
      %mul3A_168 = arith.muli %scan3A_166, %mul3A_167 : i32
      %add3A_169 = arith.addi %arg1, %mul3A_168 : i32
      %lt3A = arith.constant 125 : i32
      %lt3A_170 = arith.cmpi slt, %add3A_169, %lt3A : i32
      %convert_element_type3A = arith.extui %lt3A_170 : i1 to i32
      %cond3A = arith.constant 0 : i32
      %cond3A_171 = arith.cmpi ne, %convert_element_type3A, %cond3A : i32
      scf.if %cond3A_171 {
        %mul3A_172 = arith.constant 80 : i32
        %mul3A_173 = arith.muli %add3A_169, %mul3A_172 : i32
        %dma_wait3A_174 = arith.constant 0 : i32
        %dma_wait3A_175 = tpu.memref_slice %arg5[%mul3A_173, %dma_wait3A_174] : memref<10000x64xf32, #tpu.memory_space<vmem_shared>> -> memref<80x64xf32, #tpu.memory_space<vmem_shared>>
        %dma_wait3A_176 = arith.constant 0 : i32
        %dma_wait3A_177 = tpu.memref_slice %arg5[%mul3A_173, %dma_wait3A_176] : memref<10000x64xf32, #tpu.memory_space<vmem_shared>> -> memref<80x64xf32, #tpu.memory_space<vmem_shared>>
        tpu.wait_dma2 semaphore(%arg33 : memref<!tpu.dma_semaphore, #tpu.memory_space<semaphore_mem>>) src(%arg8 : memref<80x64xf32, #tpu.memory_space<vmem>>) dst(%dma_wait3A_177 : memref<80x64xf32, #tpu.memory_space<vmem_shared>>)
      } else {
      }
    }
    %scan3A_34 = arith.constant 8 : i32
    %dma_wait3A = arith.constant 1 : i32
    %dma_wait3A_35 = arith.constant 0 : i32
    %dma_wait3A_36 = arith.constant 0 : i32
    %dma_wait3A_37 = tpu.memref_slice %arg3[%dma_wait3A, %add3A, %dma_wait3A_35, %dma_wait3A_36] : memref<2x32x125x80xi32, #tpu.memory_space<hbm>> -> memref<1x1x125x80xi32, #tpu.memory_space<hbm>>
    %dma_wait3A_38 = tpu.memref_squeeze %dma_wait3A_37 : memref<1x1x125x80xi32, #tpu.memory_space<hbm>> -> memref<125x80xi32, #tpu.memory_space<hbm>>
    %dma_wait3A_39 = arith.constant 0 : i32
    %dma_wait3A_40 = arith.constant 0 : i32
    %dma_wait3A_41 = tpu.memref_slice %arg3[%dma_wait3A, %add3A, %dma_wait3A_39, %dma_wait3A_40] : memref<2x32x125x80xi32, #tpu.memory_space<hbm>> -> memref<1x1x125x80xi32, #tpu.memory_space<hbm>>
    %dma_wait3A_42 = tpu.memref_squeeze %dma_wait3A_41 : memref<1x1x125x80xi32, #tpu.memory_space<hbm>> -> memref<125x80xi32, #tpu.memory_space<hbm>>
    tpu.wait_dma2 semaphore(%arg16 : memref<!tpu.dma_semaphore, #tpu.memory_space<semaphore_mem>>) src(%dma_wait3A_42 : memref<125x80xi32, #tpu.memory_space<hbm>>) dst(%arg6 : memref<125x80xi32, #tpu.memory_space<vmem>>)
    %dma_wait3A_43 = arith.constant 0 : i32
    %dma_wait3A_44 = arith.constant 0 : i32
    %dma_wait3A_45 = arith.constant 0 : i32
    %dma_wait3A_46 = tpu.memref_slice %arg3[%dma_wait3A_43, %add3A, %dma_wait3A_44, %dma_wait3A_45] : memref<2x32x125x80xi32, #tpu.memory_space<hbm>> -> memref<1x1x125x80xi32, #tpu.memory_space<hbm>>
    %dma_wait3A_47 = tpu.memref_squeeze %dma_wait3A_46 : memref<1x1x125x80xi32, #tpu.memory_space<hbm>> -> memref<125x80xi32, #tpu.memory_space<hbm>>
    %dma_wait3A_48 = arith.constant 0 : i32
    %dma_wait3A_49 = arith.constant 0 : i32
    %dma_wait3A_50 = tpu.memref_slice %arg3[%dma_wait3A_43, %add3A, %dma_wait3A_48, %dma_wait3A_49] : memref<2x32x125x80xi32, #tpu.memory_space<hbm>> -> memref<1x1x125x80xi32, #tpu.memory_space<hbm>>
    %dma_wait3A_51 = tpu.memref_squeeze %dma_wait3A_50 : memref<1x1x125x80xi32, #tpu.memory_space<hbm>> -> memref<125x80xi32, #tpu.memory_space<hbm>>
    tpu.wait_dma2 semaphore(%arg16 : memref<!tpu.dma_semaphore, #tpu.memory_space<semaphore_mem>>) src(%dma_wait3A_51 : memref<125x80xi32, #tpu.memory_space<hbm>>) dst(%arg7 : memref<125x80xi32, #tpu.memory_space<vmem>>)
    %dma_start3A_52 = arith.constant 0 : i32
    %dma_start3A_53 = arith.constant 0 : i32
    %dma_start3A_54 = tpu.memref_slice %arg6[%dma_start3A_52, %dma_start3A_53] : memref<125x80xi32, #tpu.memory_space<vmem>> -> memref<1x80xi32, #tpu.memory_space<vmem>>
    %dma_start3A_55 = tpu.memref_squeeze %dma_start3A_54 : memref<1x80xi32, #tpu.memory_space<vmem>> -> memref<80xi32, #tpu.memory_space<vmem>>
    %dma_start3A_56 = arith.constant 0 : i32
    %dma_start3A_57 = arith.constant 0 : i32
    %dma_start3A_58 = tpu.memref_slice %arg2[%dma_start3A_56, %dma_start3A_57] : memref<10000x64xf32, #tpu.memory_space<hbm>> -> memref<10000x64xf32, #tpu.memory_space<hbm>>
    tpu.enqueue_indirect_dma source(%dma_start3A_58 : memref<10000x64xf32, #tpu.memory_space<hbm>>) target(%arg8 : memref<80x64xf32, #tpu.memory_space<vmem>>) offsets(%dma_start3A_55 : memref<80xi32, #tpu.memory_space<vmem>>) semaphore(%arg17 : memref<!tpu.dma_semaphore, #tpu.memory_space<semaphore_mem>>)
    %dma_start3A_59 = arith.constant 1 : i32
    %dma_start3A_60 = arith.constant 0 : i32
    %dma_start3A_61 = tpu.memref_slice %arg6[%dma_start3A_59, %dma_start3A_60] : memref<125x80xi32, #tpu.memory_space<vmem>> -> memref<1x80xi32, #tpu.memory_space<vmem>>
    %dma_start3A_62 = tpu.memref_squeeze %dma_start3A_61 : memref<1x80xi32, #tpu.memory_space<vmem>> -> memref<80xi32, #tpu.memory_space<vmem>>
    %dma_start3A_63 = arith.constant 0 : i32
    %dma_start3A_64 = arith.constant 0 : i32
    %dma_start3A_65 = tpu.memref_slice %arg2[%dma_start3A_63, %dma_start3A_64] : memref<10000x64xf32, #tpu.memory_space<hbm>> -> memref<10000x64xf32, #tpu.memory_space<hbm>>
    tpu.enqueue_indirect_dma source(%dma_start3A_65 : memref<10000x64xf32, #tpu.memory_space<hbm>>) target(%arg9 : memref<80x64xf32, #tpu.memory_space<vmem>>) offsets(%dma_start3A_62 : memref<80xi32, #tpu.memory_space<vmem>>) semaphore(%arg18 : memref<!tpu.dma_semaphore, #tpu.memory_space<semaphore_mem>>)
    %dma_start3A_66 = arith.constant 2 : i32
    %dma_start3A_67 = arith.constant 0 : i32
    %dma_start3A_68 = tpu.memref_slice %arg6[%dma_start3A_66, %dma_start3A_67] : memref<125x80xi32, #tpu.memory_space<vmem>> -> memref<1x80xi32, #tpu.memory_space<vmem>>
    %dma_start3A_69 = tpu.memref_squeeze %dma_start3A_68 : memref<1x80xi32, #tpu.memory_space<vmem>> -> memref<80xi32, #tpu.memory_space<vmem>>
    %dma_start3A_70 = arith.constant 0 : i32
    %dma_start3A_71 = arith.constant 0 : i32
    %dma_start3A_72 = tpu.memref_slice %arg2[%dma_start3A_70, %dma_start3A_71] : memref<10000x64xf32, #tpu.memory_space<hbm>> -> memref<10000x64xf32, #tpu.memory_space<hbm>>
    tpu.enqueue_indirect_dma source(%dma_start3A_72 : memref<10000x64xf32, #tpu.memory_space<hbm>>) target(%arg10 : memref<80x64xf32, #tpu.memory_space<vmem>>) offsets(%dma_start3A_69 : memref<80xi32, #tpu.memory_space<vmem>>) semaphore(%arg19 : memref<!tpu.dma_semaphore, #tpu.memory_space<semaphore_mem>>)
    %dma_start3A_73 = arith.constant 3 : i32
    %dma_start3A_74 = arith.constant 0 : i32
    %dma_start3A_75 = tpu.memref_slice %arg6[%dma_start3A_73, %dma_start3A_74] : memref<125x80xi32, #tpu.memory_space<vmem>> -> memref<1x80xi32, #tpu.memory_space<vmem>>
    %dma_start3A_76 = tpu.memref_squeeze %dma_start3A_75 : memref<1x80xi32, #tpu.memory_space<vmem>> -> memref<80xi32, #tpu.memory_space<vmem>>
    %dma_start3A_77 = arith.constant 0 : i32
    %dma_start3A_78 = arith.constant 0 : i32
    %dma_start3A_79 = tpu.memref_slice %arg2[%dma_start3A_77, %dma_start3A_78] : memref<10000x64xf32, #tpu.memory_space<hbm>> -> memref<10000x64xf32, #tpu.memory_space<hbm>>
    tpu.enqueue_indirect_dma source(%dma_start3A_79 : memref<10000x64xf32, #tpu.memory_space<hbm>>) target(%arg11 : memref<80x64xf32, #tpu.memory_space<vmem>>) offsets(%dma_start3A_76 : memref<80xi32, #tpu.memory_space<vmem>>) semaphore(%arg20 : memref<!tpu.dma_semaphore, #tpu.memory_space<semaphore_mem>>)
    %dma_start3A_80 = arith.constant 4 : i32
    %dma_start3A_81 = arith.constant 0 : i32
    %dma_start3A_82 = tpu.memref_slice %arg6[%dma_start3A_80, %dma_start3A_81] : memref<125x80xi32, #tpu.memory_space<vmem>> -> memref<1x80xi32, #tpu.memory_space<vmem>>
    %dma_start3A_83 = tpu.memref_squeeze %dma_start3A_82 : memref<1x80xi32, #tpu.memory_space<vmem>> -> memref<80xi32, #tpu.memory_space<vmem>>
    %dma_start3A_84 = arith.constant 0 : i32
    %dma_start3A_85 = arith.constant 0 : i32
    %dma_start3A_86 = tpu.memref_slice %arg2[%dma_start3A_84, %dma_start3A_85] : memref<10000x64xf32, #tpu.memory_space<hbm>> -> memref<10000x64xf32, #tpu.memory_space<hbm>>
    tpu.enqueue_indirect_dma source(%dma_start3A_86 : memref<10000x64xf32, #tpu.memory_space<hbm>>) target(%arg12 : memref<80x64xf32, #tpu.memory_space<vmem>>) offsets(%dma_start3A_83 : memref<80xi32, #tpu.memory_space<vmem>>) semaphore(%arg21 : memref<!tpu.dma_semaphore, #tpu.memory_space<semaphore_mem>>)
    %dma_start3A_87 = arith.constant 5 : i32
    %dma_start3A_88 = arith.constant 0 : i32
    %dma_start3A_89 = tpu.memref_slice %arg6[%dma_start3A_87, %dma_start3A_88] : memref<125x80xi32, #tpu.memory_space<vmem>> -> memref<1x80xi32, #tpu.memory_space<vmem>>
    %dma_start3A_90 = tpu.memref_squeeze %dma_start3A_89 : memref<1x80xi32, #tpu.memory_space<vmem>> -> memref<80xi32, #tpu.memory_space<vmem>>
    %dma_start3A_91 = arith.constant 0 : i32
    %dma_start3A_92 = arith.constant 0 : i32
    %dma_start3A_93 = tpu.memref_slice %arg2[%dma_start3A_91, %dma_start3A_92] : memref<10000x64xf32, #tpu.memory_space<hbm>> -> memref<10000x64xf32, #tpu.memory_space<hbm>>
    tpu.enqueue_indirect_dma source(%dma_start3A_93 : memref<10000x64xf32, #tpu.memory_space<hbm>>) target(%arg13 : memref<80x64xf32, #tpu.memory_space<vmem>>) offsets(%dma_start3A_90 : memref<80xi32, #tpu.memory_space<vmem>>) semaphore(%arg22 : memref<!tpu.dma_semaphore, #tpu.memory_space<semaphore_mem>>)
    %dma_start3A_94 = arith.constant 6 : i32
    %dma_start3A_95 = arith.constant 0 : i32
    %dma_start3A_96 = tpu.memref_slice %arg6[%dma_start3A_94, %dma_start3A_95] : memref<125x80xi32, #tpu.memory_space<vmem>> -> memref<1x80xi32, #tpu.memory_space<vmem>>
    %dma_start3A_97 = tpu.memref_squeeze %dma_start3A_96 : memref<1x80xi32, #tpu.memory_space<vmem>> -> memref<80xi32, #tpu.memory_space<vmem>>
    %dma_start3A_98 = arith.constant 0 : i32
    %dma_start3A_99 = arith.constant 0 : i32
    %dma_start3A_100 = tpu.memref_slice %arg2[%dma_start3A_98, %dma_start3A_99] : memref<10000x64xf32, #tpu.memory_space<hbm>> -> memref<10000x64xf32, #tpu.memory_space<hbm>>
    tpu.enqueue_indirect_dma source(%dma_start3A_100 : memref<10000x64xf32, #tpu.memory_space<hbm>>) target(%arg14 : memref<80x64xf32, #tpu.memory_space<vmem>>) offsets(%dma_start3A_97 : memref<80xi32, #tpu.memory_space<vmem>>) semaphore(%arg23 : memref<!tpu.dma_semaphore, #tpu.memory_space<semaphore_mem>>)
    %dma_start3A_101 = arith.constant 7 : i32
    %dma_start3A_102 = arith.constant 0 : i32
    %dma_start3A_103 = tpu.memref_slice %arg6[%dma_start3A_101, %dma_start3A_102] : memref<125x80xi32, #tpu.memory_space<vmem>> -> memref<1x80xi32, #tpu.memory_space<vmem>>
    %dma_start3A_104 = tpu.memref_squeeze %dma_start3A_103 : memref<1x80xi32, #tpu.memory_space<vmem>> -> memref<80xi32, #tpu.memory_space<vmem>>
    %dma_start3A_105 = arith.constant 0 : i32
    %dma_start3A_106 = arith.constant 0 : i32
    %dma_start3A_107 = tpu.memref_slice %arg2[%dma_start3A_105, %dma_start3A_106] : memref<10000x64xf32, #tpu.memory_space<hbm>> -> memref<10000x64xf32, #tpu.memory_space<hbm>>
    tpu.enqueue_indirect_dma source(%dma_start3A_107 : memref<10000x64xf32, #tpu.memory_space<hbm>>) target(%arg15 : memref<80x64xf32, #tpu.memory_space<vmem>>) offsets(%dma_start3A_104 : memref<80xi32, #tpu.memory_space<vmem>>) semaphore(%arg24 : memref<!tpu.dma_semaphore, #tpu.memory_space<semaphore_mem>>)
    %barrier3A = arith.constant 0 : index
    tpu.barrier barrier_id(%barrier3A)
    %scan3A_108 = arith.constant 0 : i32
    %scan3A_109 = arith.constant 0 : i32
    %scan3A_110 = arith.constant 15 : i32
    %scan3A_111 = arith.addi %scan3A_109, %scan3A_110 : i32
    %scan3A_112 = arith.constant 1 : i32
    scf.for %scan3A_166 = %scan3A_109 to %scan3A_111 step %scan3A_112  : i32 {
      %mul3A_167 = arith.constant 8 : i32
      %mul3A_168 = arith.muli %mul3A_167, %scan3A_166 : i32
      %add3A_169 = arith.constant 0 : i32
      %add3A_170 = arith.addi %mul3A_168, %add3A_169 : i32
      %dma_wait3A_171 = arith.constant 0 : i32
      %dma_wait3A_172 = tpu.memref_slice %arg6[%add3A_170, %dma_wait3A_171] : memref<125x80xi32, #tpu.memory_space<vmem>> -> memref<1x80xi32, #tpu.memory_space<vmem>>
      %dma_wait3A_173 = tpu.memref_squeeze %dma_wait3A_172 : memref<1x80xi32, #tpu.memory_space<vmem>> -> memref<80xi32, #tpu.memory_space<vmem>>
      %dma_wait3A_174 = arith.constant 0 : i32
      %dma_wait3A_175 = arith.constant 0 : i32
      %dma_wait3A_176 = tpu.memref_slice %arg2[%dma_wait3A_174, %dma_wait3A_175] : memref<10000x64xf32, #tpu.memory_space<hbm>> -> memref<10000x64xf32, #tpu.memory_space<hbm>>
      tpu.wait_indirect_dma semaphore(%arg17 : memref<!tpu.dma_semaphore, #tpu.memory_space<semaphore_mem>>) src(%dma_wait3A_176 : memref<10000x64xf32, #tpu.memory_space<hbm>>) dst(%arg8 : memref<80x64xf32, #tpu.memory_space<vmem>>)
      %dma_start3A_177 = arith.constant 0 : i32
      %dma_start3A_178 = tpu.memref_slice %arg7[%add3A_170, %dma_start3A_177] : memref<125x80xi32, #tpu.memory_space<vmem>> -> memref<1x80xi32, #tpu.memory_space<vmem>>
      %dma_start3A_179 = tpu.memref_squeeze %dma_start3A_178 : memref<1x80xi32, #tpu.memory_space<vmem>> -> memref<80xi32, #tpu.memory_space<vmem>>
      %dma_start3A_180 = arith.constant 0 : i32
      %dma_start3A_181 = arith.constant 0 : i32
      %dma_start3A_182 = tpu.memref_slice %arg5[%dma_start3A_180, %dma_start3A_181] : memref<10000x64xf32, #tpu.memory_space<vmem_shared>> -> memref<10000x64xf32, #tpu.memory_space<vmem_shared>>
      tpu.enqueue_indirect_dma source(%arg8 : memref<80x64xf32, #tpu.memory_space<vmem>>) target(%dma_start3A_182 : memref<10000x64xf32, #tpu.memory_space<vmem_shared>>) offsets(%dma_start3A_179 : memref<80xi32, #tpu.memory_space<vmem>>) semaphore(%arg25 : memref<!tpu.dma_semaphore, #tpu.memory_space<semaphore_mem>>) {add = true}
      %dma_wait3A_183 = arith.constant 0 : i32
      %dma_wait3A_184 = tpu.memref_slice %arg7[%add3A_170, %dma_wait3A_183] : memref<125x80xi32, #tpu.memory_space<vmem>> -> memref<1x80xi32, #tpu.memory_space<vmem>>
      %dma_wait3A_185 = tpu.memref_squeeze %dma_wait3A_184 : memref<1x80xi32, #tpu.memory_space<vmem>> -> memref<80xi32, #tpu.memory_space<vmem>>
      %dma_wait3A_186 = arith.constant 0 : i32
      %dma_wait3A_187 = arith.constant 0 : i32
      %dma_wait3A_188 = tpu.memref_slice %arg5[%dma_wait3A_186, %dma_wait3A_187] : memref<10000x64xf32, #tpu.memory_space<vmem_shared>> -> memref<10000x64xf32, #tpu.memory_space<vmem_shared>>
      tpu.wait_indirect_dma semaphore(%arg25 : memref<!tpu.dma_semaphore, #tpu.memory_space<semaphore_mem>>) src(%arg8 : memref<80x64xf32, #tpu.memory_space<vmem>>) dst(%dma_wait3A_188 : memref<10000x64xf32, #tpu.memory_space<vmem_shared>>)
      %add3A_189 = arith.constant 8 : i32
      %add3A_190 = arith.addi %add3A_170, %add3A_189 : i32
      %lt3A = arith.constant 125 : i32
      %lt3A_191 = arith.cmpi slt, %add3A_190, %lt3A : i32
      %convert_element_type3A = arith.extui %lt3A_191 : i1 to i32
      %cond3A = arith.constant 0 : i32
      %cond3A_192 = arith.cmpi ne, %convert_element_type3A, %cond3A : i32
      scf.if %cond3A_192 {
        %add3A_396 = arith.constant 8 : i32
        %add3A_397 = arith.addi %add3A_170, %add3A_396 : i32
        %dma_start3A_398 = arith.constant 0 : i32
        %dma_start3A_399 = tpu.memref_slice %arg6[%add3A_397, %dma_start3A_398] : memref<125x80xi32, #tpu.memory_space<vmem>> -> memref<1x80xi32, #tpu.memory_space<vmem>>
        %dma_start3A_400 = tpu.memref_squeeze %dma_start3A_399 : memref<1x80xi32, #tpu.memory_space<vmem>> -> memref<80xi32, #tpu.memory_space<vmem>>
        %dma_start3A_401 = arith.constant 0 : i32
        %dma_start3A_402 = arith.constant 0 : i32
        %dma_start3A_403 = tpu.memref_slice %arg2[%dma_start3A_401, %dma_start3A_402] : memref<10000x64xf32, #tpu.memory_space<hbm>> -> memref<10000x64xf32, #tpu.memory_space<hbm>>
        tpu.enqueue_indirect_dma source(%dma_start3A_403 : memref<10000x64xf32, #tpu.memory_space<hbm>>) target(%arg8 : memref<80x64xf32, #tpu.memory_space<vmem>>) offsets(%dma_start3A_400 : memref<80xi32, #tpu.memory_space<vmem>>) semaphore(%arg17 : memref<!tpu.dma_semaphore, #tpu.memory_space<semaphore_mem>>)
      } else {
      }
      %mul3A_193 = arith.constant 8 : i32
      %mul3A_194 = arith.muli %mul3A_193, %scan3A_166 : i32
      %add3A_195 = arith.constant 1 : i32
      %add3A_196 = arith.addi %mul3A_194, %add3A_195 : i32
      %dma_wait3A_197 = arith.constant 0 : i32
      %dma_wait3A_198 = tpu.memref_slice %arg6[%add3A_196, %dma_wait3A_197] : memref<125x80xi32, #tpu.memory_space<vmem>> -> memref<1x80xi32, #tpu.memory_space<vmem>>
      %dma_wait3A_199 = tpu.memref_squeeze %dma_wait3A_198 : memref<1x80xi32, #tpu.memory_space<vmem>> -> memref<80xi32, #tpu.memory_space<vmem>>
      %dma_wait3A_200 = arith.constant 0 : i32
      %dma_wait3A_201 = arith.constant 0 : i32
      %dma_wait3A_202 = tpu.memref_slice %arg2[%dma_wait3A_200, %dma_wait3A_201] : memref<10000x64xf32, #tpu.memory_space<hbm>> -> memref<10000x64xf32, #tpu.memory_space<hbm>>
      tpu.wait_indirect_dma semaphore(%arg18 : memref<!tpu.dma_semaphore, #tpu.memory_space<semaphore_mem>>) src(%dma_wait3A_202 : memref<10000x64xf32, #tpu.memory_space<hbm>>) dst(%arg9 : memref<80x64xf32, #tpu.memory_space<vmem>>)
      %dma_start3A_203 = arith.constant 0 : i32
      %dma_start3A_204 = tpu.memref_slice %arg7[%add3A_196, %dma_start3A_203] : memref<125x80xi32, #tpu.memory_space<vmem>> -> memref<1x80xi32, #tpu.memory_space<vmem>>
      %dma_start3A_205 = tpu.memref_squeeze %dma_start3A_204 : memref<1x80xi32, #tpu.memory_space<vmem>> -> memref<80xi32, #tpu.memory_space<vmem>>
      %dma_start3A_206 = arith.constant 0 : i32
      %dma_start3A_207 = arith.constant 0 : i32
      %dma_start3A_208 = tpu.memref_slice %arg5[%dma_start3A_206, %dma_start3A_207] : memref<10000x64xf32, #tpu.memory_space<vmem_shared>> -> memref<10000x64xf32, #tpu.memory_space<vmem_shared>>
      tpu.enqueue_indirect_dma source(%arg9 : memref<80x64xf32, #tpu.memory_space<vmem>>) target(%dma_start3A_208 : memref<10000x64xf32, #tpu.memory_space<vmem_shared>>) offsets(%dma_start3A_205 : memref<80xi32, #tpu.memory_space<vmem>>) semaphore(%arg26 : memref<!tpu.dma_semaphore, #tpu.memory_space<semaphore_mem>>) {add = true}
      %dma_wait3A_209 = arith.constant 0 : i32
      %dma_wait3A_210 = tpu.memref_slice %arg7[%add3A_196, %dma_wait3A_209] : memref<125x80xi32, #tpu.memory_space<vmem>> -> memref<1x80xi32, #tpu.memory_space<vmem>>
      %dma_wait3A_211 = tpu.memref_squeeze %dma_wait3A_210 : memref<1x80xi32, #tpu.memory_space<vmem>> -> memref<80xi32, #tpu.memory_space<vmem>>
      %dma_wait3A_212 = arith.constant 0 : i32
      %dma_wait3A_213 = arith.constant 0 : i32
      %dma_wait3A_214 = tpu.memref_slice %arg5[%dma_wait3A_212, %dma_wait3A_213] : memref<10000x64xf32, #tpu.memory_space<vmem_shared>> -> memref<10000x64xf32, #tpu.memory_space<vmem_shared>>
      tpu.wait_indirect_dma semaphore(%arg26 : memref<!tpu.dma_semaphore, #tpu.memory_space<semaphore_mem>>) src(%arg9 : memref<80x64xf32, #tpu.memory_space<vmem>>) dst(%dma_wait3A_214 : memref<10000x64xf32, #tpu.memory_space<vmem_shared>>)
      %add3A_215 = arith.constant 8 : i32
      %add3A_216 = arith.addi %add3A_196, %add3A_215 : i32
      %lt3A_217 = arith.constant 125 : i32
      %lt3A_218 = arith.cmpi slt, %add3A_216, %lt3A_217 : i32
      %convert_element_type3A_219 = arith.extui %lt3A_218 : i1 to i32
      %cond3A_220 = arith.constant 0 : i32
      %cond3A_221 = arith.cmpi ne, %convert_element_type3A_219, %cond3A_220 : i32
      scf.if %cond3A_221 {
        %add3A_396 = arith.constant 8 : i32
        %add3A_397 = arith.addi %add3A_196, %add3A_396 : i32
        %dma_start3A_398 = arith.constant 0 : i32
        %dma_start3A_399 = tpu.memref_slice %arg6[%add3A_397, %dma_start3A_398] : memref<125x80xi32, #tpu.memory_space<vmem>> -> memref<1x80xi32, #tpu.memory_space<vmem>>
        %dma_start3A_400 = tpu.memref_squeeze %dma_start3A_399 : memref<1x80xi32, #tpu.memory_space<vmem>> -> memref<80xi32, #tpu.memory_space<vmem>>
        %dma_start3A_401 = arith.constant 0 : i32
        %dma_start3A_402 = arith.constant 0 : i32
        %dma_start3A_403 = tpu.memref_slice %arg2[%dma_start3A_401, %dma_start3A_402] : memref<10000x64xf32, #tpu.memory_space<hbm>> -> memref<10000x64xf32, #tpu.memory_space<hbm>>
        tpu.enqueue_indirect_dma source(%dma_start3A_403 : memref<10000x64xf32, #tpu.memory_space<hbm>>) target(%arg9 : memref<80x64xf32, #tpu.memory_space<vmem>>) offsets(%dma_start3A_400 : memref<80xi32, #tpu.memory_space<vmem>>) semaphore(%arg18 : memref<!tpu.dma_semaphore, #tpu.memory_space<semaphore_mem>>)
      } else {
      }
      %mul3A_222 = arith.constant 8 : i32
      %mul3A_223 = arith.muli %mul3A_222, %scan3A_166 : i32
      %add3A_224 = arith.constant 2 : i32
      %add3A_225 = arith.addi %mul3A_223, %add3A_224 : i32
      %dma_wait3A_226 = arith.constant 0 : i32
      %dma_wait3A_227 = tpu.memref_slice %arg6[%add3A_225, %dma_wait3A_226] : memref<125x80xi32, #tpu.memory_space<vmem>> -> memref<1x80xi32, #tpu.memory_space<vmem>>
      %dma_wait3A_228 = tpu.memref_squeeze %dma_wait3A_227 : memref<1x80xi32, #tpu.memory_space<vmem>> -> memref<80xi32, #tpu.memory_space<vmem>>
      %dma_wait3A_229 = arith.constant 0 : i32
      %dma_wait3A_230 = arith.constant 0 : i32
      %dma_wait3A_231 = tpu.memref_slice %arg2[%dma_wait3A_229, %dma_wait3A_230] : memref<10000x64xf32, #tpu.memory_space<hbm>> -> memref<10000x64xf32, #tpu.memory_space<hbm>>
      tpu.wait_indirect_dma semaphore(%arg19 : memref<!tpu.dma_semaphore, #tpu.memory_space<semaphore_mem>>) src(%dma_wait3A_231 : memref<10000x64xf32, #tpu.memory_space<hbm>>) dst(%arg10 : memref<80x64xf32, #tpu.memory_space<vmem>>)
      %dma_start3A_232 = arith.constant 0 : i32
      %dma_start3A_233 = tpu.memref_slice %arg7[%add3A_225, %dma_start3A_232] : memref<125x80xi32, #tpu.memory_space<vmem>> -> memref<1x80xi32, #tpu.memory_space<vmem>>
      %dma_start3A_234 = tpu.memref_squeeze %dma_start3A_233 : memref<1x80xi32, #tpu.memory_space<vmem>> -> memref<80xi32, #tpu.memory_space<vmem>>
      %dma_start3A_235 = arith.constant 0 : i32
      %dma_start3A_236 = arith.constant 0 : i32
      %dma_start3A_237 = tpu.memref_slice %arg5[%dma_start3A_235, %dma_start3A_236] : memref<10000x64xf32, #tpu.memory_space<vmem_shared>> -> memref<10000x64xf32, #tpu.memory_space<vmem_shared>>
      tpu.enqueue_indirect_dma source(%arg10 : memref<80x64xf32, #tpu.memory_space<vmem>>) target(%dma_start3A_237 : memref<10000x64xf32, #tpu.memory_space<vmem_shared>>) offsets(%dma_start3A_234 : memref<80xi32, #tpu.memory_space<vmem>>) semaphore(%arg27 : memref<!tpu.dma_semaphore, #tpu.memory_space<semaphore_mem>>) {add = true}
      %dma_wait3A_238 = arith.constant 0 : i32
      %dma_wait3A_239 = tpu.memref_slice %arg7[%add3A_225, %dma_wait3A_238] : memref<125x80xi32, #tpu.memory_space<vmem>> -> memref<1x80xi32, #tpu.memory_space<vmem>>
      %dma_wait3A_240 = tpu.memref_squeeze %dma_wait3A_239 : memref<1x80xi32, #tpu.memory_space<vmem>> -> memref<80xi32, #tpu.memory_space<vmem>>
      %dma_wait3A_241 = arith.constant 0 : i32
      %dma_wait3A_242 = arith.constant 0 : i32
      %dma_wait3A_243 = tpu.memref_slice %arg5[%dma_wait3A_241, %dma_wait3A_242] : memref<10000x64xf32, #tpu.memory_space<vmem_shared>> -> memref<10000x64xf32, #tpu.memory_space<vmem_shared>>
      tpu.wait_indirect_dma semaphore(%arg27 : memref<!tpu.dma_semaphore, #tpu.memory_space<semaphore_mem>>) src(%arg10 : memref<80x64xf32, #tpu.memory_space<vmem>>) dst(%dma_wait3A_243 : memref<10000x64xf32, #tpu.memory_space<vmem_shared>>)
      %add3A_244 = arith.constant 8 : i32
      %add3A_245 = arith.addi %add3A_225, %add3A_244 : i32
      %lt3A_246 = arith.constant 125 : i32
      %lt3A_247 = arith.cmpi slt, %add3A_245, %lt3A_246 : i32
      %convert_element_type3A_248 = arith.extui %lt3A_247 : i1 to i32
      %cond3A_249 = arith.constant 0 : i32
      %cond3A_250 = arith.cmpi ne, %convert_element_type3A_248, %cond3A_249 : i32
      scf.if %cond3A_250 {
        %add3A_396 = arith.constant 8 : i32
        %add3A_397 = arith.addi %add3A_225, %add3A_396 : i32
        %dma_start3A_398 = arith.constant 0 : i32
        %dma_start3A_399 = tpu.memref_slice %arg6[%add3A_397, %dma_start3A_398] : memref<125x80xi32, #tpu.memory_space<vmem>> -> memref<1x80xi32, #tpu.memory_space<vmem>>
        %dma_start3A_400 = tpu.memref_squeeze %dma_start3A_399 : memref<1x80xi32, #tpu.memory_space<vmem>> -> memref<80xi32, #tpu.memory_space<vmem>>
        %dma_start3A_401 = arith.constant 0 : i32
        %dma_start3A_402 = arith.constant 0 : i32
        %dma_start3A_403 = tpu.memref_slice %arg2[%dma_start3A_401, %dma_start3A_402] : memref<10000x64xf32, #tpu.memory_space<hbm>> -> memref<10000x64xf32, #tpu.memory_space<hbm>>
        tpu.enqueue_indirect_dma source(%dma_start3A_403 : memref<10000x64xf32, #tpu.memory_space<hbm>>) target(%arg10 : memref<80x64xf32, #tpu.memory_space<vmem>>) offsets(%dma_start3A_400 : memref<80xi32, #tpu.memory_space<vmem>>) semaphore(%arg19 : memref<!tpu.dma_semaphore, #tpu.memory_space<semaphore_mem>>)
      } else {
      }
      %mul3A_251 = arith.constant 8 : i32
      %mul3A_252 = arith.muli %mul3A_251, %scan3A_166 : i32
      %add3A_253 = arith.constant 3 : i32
      %add3A_254 = arith.addi %mul3A_252, %add3A_253 : i32
      %dma_wait3A_255 = arith.constant 0 : i32
      %dma_wait3A_256 = tpu.memref_slice %arg6[%add3A_254, %dma_wait3A_255] : memref<125x80xi32, #tpu.memory_space<vmem>> -> memref<1x80xi32, #tpu.memory_space<vmem>>
      %dma_wait3A_257 = tpu.memref_squeeze %dma_wait3A_256 : memref<1x80xi32, #tpu.memory_space<vmem>> -> memref<80xi32, #tpu.memory_space<vmem>>
      %dma_wait3A_258 = arith.constant 0 : i32
      %dma_wait3A_259 = arith.constant 0 : i32
      %dma_wait3A_260 = tpu.memref_slice %arg2[%dma_wait3A_258, %dma_wait3A_259] : memref<10000x64xf32, #tpu.memory_space<hbm>> -> memref<10000x64xf32, #tpu.memory_space<hbm>>
      tpu.wait_indirect_dma semaphore(%arg20 : memref<!tpu.dma_semaphore, #tpu.memory_space<semaphore_mem>>) src(%dma_wait3A_260 : memref<10000x64xf32, #tpu.memory_space<hbm>>) dst(%arg11 : memref<80x64xf32, #tpu.memory_space<vmem>>)
      %dma_start3A_261 = arith.constant 0 : i32
      %dma_start3A_262 = tpu.memref_slice %arg7[%add3A_254, %dma_start3A_261] : memref<125x80xi32, #tpu.memory_space<vmem>> -> memref<1x80xi32, #tpu.memory_space<vmem>>
      %dma_start3A_263 = tpu.memref_squeeze %dma_start3A_262 : memref<1x80xi32, #tpu.memory_space<vmem>> -> memref<80xi32, #tpu.memory_space<vmem>>
      %dma_start3A_264 = arith.constant 0 : i32
      %dma_start3A_265 = arith.constant 0 : i32
      %dma_start3A_266 = tpu.memref_slice %arg5[%dma_start3A_264, %dma_start3A_265] : memref<10000x64xf32, #tpu.memory_space<vmem_shared>> -> memref<10000x64xf32, #tpu.memory_space<vmem_shared>>
      tpu.enqueue_indirect_dma source(%arg11 : memref<80x64xf32, #tpu.memory_space<vmem>>) target(%dma_start3A_266 : memref<10000x64xf32, #tpu.memory_space<vmem_shared>>) offsets(%dma_start3A_263 : memref<80xi32, #tpu.memory_space<vmem>>) semaphore(%arg28 : memref<!tpu.dma_semaphore, #tpu.memory_space<semaphore_mem>>) {add = true}
      %dma_wait3A_267 = arith.constant 0 : i32
      %dma_wait3A_268 = tpu.memref_slice %arg7[%add3A_254, %dma_wait3A_267] : memref<125x80xi32, #tpu.memory_space<vmem>> -> memref<1x80xi32, #tpu.memory_space<vmem>>
      %dma_wait3A_269 = tpu.memref_squeeze %dma_wait3A_268 : memref<1x80xi32, #tpu.memory_space<vmem>> -> memref<80xi32, #tpu.memory_space<vmem>>
      %dma_wait3A_270 = arith.constant 0 : i32
      %dma_wait3A_271 = arith.constant 0 : i32
      %dma_wait3A_272 = tpu.memref_slice %arg5[%dma_wait3A_270, %dma_wait3A_271] : memref<10000x64xf32, #tpu.memory_space<vmem_shared>> -> memref<10000x64xf32, #tpu.memory_space<vmem_shared>>
      tpu.wait_indirect_dma semaphore(%arg28 : memref<!tpu.dma_semaphore, #tpu.memory_space<semaphore_mem>>) src(%arg11 : memref<80x64xf32, #tpu.memory_space<vmem>>) dst(%dma_wait3A_272 : memref<10000x64xf32, #tpu.memory_space<vmem_shared>>)
      %add3A_273 = arith.constant 8 : i32
      %add3A_274 = arith.addi %add3A_254, %add3A_273 : i32
      %lt3A_275 = arith.constant 125 : i32
      %lt3A_276 = arith.cmpi slt, %add3A_274, %lt3A_275 : i32
      %convert_element_type3A_277 = arith.extui %lt3A_276 : i1 to i32
      %cond3A_278 = arith.constant 0 : i32
      %cond3A_279 = arith.cmpi ne, %convert_element_type3A_277, %cond3A_278 : i32
      scf.if %cond3A_279 {
        %add3A_396 = arith.constant 8 : i32
        %add3A_397 = arith.addi %add3A_254, %add3A_396 : i32
        %dma_start3A_398 = arith.constant 0 : i32
        %dma_start3A_399 = tpu.memref_slice %arg6[%add3A_397, %dma_start3A_398] : memref<125x80xi32, #tpu.memory_space<vmem>> -> memref<1x80xi32, #tpu.memory_space<vmem>>
        %dma_start3A_400 = tpu.memref_squeeze %dma_start3A_399 : memref<1x80xi32, #tpu.memory_space<vmem>> -> memref<80xi32, #tpu.memory_space<vmem>>
        %dma_start3A_401 = arith.constant 0 : i32
        %dma_start3A_402 = arith.constant 0 : i32
        %dma_start3A_403 = tpu.memref_slice %arg2[%dma_start3A_401, %dma_start3A_402] : memref<10000x64xf32, #tpu.memory_space<hbm>> -> memref<10000x64xf32, #tpu.memory_space<hbm>>
        tpu.enqueue_indirect_dma source(%dma_start3A_403 : memref<10000x64xf32, #tpu.memory_space<hbm>>) target(%arg11 : memref<80x64xf32, #tpu.memory_space<vmem>>) offsets(%dma_start3A_400 : memref<80xi32, #tpu.memory_space<vmem>>) semaphore(%arg20 : memref<!tpu.dma_semaphore, #tpu.memory_space<semaphore_mem>>)
      } else {
      }
      %mul3A_280 = arith.constant 8 : i32
      %mul3A_281 = arith.muli %mul3A_280, %scan3A_166 : i32
      %add3A_282 = arith.constant 4 : i32
      %add3A_283 = arith.addi %mul3A_281, %add3A_282 : i32
      %dma_wait3A_284 = arith.constant 0 : i32
      %dma_wait3A_285 = tpu.memref_slice %arg6[%add3A_283, %dma_wait3A_284] : memref<125x80xi32, #tpu.memory_space<vmem>> -> memref<1x80xi32, #tpu.memory_space<vmem>>
      %dma_wait3A_286 = tpu.memref_squeeze %dma_wait3A_285 : memref<1x80xi32, #tpu.memory_space<vmem>> -> memref<80xi32, #tpu.memory_space<vmem>>
      %dma_wait3A_287 = arith.constant 0 : i32
      %dma_wait3A_288 = arith.constant 0 : i32
      %dma_wait3A_289 = tpu.memref_slice %arg2[%dma_wait3A_287, %dma_wait3A_288] : memref<10000x64xf32, #tpu.memory_space<hbm>> -> memref<10000x64xf32, #tpu.memory_space<hbm>>
      tpu.wait_indirect_dma semaphore(%arg21 : memref<!tpu.dma_semaphore, #tpu.memory_space<semaphore_mem>>) src(%dma_wait3A_289 : memref<10000x64xf32, #tpu.memory_space<hbm>>) dst(%arg12 : memref<80x64xf32, #tpu.memory_space<vmem>>)
      %dma_start3A_290 = arith.constant 0 : i32
      %dma_start3A_291 = tpu.memref_slice %arg7[%add3A_283, %dma_start3A_290] : memref<125x80xi32, #tpu.memory_space<vmem>> -> memref<1x80xi32, #tpu.memory_space<vmem>>
      %dma_start3A_292 = tpu.memref_squeeze %dma_start3A_291 : memref<1x80xi32, #tpu.memory_space<vmem>> -> memref<80xi32, #tpu.memory_space<vmem>>
      %dma_start3A_293 = arith.constant 0 : i32
      %dma_start3A_294 = arith.constant 0 : i32
      %dma_start3A_295 = tpu.memref_slice %arg5[%dma_start3A_293, %dma_start3A_294] : memref<10000x64xf32, #tpu.memory_space<vmem_shared>> -> memref<10000x64xf32, #tpu.memory_space<vmem_shared>>
      tpu.enqueue_indirect_dma source(%arg12 : memref<80x64xf32, #tpu.memory_space<vmem>>) target(%dma_start3A_295 : memref<10000x64xf32, #tpu.memory_space<vmem_shared>>) offsets(%dma_start3A_292 : memref<80xi32, #tpu.memory_space<vmem>>) semaphore(%arg29 : memref<!tpu.dma_semaphore, #tpu.memory_space<semaphore_mem>>) {add = true}
      %dma_wait3A_296 = arith.constant 0 : i32
      %dma_wait3A_297 = tpu.memref_slice %arg7[%add3A_283, %dma_wait3A_296] : memref<125x80xi32, #tpu.memory_space<vmem>> -> memref<1x80xi32, #tpu.memory_space<vmem>>
      %dma_wait3A_298 = tpu.memref_squeeze %dma_wait3A_297 : memref<1x80xi32, #tpu.memory_space<vmem>> -> memref<80xi32, #tpu.memory_space<vmem>>
      %dma_wait3A_299 = arith.constant 0 : i32
      %dma_wait3A_300 = arith.constant 0 : i32
      %dma_wait3A_301 = tpu.memref_slice %arg5[%dma_wait3A_299, %dma_wait3A_300] : memref<10000x64xf32, #tpu.memory_space<vmem_shared>> -> memref<10000x64xf32, #tpu.memory_space<vmem_shared>>
      tpu.wait_indirect_dma semaphore(%arg29 : memref<!tpu.dma_semaphore, #tpu.memory_space<semaphore_mem>>) src(%arg12 : memref<80x64xf32, #tpu.memory_space<vmem>>) dst(%dma_wait3A_301 : memref<10000x64xf32, #tpu.memory_space<vmem_shared>>)
      %add3A_302 = arith.constant 8 : i32
      %add3A_303 = arith.addi %add3A_283, %add3A_302 : i32
      %lt3A_304 = arith.constant 125 : i32
      %lt3A_305 = arith.cmpi slt, %add3A_303, %lt3A_304 : i32
      %convert_element_type3A_306 = arith.extui %lt3A_305 : i1 to i32
      %cond3A_307 = arith.constant 0 : i32
      %cond3A_308 = arith.cmpi ne, %convert_element_type3A_306, %cond3A_307 : i32
      scf.if %cond3A_308 {
        %add3A_396 = arith.constant 8 : i32
        %add3A_397 = arith.addi %add3A_283, %add3A_396 : i32
        %dma_start3A_398 = arith.constant 0 : i32
        %dma_start3A_399 = tpu.memref_slice %arg6[%add3A_397, %dma_start3A_398] : memref<125x80xi32, #tpu.memory_space<vmem>> -> memref<1x80xi32, #tpu.memory_space<vmem>>
        %dma_start3A_400 = tpu.memref_squeeze %dma_start3A_399 : memref<1x80xi32, #tpu.memory_space<vmem>> -> memref<80xi32, #tpu.memory_space<vmem>>
        %dma_start3A_401 = arith.constant 0 : i32
        %dma_start3A_402 = arith.constant 0 : i32
        %dma_start3A_403 = tpu.memref_slice %arg2[%dma_start3A_401, %dma_start3A_402] : memref<10000x64xf32, #tpu.memory_space<hbm>> -> memref<10000x64xf32, #tpu.memory_space<hbm>>
        tpu.enqueue_indirect_dma source(%dma_start3A_403 : memref<10000x64xf32, #tpu.memory_space<hbm>>) target(%arg12 : memref<80x64xf32, #tpu.memory_space<vmem>>) offsets(%dma_start3A_400 : memref<80xi32, #tpu.memory_space<vmem>>) semaphore(%arg21 : memref<!tpu.dma_semaphore, #tpu.memory_space<semaphore_mem>>)
      } else {
      }
      %mul3A_309 = arith.constant 8 : i32
      %mul3A_310 = arith.muli %mul3A_309, %scan3A_166 : i32
      %add3A_311 = arith.constant 5 : i32
      %add3A_312 = arith.addi %mul3A_310, %add3A_311 : i32
      %dma_wait3A_313 = arith.constant 0 : i32
      %dma_wait3A_314 = tpu.memref_slice %arg6[%add3A_312, %dma_wait3A_313] : memref<125x80xi32, #tpu.memory_space<vmem>> -> memref<1x80xi32, #tpu.memory_space<vmem>>
      %dma_wait3A_315 = tpu.memref_squeeze %dma_wait3A_314 : memref<1x80xi32, #tpu.memory_space<vmem>> -> memref<80xi32, #tpu.memory_space<vmem>>
      %dma_wait3A_316 = arith.constant 0 : i32
      %dma_wait3A_317 = arith.constant 0 : i32
      %dma_wait3A_318 = tpu.memref_slice %arg2[%dma_wait3A_316, %dma_wait3A_317] : memref<10000x64xf32, #tpu.memory_space<hbm>> -> memref<10000x64xf32, #tpu.memory_space<hbm>>
      tpu.wait_indirect_dma semaphore(%arg22 : memref<!tpu.dma_semaphore, #tpu.memory_space<semaphore_mem>>) src(%dma_wait3A_318 : memref<10000x64xf32, #tpu.memory_space<hbm>>) dst(%arg13 : memref<80x64xf32, #tpu.memory_space<vmem>>)
      %dma_start3A_319 = arith.constant 0 : i32
      %dma_start3A_320 = tpu.memref_slice %arg7[%add3A_312, %dma_start3A_319] : memref<125x80xi32, #tpu.memory_space<vmem>> -> memref<1x80xi32, #tpu.memory_space<vmem>>
      %dma_start3A_321 = tpu.memref_squeeze %dma_start3A_320 : memref<1x80xi32, #tpu.memory_space<vmem>> -> memref<80xi32, #tpu.memory_space<vmem>>
      %dma_start3A_322 = arith.constant 0 : i32
      %dma_start3A_323 = arith.constant 0 : i32
      %dma_start3A_324 = tpu.memref_slice %arg5[%dma_start3A_322, %dma_start3A_323] : memref<10000x64xf32, #tpu.memory_space<vmem_shared>> -> memref<10000x64xf32, #tpu.memory_space<vmem_shared>>
      tpu.enqueue_indirect_dma source(%arg13 : memref<80x64xf32, #tpu.memory_space<vmem>>) target(%dma_start3A_324 : memref<10000x64xf32, #tpu.memory_space<vmem_shared>>) offsets(%dma_start3A_321 : memref<80xi32, #tpu.memory_space<vmem>>) semaphore(%arg30 : memref<!tpu.dma_semaphore, #tpu.memory_space<semaphore_mem>>) {add = true}
      %dma_wait3A_325 = arith.constant 0 : i32
      %dma_wait3A_326 = tpu.memref_slice %arg7[%add3A_312, %dma_wait3A_325] : memref<125x80xi32, #tpu.memory_space<vmem>> -> memref<1x80xi32, #tpu.memory_space<vmem>>
      %dma_wait3A_327 = tpu.memref_squeeze %dma_wait3A_326 : memref<1x80xi32, #tpu.memory_space<vmem>> -> memref<80xi32, #tpu.memory_space<vmem>>
      %dma_wait3A_328 = arith.constant 0 : i32
      %dma_wait3A_329 = arith.constant 0 : i32
      %dma_wait3A_330 = tpu.memref_slice %arg5[%dma_wait3A_328, %dma_wait3A_329] : memref<10000x64xf32, #tpu.memory_space<vmem_shared>> -> memref<10000x64xf32, #tpu.memory_space<vmem_shared>>
      tpu.wait_indirect_dma semaphore(%arg30 : memref<!tpu.dma_semaphore, #tpu.memory_space<semaphore_mem>>) src(%arg13 : memref<80x64xf32, #tpu.memory_space<vmem>>) dst(%dma_wait3A_330 : memref<10000x64xf32, #tpu.memory_space<vmem_shared>>)
      %add3A_331 = arith.constant 8 : i32
      %add3A_332 = arith.addi %add3A_312, %add3A_331 : i32
      %lt3A_333 = arith.constant 125 : i32
      %lt3A_334 = arith.cmpi slt, %add3A_332, %lt3A_333 : i32
      %convert_element_type3A_335 = arith.extui %lt3A_334 : i1 to i32
      %cond3A_336 = arith.constant 0 : i32
      %cond3A_337 = arith.cmpi ne, %convert_element_type3A_335, %cond3A_336 : i32
      scf.if %cond3A_337 {
        %add3A_396 = arith.constant 8 : i32
        %add3A_397 = arith.addi %add3A_312, %add3A_396 : i32
        %dma_start3A_398 = arith.constant 0 : i32
        %dma_start3A_399 = tpu.memref_slice %arg6[%add3A_397, %dma_start3A_398] : memref<125x80xi32, #tpu.memory_space<vmem>> -> memref<1x80xi32, #tpu.memory_space<vmem>>
        %dma_start3A_400 = tpu.memref_squeeze %dma_start3A_399 : memref<1x80xi32, #tpu.memory_space<vmem>> -> memref<80xi32, #tpu.memory_space<vmem>>
        %dma_start3A_401 = arith.constant 0 : i32
        %dma_start3A_402 = arith.constant 0 : i32
        %dma_start3A_403 = tpu.memref_slice %arg2[%dma_start3A_401, %dma_start3A_402] : memref<10000x64xf32, #tpu.memory_space<hbm>> -> memref<10000x64xf32, #tpu.memory_space<hbm>>
        tpu.enqueue_indirect_dma source(%dma_start3A_403 : memref<10000x64xf32, #tpu.memory_space<hbm>>) target(%arg13 : memref<80x64xf32, #tpu.memory_space<vmem>>) offsets(%dma_start3A_400 : memref<80xi32, #tpu.memory_space<vmem>>) semaphore(%arg22 : memref<!tpu.dma_semaphore, #tpu.memory_space<semaphore_mem>>)
      } else {
      }
      %mul3A_338 = arith.constant 8 : i32
      %mul3A_339 = arith.muli %mul3A_338, %scan3A_166 : i32
      %add3A_340 = arith.constant 6 : i32
      %add3A_341 = arith.addi %mul3A_339, %add3A_340 : i32
      %dma_wait3A_342 = arith.constant 0 : i32
      %dma_wait3A_343 = tpu.memref_slice %arg6[%add3A_341, %dma_wait3A_342] : memref<125x80xi32, #tpu.memory_space<vmem>> -> memref<1x80xi32, #tpu.memory_space<vmem>>
      %dma_wait3A_344 = tpu.memref_squeeze %dma_wait3A_343 : memref<1x80xi32, #tpu.memory_space<vmem>> -> memref<80xi32, #tpu.memory_space<vmem>>
      %dma_wait3A_345 = arith.constant 0 : i32
      %dma_wait3A_346 = arith.constant 0 : i32
      %dma_wait3A_347 = tpu.memref_slice %arg2[%dma_wait3A_345, %dma_wait3A_346] : memref<10000x64xf32, #tpu.memory_space<hbm>> -> memref<10000x64xf32, #tpu.memory_space<hbm>>
      tpu.wait_indirect_dma semaphore(%arg23 : memref<!tpu.dma_semaphore, #tpu.memory_space<semaphore_mem>>) src(%dma_wait3A_347 : memref<10000x64xf32, #tpu.memory_space<hbm>>) dst(%arg14 : memref<80x64xf32, #tpu.memory_space<vmem>>)
      %dma_start3A_348 = arith.constant 0 : i32
      %dma_start3A_349 = tpu.memref_slice %arg7[%add3A_341, %dma_start3A_348] : memref<125x80xi32, #tpu.memory_space<vmem>> -> memref<1x80xi32, #tpu.memory_space<vmem>>
      %dma_start3A_350 = tpu.memref_squeeze %dma_start3A_349 : memref<1x80xi32, #tpu.memory_space<vmem>> -> memref<80xi32, #tpu.memory_space<vmem>>
      %dma_start3A_351 = arith.constant 0 : i32
      %dma_start3A_352 = arith.constant 0 : i32
      %dma_start3A_353 = tpu.memref_slice %arg5[%dma_start3A_351, %dma_start3A_352] : memref<10000x64xf32, #tpu.memory_space<vmem_shared>> -> memref<10000x64xf32, #tpu.memory_space<vmem_shared>>
      tpu.enqueue_indirect_dma source(%arg14 : memref<80x64xf32, #tpu.memory_space<vmem>>) target(%dma_start3A_353 : memref<10000x64xf32, #tpu.memory_space<vmem_shared>>) offsets(%dma_start3A_350 : memref<80xi32, #tpu.memory_space<vmem>>) semaphore(%arg31 : memref<!tpu.dma_semaphore, #tpu.memory_space<semaphore_mem>>) {add = true}
      %dma_wait3A_354 = arith.constant 0 : i32
      %dma_wait3A_355 = tpu.memref_slice %arg7[%add3A_341, %dma_wait3A_354] : memref<125x80xi32, #tpu.memory_space<vmem>> -> memref<1x80xi32, #tpu.memory_space<vmem>>
      %dma_wait3A_356 = tpu.memref_squeeze %dma_wait3A_355 : memref<1x80xi32, #tpu.memory_space<vmem>> -> memref<80xi32, #tpu.memory_space<vmem>>
      %dma_wait3A_357 = arith.constant 0 : i32
      %dma_wait3A_358 = arith.constant 0 : i32
      %dma_wait3A_359 = tpu.memref_slice %arg5[%dma_wait3A_357, %dma_wait3A_358] : memref<10000x64xf32, #tpu.memory_space<vmem_shared>> -> memref<10000x64xf32, #tpu.memory_space<vmem_shared>>
      tpu.wait_indirect_dma semaphore(%arg31 : memref<!tpu.dma_semaphore, #tpu.memory_space<semaphore_mem>>) src(%arg14 : memref<80x64xf32, #tpu.memory_space<vmem>>) dst(%dma_wait3A_359 : memref<10000x64xf32, #tpu.memory_space<vmem_shared>>)
      %add3A_360 = arith.constant 8 : i32
      %add3A_361 = arith.addi %add3A_341, %add3A_360 : i32
      %lt3A_362 = arith.constant 125 : i32
      %lt3A_363 = arith.cmpi slt, %add3A_361, %lt3A_362 : i32
      %convert_element_type3A_364 = arith.extui %lt3A_363 : i1 to i32
      %cond3A_365 = arith.constant 0 : i32
      %cond3A_366 = arith.cmpi ne, %convert_element_type3A_364, %cond3A_365 : i32
      scf.if %cond3A_366 {
        %add3A_396 = arith.constant 8 : i32
        %add3A_397 = arith.addi %add3A_341, %add3A_396 : i32
        %dma_start3A_398 = arith.constant 0 : i32
        %dma_start3A_399 = tpu.memref_slice %arg6[%add3A_397, %dma_start3A_398] : memref<125x80xi32, #tpu.memory_space<vmem>> -> memref<1x80xi32, #tpu.memory_space<vmem>>
        %dma_start3A_400 = tpu.memref_squeeze %dma_start3A_399 : memref<1x80xi32, #tpu.memory_space<vmem>> -> memref<80xi32, #tpu.memory_space<vmem>>
        %dma_start3A_401 = arith.constant 0 : i32
        %dma_start3A_402 = arith.constant 0 : i32
        %dma_start3A_403 = tpu.memref_slice %arg2[%dma_start3A_401, %dma_start3A_402] : memref<10000x64xf32, #tpu.memory_space<hbm>> -> memref<10000x64xf32, #tpu.memory_space<hbm>>
        tpu.enqueue_indirect_dma source(%dma_start3A_403 : memref<10000x64xf32, #tpu.memory_space<hbm>>) target(%arg14 : memref<80x64xf32, #tpu.memory_space<vmem>>) offsets(%dma_start3A_400 : memref<80xi32, #tpu.memory_space<vmem>>) semaphore(%arg23 : memref<!tpu.dma_semaphore, #tpu.memory_space<semaphore_mem>>)
      } else {
      }
      %mul3A_367 = arith.constant 8 : i32
      %mul3A_368 = arith.muli %mul3A_367, %scan3A_166 : i32
      %add3A_369 = arith.constant 7 : i32
      %add3A_370 = arith.addi %mul3A_368, %add3A_369 : i32
      %dma_wait3A_371 = arith.constant 0 : i32
      %dma_wait3A_372 = tpu.memref_slice %arg6[%add3A_370, %dma_wait3A_371] : memref<125x80xi32, #tpu.memory_space<vmem>> -> memref<1x80xi32, #tpu.memory_space<vmem>>
      %dma_wait3A_373 = tpu.memref_squeeze %dma_wait3A_372 : memref<1x80xi32, #tpu.memory_space<vmem>> -> memref<80xi32, #tpu.memory_space<vmem>>
      %dma_wait3A_374 = arith.constant 0 : i32
      %dma_wait3A_375 = arith.constant 0 : i32
      %dma_wait3A_376 = tpu.memref_slice %arg2[%dma_wait3A_374, %dma_wait3A_375] : memref<10000x64xf32, #tpu.memory_space<hbm>> -> memref<10000x64xf32, #tpu.memory_space<hbm>>
      tpu.wait_indirect_dma semaphore(%arg24 : memref<!tpu.dma_semaphore, #tpu.memory_space<semaphore_mem>>) src(%dma_wait3A_376 : memref<10000x64xf32, #tpu.memory_space<hbm>>) dst(%arg15 : memref<80x64xf32, #tpu.memory_space<vmem>>)
      %dma_start3A_377 = arith.constant 0 : i32
      %dma_start3A_378 = tpu.memref_slice %arg7[%add3A_370, %dma_start3A_377] : memref<125x80xi32, #tpu.memory_space<vmem>> -> memref<1x80xi32, #tpu.memory_space<vmem>>
      %dma_start3A_379 = tpu.memref_squeeze %dma_start3A_378 : memref<1x80xi32, #tpu.memory_space<vmem>> -> memref<80xi32, #tpu.memory_space<vmem>>
      %dma_start3A_380 = arith.constant 0 : i32
      %dma_start3A_381 = arith.constant 0 : i32
      %dma_start3A_382 = tpu.memref_slice %arg5[%dma_start3A_380, %dma_start3A_381] : memref<10000x64xf32, #tpu.memory_space<vmem_shared>> -> memref<10000x64xf32, #tpu.memory_space<vmem_shared>>
      tpu.enqueue_indirect_dma source(%arg15 : memref<80x64xf32, #tpu.memory_space<vmem>>) target(%dma_start3A_382 : memref<10000x64xf32, #tpu.memory_space<vmem_shared>>) offsets(%dma_start3A_379 : memref<80xi32, #tpu.memory_space<vmem>>) semaphore(%arg32 : memref<!tpu.dma_semaphore, #tpu.memory_space<semaphore_mem>>) {add = true}
      %dma_wait3A_383 = arith.constant 0 : i32
      %dma_wait3A_384 = tpu.memref_slice %arg7[%add3A_370, %dma_wait3A_383] : memref<125x80xi32, #tpu.memory_space<vmem>> -> memref<1x80xi32, #tpu.memory_space<vmem>>
      %dma_wait3A_385 = tpu.memref_squeeze %dma_wait3A_384 : memref<1x80xi32, #tpu.memory_space<vmem>> -> memref<80xi32, #tpu.memory_space<vmem>>
      %dma_wait3A_386 = arith.constant 0 : i32
      %dma_wait3A_387 = arith.constant 0 : i32
      %dma_wait3A_388 = tpu.memref_slice %arg5[%dma_wait3A_386, %dma_wait3A_387] : memref<10000x64xf32, #tpu.memory_space<vmem_shared>> -> memref<10000x64xf32, #tpu.memory_space<vmem_shared>>
      tpu.wait_indirect_dma semaphore(%arg32 : memref<!tpu.dma_semaphore, #tpu.memory_space<semaphore_mem>>) src(%arg15 : memref<80x64xf32, #tpu.memory_space<vmem>>) dst(%dma_wait3A_388 : memref<10000x64xf32, #tpu.memory_space<vmem_shared>>)
      %add3A_389 = arith.constant 8 : i32
      %add3A_390 = arith.addi %add3A_370, %add3A_389 : i32
      %lt3A_391 = arith.constant 125 : i32
      %lt3A_392 = arith.cmpi slt, %add3A_390, %lt3A_391 : i32
      %convert_element_type3A_393 = arith.extui %lt3A_392 : i1 to i32
      %cond3A_394 = arith.constant 0 : i32
      %cond3A_395 = arith.cmpi ne, %convert_element_type3A_393, %cond3A_394 : i32
      scf.if %cond3A_395 {
        %add3A_396 = arith.constant 8 : i32
        %add3A_397 = arith.addi %add3A_370, %add3A_396 : i32
        %dma_start3A_398 = arith.constant 0 : i32
        %dma_start3A_399 = tpu.memref_slice %arg6[%add3A_397, %dma_start3A_398] : memref<125x80xi32, #tpu.memory_space<vmem>> -> memref<1x80xi32, #tpu.memory_space<vmem>>
        %dma_start3A_400 = tpu.memref_squeeze %dma_start3A_399 : memref<1x80xi32, #tpu.memory_space<vmem>> -> memref<80xi32, #tpu.memory_space<vmem>>
        %dma_start3A_401 = arith.constant 0 : i32
        %dma_start3A_402 = arith.constant 0 : i32
        %dma_start3A_403 = tpu.memref_slice %arg2[%dma_start3A_401, %dma_start3A_402] : memref<10000x64xf32, #tpu.memory_space<hbm>> -> memref<10000x64xf32, #tpu.memory_space<hbm>>
        tpu.enqueue_indirect_dma source(%dma_start3A_403 : memref<10000x64xf32, #tpu.memory_space<hbm>>) target(%arg15 : memref<80x64xf32, #tpu.memory_space<vmem>>) offsets(%dma_start3A_400 : memref<80xi32, #tpu.memory_space<vmem>>) semaphore(%arg24 : memref<!tpu.dma_semaphore, #tpu.memory_space<semaphore_mem>>)
      } else {
      }
    }
    %scan3A_113 = arith.constant 15 : i32
    %dma_wait3A_114 = arith.constant 120 : i32
    %dma_wait3A_115 = arith.constant 0 : i32
    %dma_wait3A_116 = tpu.memref_slice %arg6[%dma_wait3A_114, %dma_wait3A_115] : memref<125x80xi32, #tpu.memory_space<vmem>> -> memref<1x80xi32, #tpu.memory_space<vmem>>
    %dma_wait3A_117 = tpu.memref_squeeze %dma_wait3A_116 : memref<1x80xi32, #tpu.memory_space<vmem>> -> memref<80xi32, #tpu.memory_space<vmem>>
    %dma_wait3A_118 = arith.constant 0 : i32
    %dma_wait3A_119 = arith.constant 0 : i32
    %dma_wait3A_120 = tpu.memref_slice %arg2[%dma_wait3A_118, %dma_wait3A_119] : memref<10000x64xf32, #tpu.memory_space<hbm>> -> memref<10000x64xf32, #tpu.memory_space<hbm>>
    tpu.wait_indirect_dma semaphore(%arg17 : memref<!tpu.dma_semaphore, #tpu.memory_space<semaphore_mem>>) src(%dma_wait3A_120 : memref<10000x64xf32, #tpu.memory_space<hbm>>) dst(%arg8 : memref<80x64xf32, #tpu.memory_space<vmem>>)
    %run_scoped3A = arith.constant 120 : i32
    "tpu.region"() ({
      %run_scoped3A_166 = tpu.sem_alloc : memref<!tpu.dma_semaphore, #tpu.memory_space<semaphore_mem>>
      %dma_start3A_167 = arith.constant 0 : i32
      %dma_start3A_168 = tpu.memref_slice %arg7[%run_scoped3A, %dma_start3A_167] : memref<125x80xi32, #tpu.memory_space<vmem>> -> memref<1x80xi32, #tpu.memory_space<vmem>>
      %dma_start3A_169 = tpu.memref_squeeze %dma_start3A_168 : memref<1x80xi32, #tpu.memory_space<vmem>> -> memref<80xi32, #tpu.memory_space<vmem>>
      %dma_start3A_170 = arith.constant 0 : i32
      %dma_start3A_171 = arith.constant 0 : i32
      %dma_start3A_172 = tpu.memref_slice %arg5[%dma_start3A_170, %dma_start3A_171] : memref<10000x64xf32, #tpu.memory_space<vmem_shared>> -> memref<10000x64xf32, #tpu.memory_space<vmem_shared>>
      tpu.enqueue_indirect_dma source(%arg8 : memref<80x64xf32, #tpu.memory_space<vmem>>) target(%dma_start3A_172 : memref<10000x64xf32, #tpu.memory_space<vmem_shared>>) offsets(%dma_start3A_169 : memref<80xi32, #tpu.memory_space<vmem>>) semaphore(%run_scoped3A_166 : memref<!tpu.dma_semaphore, #tpu.memory_space<semaphore_mem>>) {add = true}
      %dma_wait3A_173 = arith.constant 0 : i32
      %dma_wait3A_174 = tpu.memref_slice %arg7[%run_scoped3A, %dma_wait3A_173] : memref<125x80xi32, #tpu.memory_space<vmem>> -> memref<1x80xi32, #tpu.memory_space<vmem>>
      %dma_wait3A_175 = tpu.memref_squeeze %dma_wait3A_174 : memref<1x80xi32, #tpu.memory_space<vmem>> -> memref<80xi32, #tpu.memory_space<vmem>>
      %dma_wait3A_176 = arith.constant 0 : i32
      %dma_wait3A_177 = arith.constant 0 : i32
      %dma_wait3A_178 = tpu.memref_slice %arg5[%dma_wait3A_176, %dma_wait3A_177] : memref<10000x64xf32, #tpu.memory_space<vmem_shared>> -> memref<10000x64xf32, #tpu.memory_space<vmem_shared>>
      tpu.wait_indirect_dma semaphore(%run_scoped3A_166 : memref<!tpu.dma_semaphore, #tpu.memory_space<semaphore_mem>>) src(%arg8 : memref<80x64xf32, #tpu.memory_space<vmem>>) dst(%dma_wait3A_178 : memref<10000x64xf32, #tpu.memory_space<vmem_shared>>)
      tpu.yield
    }) : () -> ()
    %dma_wait3A_121 = arith.constant 121 : i32
    %dma_wait3A_122 = arith.constant 0 : i32
    %dma_wait3A_123 = tpu.memref_slice %arg6[%dma_wait3A_121, %dma_wait3A_122] : memref<125x80xi32, #tpu.memory_space<vmem>> -> memref<1x80xi32, #tpu.memory_space<vmem>>
    %dma_wait3A_124 = tpu.memref_squeeze %dma_wait3A_123 : memref<1x80xi32, #tpu.memory_space<vmem>> -> memref<80xi32, #tpu.memory_space<vmem>>
    %dma_wait3A_125 = arith.constant 0 : i32
    %dma_wait3A_126 = arith.constant 0 : i32
    %dma_wait3A_127 = tpu.memref_slice %arg2[%dma_wait3A_125, %dma_wait3A_126] : memref<10000x64xf32, #tpu.memory_space<hbm>> -> memref<10000x64xf32, #tpu.memory_space<hbm>>
    tpu.wait_indirect_dma semaphore(%arg18 : memref<!tpu.dma_semaphore, #tpu.memory_space<semaphore_mem>>) src(%dma_wait3A_127 : memref<10000x64xf32, #tpu.memory_space<hbm>>) dst(%arg9 : memref<80x64xf32, #tpu.memory_space<vmem>>)
    %run_scoped3A_128 = arith.constant 121 : i32
    "tpu.region"() ({
      %run_scoped3A_166 = tpu.sem_alloc : memref<!tpu.dma_semaphore, #tpu.memory_space<semaphore_mem>>
      %dma_start3A_167 = arith.constant 0 : i32
      %dma_start3A_168 = tpu.memref_slice %arg7[%run_scoped3A_128, %dma_start3A_167] : memref<125x80xi32, #tpu.memory_space<vmem>> -> memref<1x80xi32, #tpu.memory_space<vmem>>
      %dma_start3A_169 = tpu.memref_squeeze %dma_start3A_168 : memref<1x80xi32, #tpu.memory_space<vmem>> -> memref<80xi32, #tpu.memory_space<vmem>>
      %dma_start3A_170 = arith.constant 0 : i32
      %dma_start3A_171 = arith.constant 0 : i32
      %dma_start3A_172 = tpu.memref_slice %arg5[%dma_start3A_170, %dma_start3A_171] : memref<10000x64xf32, #tpu.memory_space<vmem_shared>> -> memref<10000x64xf32, #tpu.memory_space<vmem_shared>>
      tpu.enqueue_indirect_dma source(%arg9 : memref<80x64xf32, #tpu.memory_space<vmem>>) target(%dma_start3A_172 : memref<10000x64xf32, #tpu.memory_space<vmem_shared>>) offsets(%dma_start3A_169 : memref<80xi32, #tpu.memory_space<vmem>>) semaphore(%run_scoped3A_166 : memref<!tpu.dma_semaphore, #tpu.memory_space<semaphore_mem>>) {add = true}
      %dma_wait3A_173 = arith.constant 0 : i32
      %dma_wait3A_174 = tpu.memref_slice %arg7[%run_scoped3A_128, %dma_wait3A_173] : memref<125x80xi32, #tpu.memory_space<vmem>> -> memref<1x80xi32, #tpu.memory_space<vmem>>
      %dma_wait3A_175 = tpu.memref_squeeze %dma_wait3A_174 : memref<1x80xi32, #tpu.memory_space<vmem>> -> memref<80xi32, #tpu.memory_space<vmem>>
      %dma_wait3A_176 = arith.constant 0 : i32
      %dma_wait3A_177 = arith.constant 0 : i32
      %dma_wait3A_178 = tpu.memref_slice %arg5[%dma_wait3A_176, %dma_wait3A_177] : memref<10000x64xf32, #tpu.memory_space<vmem_shared>> -> memref<10000x64xf32, #tpu.memory_space<vmem_shared>>
      tpu.wait_indirect_dma semaphore(%run_scoped3A_166 : memref<!tpu.dma_semaphore, #tpu.memory_space<semaphore_mem>>) src(%arg9 : memref<80x64xf32, #tpu.memory_space<vmem>>) dst(%dma_wait3A_178 : memref<10000x64xf32, #tpu.memory_space<vmem_shared>>)
      tpu.yield
    }) : () -> ()
    %dma_wait3A_129 = arith.constant 122 : i32
    %dma_wait3A_130 = arith.constant 0 : i32
    %dma_wait3A_131 = tpu.memref_slice %arg6[%dma_wait3A_129, %dma_wait3A_130] : memref<125x80xi32, #tpu.memory_space<vmem>> -> memref<1x80xi32, #tpu.memory_space<vmem>>
    %dma_wait3A_132 = tpu.memref_squeeze %dma_wait3A_131 : memref<1x80xi32, #tpu.memory_space<vmem>> -> memref<80xi32, #tpu.memory_space<vmem>>
    %dma_wait3A_133 = arith.constant 0 : i32
    %dma_wait3A_134 = arith.constant 0 : i32
    %dma_wait3A_135 = tpu.memref_slice %arg2[%dma_wait3A_133, %dma_wait3A_134] : memref<10000x64xf32, #tpu.memory_space<hbm>> -> memref<10000x64xf32, #tpu.memory_space<hbm>>
    tpu.wait_indirect_dma semaphore(%arg19 : memref<!tpu.dma_semaphore, #tpu.memory_space<semaphore_mem>>) src(%dma_wait3A_135 : memref<10000x64xf32, #tpu.memory_space<hbm>>) dst(%arg10 : memref<80x64xf32, #tpu.memory_space<vmem>>)
    %run_scoped3A_136 = arith.constant 122 : i32
    "tpu.region"() ({
      %run_scoped3A_166 = tpu.sem_alloc : memref<!tpu.dma_semaphore, #tpu.memory_space<semaphore_mem>>
      %dma_start3A_167 = arith.constant 0 : i32
      %dma_start3A_168 = tpu.memref_slice %arg7[%run_scoped3A_136, %dma_start3A_167] : memref<125x80xi32, #tpu.memory_space<vmem>> -> memref<1x80xi32, #tpu.memory_space<vmem>>
      %dma_start3A_169 = tpu.memref_squeeze %dma_start3A_168 : memref<1x80xi32, #tpu.memory_space<vmem>> -> memref<80xi32, #tpu.memory_space<vmem>>
      %dma_start3A_170 = arith.constant 0 : i32
      %dma_start3A_171 = arith.constant 0 : i32
      %dma_start3A_172 = tpu.memref_slice %arg5[%dma_start3A_170, %dma_start3A_171] : memref<10000x64xf32, #tpu.memory_space<vmem_shared>> -> memref<10000x64xf32, #tpu.memory_space<vmem_shared>>
      tpu.enqueue_indirect_dma source(%arg10 : memref<80x64xf32, #tpu.memory_space<vmem>>) target(%dma_start3A_172 : memref<10000x64xf32, #tpu.memory_space<vmem_shared>>) offsets(%dma_start3A_169 : memref<80xi32, #tpu.memory_space<vmem>>) semaphore(%run_scoped3A_166 : memref<!tpu.dma_semaphore, #tpu.memory_space<semaphore_mem>>) {add = true}
      %dma_wait3A_173 = arith.constant 0 : i32
      %dma_wait3A_174 = tpu.memref_slice %arg7[%run_scoped3A_136, %dma_wait3A_173] : memref<125x80xi32, #tpu.memory_space<vmem>> -> memref<1x80xi32, #tpu.memory_space<vmem>>
      %dma_wait3A_175 = tpu.memref_squeeze %dma_wait3A_174 : memref<1x80xi32, #tpu.memory_space<vmem>> -> memref<80xi32, #tpu.memory_space<vmem>>
      %dma_wait3A_176 = arith.constant 0 : i32
      %dma_wait3A_177 = arith.constant 0 : i32
      %dma_wait3A_178 = tpu.memref_slice %arg5[%dma_wait3A_176, %dma_wait3A_177] : memref<10000x64xf32, #tpu.memory_space<vmem_shared>> -> memref<10000x64xf32, #tpu.memory_space<vmem_shared>>
      tpu.wait_indirect_dma semaphore(%run_scoped3A_166 : memref<!tpu.dma_semaphore, #tpu.memory_space<semaphore_mem>>) src(%arg10 : memref<80x64xf32, #tpu.memory_space<vmem>>) dst(%dma_wait3A_178 : memref<10000x64xf32, #tpu.memory_space<vmem_shared>>)
      tpu.yield
    }) : () -> ()
    %dma_wait3A_137 = arith.constant 123 : i32
    %dma_wait3A_138 = arith.constant 0 : i32
    %dma_wait3A_139 = tpu.memref_slice %arg6[%dma_wait3A_137, %dma_wait3A_138] : memref<125x80xi32, #tpu.memory_space<vmem>> -> memref<1x80xi32, #tpu.memory_space<vmem>>
    %dma_wait3A_140 = tpu.memref_squeeze %dma_wait3A_139 : memref<1x80xi32, #tpu.memory_space<vmem>> -> memref<80xi32, #tpu.memory_space<vmem>>
    %dma_wait3A_141 = arith.constant 0 : i32
    %dma_wait3A_142 = arith.constant 0 : i32
    %dma_wait3A_143 = tpu.memref_slice %arg2[%dma_wait3A_141, %dma_wait3A_142] : memref<10000x64xf32, #tpu.memory_space<hbm>> -> memref<10000x64xf32, #tpu.memory_space<hbm>>
    tpu.wait_indirect_dma semaphore(%arg20 : memref<!tpu.dma_semaphore, #tpu.memory_space<semaphore_mem>>) src(%dma_wait3A_143 : memref<10000x64xf32, #tpu.memory_space<hbm>>) dst(%arg11 : memref<80x64xf32, #tpu.memory_space<vmem>>)
    %run_scoped3A_144 = arith.constant 123 : i32
    "tpu.region"() ({
      %run_scoped3A_166 = tpu.sem_alloc : memref<!tpu.dma_semaphore, #tpu.memory_space<semaphore_mem>>
      %dma_start3A_167 = arith.constant 0 : i32
      %dma_start3A_168 = tpu.memref_slice %arg7[%run_scoped3A_144, %dma_start3A_167] : memref<125x80xi32, #tpu.memory_space<vmem>> -> memref<1x80xi32, #tpu.memory_space<vmem>>
      %dma_start3A_169 = tpu.memref_squeeze %dma_start3A_168 : memref<1x80xi32, #tpu.memory_space<vmem>> -> memref<80xi32, #tpu.memory_space<vmem>>
      %dma_start3A_170 = arith.constant 0 : i32
      %dma_start3A_171 = arith.constant 0 : i32
      %dma_start3A_172 = tpu.memref_slice %arg5[%dma_start3A_170, %dma_start3A_171] : memref<10000x64xf32, #tpu.memory_space<vmem_shared>> -> memref<10000x64xf32, #tpu.memory_space<vmem_shared>>
      tpu.enqueue_indirect_dma source(%arg11 : memref<80x64xf32, #tpu.memory_space<vmem>>) target(%dma_start3A_172 : memref<10000x64xf32, #tpu.memory_space<vmem_shared>>) offsets(%dma_start3A_169 : memref<80xi32, #tpu.memory_space<vmem>>) semaphore(%run_scoped3A_166 : memref<!tpu.dma_semaphore, #tpu.memory_space<semaphore_mem>>) {add = true}
      %dma_wait3A_173 = arith.constant 0 : i32
      %dma_wait3A_174 = tpu.memref_slice %arg7[%run_scoped3A_144, %dma_wait3A_173] : memref<125x80xi32, #tpu.memory_space<vmem>> -> memref<1x80xi32, #tpu.memory_space<vmem>>
      %dma_wait3A_175 = tpu.memref_squeeze %dma_wait3A_174 : memref<1x80xi32, #tpu.memory_space<vmem>> -> memref<80xi32, #tpu.memory_space<vmem>>
      %dma_wait3A_176 = arith.constant 0 : i32
      %dma_wait3A_177 = arith.constant 0 : i32
      %dma_wait3A_178 = tpu.memref_slice %arg5[%dma_wait3A_176, %dma_wait3A_177] : memref<10000x64xf32, #tpu.memory_space<vmem_shared>> -> memref<10000x64xf32, #tpu.memory_space<vmem_shared>>
      tpu.wait_indirect_dma semaphore(%run_scoped3A_166 : memref<!tpu.dma_semaphore, #tpu.memory_space<semaphore_mem>>) src(%arg11 : memref<80x64xf32, #tpu.memory_space<vmem>>) dst(%dma_wait3A_178 : memref<10000x64xf32, #tpu.memory_space<vmem_shared>>)
      tpu.yield
    }) : () -> ()
    %dma_wait3A_145 = arith.constant 124 : i32
    %dma_wait3A_146 = arith.constant 0 : i32
    %dma_wait3A_147 = tpu.memref_slice %arg6[%dma_wait3A_145, %dma_wait3A_146] : memref<125x80xi32, #tpu.memory_space<vmem>> -> memref<1x80xi32, #tpu.memory_space<vmem>>
    %dma_wait3A_148 = tpu.memref_squeeze %dma_wait3A_147 : memref<1x80xi32, #tpu.memory_space<vmem>> -> memref<80xi32, #tpu.memory_space<vmem>>
    %dma_wait3A_149 = arith.constant 0 : i32
    %dma_wait3A_150 = arith.constant 0 : i32
    %dma_wait3A_151 = tpu.memref_slice %arg2[%dma_wait3A_149, %dma_wait3A_150] : memref<10000x64xf32, #tpu.memory_space<hbm>> -> memref<10000x64xf32, #tpu.memory_space<hbm>>
    tpu.wait_indirect_dma semaphore(%arg21 : memref<!tpu.dma_semaphore, #tpu.memory_space<semaphore_mem>>) src(%dma_wait3A_151 : memref<10000x64xf32, #tpu.memory_space<hbm>>) dst(%arg12 : memref<80x64xf32, #tpu.memory_space<vmem>>)
    %run_scoped3A_152 = arith.constant 124 : i32
    "tpu.region"() ({
      %run_scoped3A_166 = tpu.sem_alloc : memref<!tpu.dma_semaphore, #tpu.memory_space<semaphore_mem>>
      %dma_start3A_167 = arith.constant 0 : i32
      %dma_start3A_168 = tpu.memref_slice %arg7[%run_scoped3A_152, %dma_start3A_167] : memref<125x80xi32, #tpu.memory_space<vmem>> -> memref<1x80xi32, #tpu.memory_space<vmem>>
      %dma_start3A_169 = tpu.memref_squeeze %dma_start3A_168 : memref<1x80xi32, #tpu.memory_space<vmem>> -> memref<80xi32, #tpu.memory_space<vmem>>
      %dma_start3A_170 = arith.constant 0 : i32
      %dma_start3A_171 = arith.constant 0 : i32
      %dma_start3A_172 = tpu.memref_slice %arg5[%dma_start3A_170, %dma_start3A_171] : memref<10000x64xf32, #tpu.memory_space<vmem_shared>> -> memref<10000x64xf32, #tpu.memory_space<vmem_shared>>
      tpu.enqueue_indirect_dma source(%arg12 : memref<80x64xf32, #tpu.memory_space<vmem>>) target(%dma_start3A_172 : memref<10000x64xf32, #tpu.memory_space<vmem_shared>>) offsets(%dma_start3A_169 : memref<80xi32, #tpu.memory_space<vmem>>) semaphore(%run_scoped3A_166 : memref<!tpu.dma_semaphore, #tpu.memory_space<semaphore_mem>>) {add = true}
      %dma_wait3A_173 = arith.constant 0 : i32
      %dma_wait3A_174 = tpu.memref_slice %arg7[%run_scoped3A_152, %dma_wait3A_173] : memref<125x80xi32, #tpu.memory_space<vmem>> -> memref<1x80xi32, #tpu.memory_space<vmem>>
      %dma_wait3A_175 = tpu.memref_squeeze %dma_wait3A_174 : memref<1x80xi32, #tpu.memory_space<vmem>> -> memref<80xi32, #tpu.memory_space<vmem>>
      %dma_wait3A_176 = arith.constant 0 : i32
      %dma_wait3A_177 = arith.constant 0 : i32
      %dma_wait3A_178 = tpu.memref_slice %arg5[%dma_wait3A_176, %dma_wait3A_177] : memref<10000x64xf32, #tpu.memory_space<vmem_shared>> -> memref<10000x64xf32, #tpu.memory_space<vmem_shared>>
      tpu.wait_indirect_dma semaphore(%run_scoped3A_166 : memref<!tpu.dma_semaphore, #tpu.memory_space<semaphore_mem>>) src(%arg12 : memref<80x64xf32, #tpu.memory_space<vmem>>) dst(%dma_wait3A_178 : memref<10000x64xf32, #tpu.memory_space<vmem_shared>>)
      tpu.yield
    }) : () -> ()
    %barrier3A_153 = arith.constant 0 : index
    tpu.barrier barrier_id(%barrier3A_153)
    %scan3A_154 = arith.constant 0 : i32
    %scan3A_155 = arith.constant 0 : i32
    %scan3A_156 = arith.constant 8 : i32
    %scan3A_157 = arith.addi %scan3A_155, %scan3A_156 : i32
    %scan3A_158 = arith.constant 1 : i32
    scf.for %scan3A_166 = %scan3A_155 to %scan3A_157 step %scan3A_158  : i32 {
      %mul3A_167 = arith.constant 16 : i32
      %mul3A_168 = arith.muli %scan3A_166, %mul3A_167 : i32
      %add3A_169 = arith.addi %arg1, %mul3A_168 : i32
      %lt3A = arith.constant 125 : i32
      %lt3A_170 = arith.cmpi slt, %add3A_169, %lt3A : i32
      %convert_element_type3A = arith.extui %lt3A_170 : i1 to i32
      %cond3A = arith.constant 0 : i32
      %cond3A_171 = arith.cmpi ne, %convert_element_type3A, %cond3A : i32
      scf.if %cond3A_171 {
        %mul3A_172 = arith.constant 80 : i32
        %mul3A_173 = arith.muli %add3A_169, %mul3A_172 : i32
        %mul3A_174 = arith.constant 80 : i32
        %mul3A_175 = arith.muli %add3A_169, %mul3A_174 : i32
        %dma_start3A_176 = arith.constant 0 : i32
        %dma_start3A_177 = tpu.memref_slice %arg4[%arg0, %mul3A_175, %dma_start3A_176] : memref<2x10000x64xf32, #tpu.memory_space<hbm>> -> memref<1x80x64xf32, #tpu.memory_space<hbm>>
        %dma_start3A_178 = tpu.memref_squeeze %dma_start3A_177 : memref<1x80x64xf32, #tpu.memory_space<hbm>> -> memref<80x64xf32, #tpu.memory_space<hbm>>
        %dma_start3A_179 = arith.constant 0 : i32
        %dma_start3A_180 = tpu.memref_slice %arg5[%mul3A_173, %dma_start3A_179] : memref<10000x64xf32, #tpu.memory_space<vmem_shared>> -> memref<80x64xf32, #tpu.memory_space<vmem_shared>>
        tpu.enqueue_dma source(%dma_start3A_180 : memref<80x64xf32, #tpu.memory_space<vmem_shared>>) target(%dma_start3A_178 : memref<80x64xf32, #tpu.memory_space<hbm>>) target_semaphore(%arg16 : memref<!tpu.dma_semaphore, #tpu.memory_space<semaphore_mem>>)
      } else {
      }
    }
    %scan3A_159 = arith.constant 8 : i32
    %scan3A_160 = arith.constant 0 : i32
    %scan3A_161 = arith.constant 0 : i32
    %scan3A_162 = arith.constant 8 : i32
    %scan3A_163 = arith.addi %scan3A_161, %scan3A_162 : i32
    %scan3A_164 = arith.constant 1 : i32
    scf.for %scan3A_166 = %scan3A_161 to %scan3A_163 step %scan3A_164  : i32 {
      %mul3A_167 = arith.constant 16 : i32
      %mul3A_168 = arith.muli %scan3A_166, %mul3A_167 : i32
      %add3A_169 = arith.addi %arg1, %mul3A_168 : i32
      %lt3A = arith.constant 125 : i32
      %lt3A_170 = arith.cmpi slt, %add3A_169, %lt3A : i32
      %convert_element_type3A = arith.extui %lt3A_170 : i1 to i32
      %cond3A = arith.constant 0 : i32
      %cond3A_171 = arith.cmpi ne, %convert_element_type3A, %cond3A : i32
      scf.if %cond3A_171 {
        %mul3A_172 = arith.constant 80 : i32
        %mul3A_173 = arith.muli %add3A_169, %mul3A_172 : i32
        %mul3A_174 = arith.constant 80 : i32
        %mul3A_175 = arith.muli %add3A_169, %mul3A_174 : i32
        %dma_wait3A_176 = arith.constant 0 : i32
        %dma_wait3A_177 = tpu.memref_slice %arg4[%arg0, %mul3A_175, %dma_wait3A_176] : memref<2x10000x64xf32, #tpu.memory_space<hbm>> -> memref<1x80x64xf32, #tpu.memory_space<hbm>>
        %dma_wait3A_178 = tpu.memref_squeeze %dma_wait3A_177 : memref<1x80x64xf32, #tpu.memory_space<hbm>> -> memref<80x64xf32, #tpu.memory_space<hbm>>
        %dma_wait3A_179 = arith.constant 0 : i32
        %dma_wait3A_180 = tpu.memref_slice %arg5[%mul3A_173, %dma_wait3A_179] : memref<10000x64xf32, #tpu.memory_space<vmem_shared>> -> memref<80x64xf32, #tpu.memory_space<vmem_shared>>
        tpu.wait_dma2 semaphore(%arg16 : memref<!tpu.dma_semaphore, #tpu.memory_space<semaphore_mem>>) src(%dma_wait3A_180 : memref<80x64xf32, #tpu.memory_space<vmem_shared>>) dst(%dma_wait3A_178 : memref<80x64xf32, #tpu.memory_space<hbm>>)
      } else {
      }
    }
    %scan3A_165 = arith.constant 8 : i32
    return
  }
}

#map = affine_map<(d0, d1) -> (0, 0, 0, 0)>
#map1 = affine_map<(d0, d1) -> (0, 0, 0)>
module attributes {stable_mosaic.version = 14 : i64} {
  func.func @k(%arg0: i32, %arg1: i32, %arg2: memref<2x32x125x80xi32, #tpu.memory_space<hbm>>, %arg3: memref<2x10000x16xf32, #tpu.memory_space<hbm>>, %arg4: memref<10000x16xf32, #tpu.memory_space<vmem_shared>>, %arg5: memref<125x80xi32, #tpu.memory_space<vmem>>, %arg6: memref<80x16xf32, #tpu.memory_space<vmem>>, %arg7: memref<80x16xf32, #tpu.memory_space<vmem>>, %arg8: memref<!tpu.dma_semaphore, #tpu.memory_space<semaphore_mem>>, %arg9: memref<!tpu.dma_semaphore, #tpu.memory_space<semaphore_mem>>, %arg10: memref<!tpu.dma_semaphore, #tpu.memory_space<semaphore_mem>>) attributes {dimension_semantics = [#tpu.dimension_semantics<core_parallel>, #tpu.dimension_semantics<subcore_parallel>], iteration_bounds = array<i64: 2, 16>, scalar_prefetch = 0 : i64, scratch_operands = 7 : i64, tpu.core_type = #tpu.core_type<sc_vector_subcore>, window_params = [{transform_indices = #map}, {transform_indices = #map1}]} {
    %mul3A = arith.constant 16 : i32
    %mul3A_0 = arith.muli %arg0, %mul3A : i32
    %add3A = arith.addi %mul3A_0, %arg1 : i32
    %dma_start3A = arith.constant 0 : i32
    %dma_start3A_1 = arith.constant 0 : i32
    %dma_start3A_2 = arith.constant 0 : i32
    %dma_start3A_3 = tpu.memref_slice %arg2[%dma_start3A, %add3A, %dma_start3A_1, %dma_start3A_2] : memref<2x32x125x80xi32, #tpu.memory_space<hbm>> -> memref<1x1x125x80xi32, #tpu.memory_space<hbm>>
    %dma_start3A_4 = tpu.memref_squeeze %dma_start3A_3 : memref<1x1x125x80xi32, #tpu.memory_space<hbm>> -> memref<125x80xi32, #tpu.memory_space<hbm>>
    %dma_start3A_5 = arith.constant 0 : i32
    %dma_start3A_6 = arith.constant 0 : i32
    %dma_start3A_7 = tpu.memref_slice %arg2[%dma_start3A, %add3A, %dma_start3A_5, %dma_start3A_6] : memref<2x32x125x80xi32, #tpu.memory_space<hbm>> -> memref<1x1x125x80xi32, #tpu.memory_space<hbm>>
    %dma_start3A_8 = tpu.memref_squeeze %dma_start3A_7 : memref<1x1x125x80xi32, #tpu.memory_space<hbm>> -> memref<125x80xi32, #tpu.memory_space<hbm>>
    tpu.enqueue_dma source(%dma_start3A_8 : memref<125x80xi32, #tpu.memory_space<hbm>>) target(%arg5 : memref<125x80xi32, #tpu.memory_space<vmem>>) target_semaphore(%arg8 : memref<!tpu.dma_semaphore, #tpu.memory_space<semaphore_mem>>)
    %scan3A = arith.constant 0 : i32
    %scan3A_9 = arith.constant 0 : i32
    %scan3A_10 = arith.constant 80 : i32
    %scan3A_11 = arith.addi %scan3A_9, %scan3A_10 : i32
    %scan3A_12 = arith.constant 1 : i32
    scf.for %scan3A_87 = %scan3A_9 to %scan3A_11 step %scan3A_12  : i32 {
      %broadcast_in_dim3A = arith.constant 1.000000e+00 : f32
      %broadcast_in_dim3A_88 = vector.broadcast %broadcast_in_dim3A : f32 to vector<16xf32>
      %swap3A = arith.index_cast %scan3A_87 : i32 to index
      %swap3A_89 = arith.constant 0 : index
      %swap3A_90 = tpu.vector_load %arg6[%swap3A, %swap3A_89] {strides = array<i32>} : memref<80x16xf32, #tpu.memory_space<vmem>>, vector<1x16xf32>,
      %swap3A_91 = vector.shape_cast %swap3A_90 : vector<1x16xf32> to vector<16xf32>
      %swap3A_92 = vector.shape_cast %broadcast_in_dim3A_88 : vector<16xf32> to vector<1x16xf32>
      tpu.vector_store %arg6[%swap3A, %swap3A_89], %swap3A_92 {strides = array<i32>} : memref<80x16xf32, #tpu.memory_space<vmem>>, vector<1x16xf32>,
    }
    %scan3A_13 = arith.constant 80 : i32
    %scan3A_14 = arith.constant 0 : i32
    %scan3A_15 = arith.constant 0 : i32
    %scan3A_16 = arith.constant 80 : i32
    %scan3A_17 = arith.addi %scan3A_15, %scan3A_16 : i32
    %scan3A_18 = arith.constant 1 : i32
    scf.for %scan3A_87 = %scan3A_15 to %scan3A_17 step %scan3A_18  : i32 {
      %broadcast_in_dim3A = arith.constant 0.000000e+00 : f32
      %broadcast_in_dim3A_88 = vector.broadcast %broadcast_in_dim3A : f32 to vector<16xf32>
      %swap3A = arith.index_cast %scan3A_87 : i32 to index
      %swap3A_89 = arith.constant 0 : index
      %swap3A_90 = tpu.vector_load %arg7[%swap3A, %swap3A_89] {strides = array<i32>} : memref<80x16xf32, #tpu.memory_space<vmem>>, vector<1x16xf32>,
      %swap3A_91 = vector.shape_cast %swap3A_90 : vector<1x16xf32> to vector<16xf32>
      %swap3A_92 = vector.shape_cast %broadcast_in_dim3A_88 : vector<16xf32> to vector<1x16xf32>
      tpu.vector_store %arg7[%swap3A, %swap3A_89], %swap3A_92 {strides = array<i32>} : memref<80x16xf32, #tpu.memory_space<vmem>>, vector<1x16xf32>,
    }
    %scan3A_19 = arith.constant 80 : i32
    %scan3A_20 = arith.constant 0 : i32
    %scan3A_21 = arith.constant 0 : i32
    %scan3A_22 = arith.constant 8 : i32
    %scan3A_23 = arith.addi %scan3A_21, %scan3A_22 : i32
    %scan3A_24 = arith.constant 1 : i32
    scf.for %scan3A_87 = %scan3A_21 to %scan3A_23 step %scan3A_24  : i32 {
      %mul3A_88 = arith.constant 16 : i32
      %mul3A_89 = arith.muli %scan3A_87, %mul3A_88 : i32
      %add3A_90 = arith.addi %arg1, %mul3A_89 : i32
      %lt3A = arith.constant 125 : i32
      %lt3A_91 = arith.cmpi slt, %add3A_90, %lt3A : i32
      %convert_element_type3A = arith.extui %lt3A_91 : i1 to i32
      %cond3A = arith.constant 0 : i32
      %cond3A_92 = arith.cmpi ne, %convert_element_type3A, %cond3A : i32
      scf.if %cond3A_92 {
        %mul3A_93 = arith.constant 80 : i32
        %mul3A_94 = arith.muli %add3A_90, %mul3A_93 : i32
        %dma_start3A_95 = arith.constant 0 : i32
        %dma_start3A_96 = tpu.memref_slice %arg4[%mul3A_94, %dma_start3A_95] : memref<10000x16xf32, #tpu.memory_space<vmem_shared>> -> memref<80x16xf32, #tpu.memory_space<vmem_shared>>
        %dma_start3A_97 = arith.constant 0 : i32
        %dma_start3A_98 = tpu.memref_slice %arg4[%mul3A_94, %dma_start3A_97] : memref<10000x16xf32, #tpu.memory_space<vmem_shared>> -> memref<80x16xf32, #tpu.memory_space<vmem_shared>>
        tpu.enqueue_dma source(%arg7 : memref<80x16xf32, #tpu.memory_space<vmem>>) target(%dma_start3A_98 : memref<80x16xf32, #tpu.memory_space<vmem_shared>>) target_semaphore(%arg10 : memref<!tpu.dma_semaphore, #tpu.memory_space<semaphore_mem>>)
      } else {
      }
    }
    %scan3A_25 = arith.constant 8 : i32
    %scan3A_26 = arith.constant 0 : i32
    %scan3A_27 = arith.constant 0 : i32
    %scan3A_28 = arith.constant 8 : i32
    %scan3A_29 = arith.addi %scan3A_27, %scan3A_28 : i32
    %scan3A_30 = arith.constant 1 : i32
    scf.for %scan3A_87 = %scan3A_27 to %scan3A_29 step %scan3A_30  : i32 {
      %mul3A_88 = arith.constant 16 : i32
      %mul3A_89 = arith.muli %scan3A_87, %mul3A_88 : i32
      %add3A_90 = arith.addi %arg1, %mul3A_89 : i32
      %lt3A = arith.constant 125 : i32
      %lt3A_91 = arith.cmpi slt, %add3A_90, %lt3A : i32
      %convert_element_type3A = arith.extui %lt3A_91 : i1 to i32
      %cond3A = arith.constant 0 : i32
      %cond3A_92 = arith.cmpi ne, %convert_element_type3A, %cond3A : i32
      scf.if %cond3A_92 {
        %mul3A_93 = arith.constant 80 : i32
        %mul3A_94 = arith.muli %add3A_90, %mul3A_93 : i32
        %dma_wait3A_95 = arith.constant 0 : i32
        %dma_wait3A_96 = tpu.memref_slice %arg4[%mul3A_94, %dma_wait3A_95] : memref<10000x16xf32, #tpu.memory_space<vmem_shared>> -> memref<80x16xf32, #tpu.memory_space<vmem_shared>>
        %dma_wait3A_97 = arith.constant 0 : i32
        %dma_wait3A_98 = tpu.memref_slice %arg4[%mul3A_94, %dma_wait3A_97] : memref<10000x16xf32, #tpu.memory_space<vmem_shared>> -> memref<80x16xf32, #tpu.memory_space<vmem_shared>>
        tpu.wait_dma2 semaphore(%arg10 : memref<!tpu.dma_semaphore, #tpu.memory_space<semaphore_mem>>) src(%arg7 : memref<80x16xf32, #tpu.memory_space<vmem>>) dst(%dma_wait3A_98 : memref<80x16xf32, #tpu.memory_space<vmem_shared>>)
      } else {
      }
    }
    %scan3A_31 = arith.constant 8 : i32
    %barrier3A = arith.constant 0 : index
    tpu.barrier barrier_id(%barrier3A)
    %dma_wait3A = arith.constant 0 : i32
    %dma_wait3A_32 = arith.constant 0 : i32
    %dma_wait3A_33 = arith.constant 0 : i32
    %dma_wait3A_34 = tpu.memref_slice %arg2[%dma_wait3A, %add3A, %dma_wait3A_32, %dma_wait3A_33] : memref<2x32x125x80xi32, #tpu.memory_space<hbm>> -> memref<1x1x125x80xi32, #tpu.memory_space<hbm>>
    %dma_wait3A_35 = tpu.memref_squeeze %dma_wait3A_34 : memref<1x1x125x80xi32, #tpu.memory_space<hbm>> -> memref<125x80xi32, #tpu.memory_space<hbm>>
    %dma_wait3A_36 = arith.constant 0 : i32
    %dma_wait3A_37 = arith.constant 0 : i32
    %dma_wait3A_38 = tpu.memref_slice %arg2[%dma_wait3A, %add3A, %dma_wait3A_36, %dma_wait3A_37] : memref<2x32x125x80xi32, #tpu.memory_space<hbm>> -> memref<1x1x125x80xi32, #tpu.memory_space<hbm>>
    %dma_wait3A_39 = tpu.memref_squeeze %dma_wait3A_38 : memref<1x1x125x80xi32, #tpu.memory_space<hbm>> -> memref<125x80xi32, #tpu.memory_space<hbm>>
    tpu.wait_dma2 semaphore(%arg8 : memref<!tpu.dma_semaphore, #tpu.memory_space<semaphore_mem>>) src(%dma_wait3A_39 : memref<125x80xi32, #tpu.memory_space<hbm>>) dst(%arg5 : memref<125x80xi32, #tpu.memory_space<vmem>>)
    %scan3A_40 = arith.constant 0 : i32
    %scan3A_41 = arith.constant 0 : i32
    %scan3A_42 = arith.constant 125 : i32
    %scan3A_43 = arith.addi %scan3A_41, %scan3A_42 : i32
    %scan3A_44 = arith.constant 1 : i32
    scf.for %scan3A_87 = %scan3A_41 to %scan3A_43 step %scan3A_44  : i32 {
      %dma_start3A_88 = arith.constant 0 : i32
      %dma_start3A_89 = tpu.memref_slice %arg5[%scan3A_87, %dma_start3A_88] : memref<125x80xi32, #tpu.memory_space<vmem>> -> memref<1x80xi32, #tpu.memory_space<vmem>>
      %dma_start3A_90 = tpu.memref_squeeze %dma_start3A_89 : memref<1x80xi32, #tpu.memory_space<vmem>> -> memref<80xi32, #tpu.memory_space<vmem>>
      %dma_start3A_91 = arith.constant 0 : i32
      %dma_start3A_92 = arith.constant 0 : i32
      %dma_start3A_93 = tpu.memref_slice %arg4[%dma_start3A_91, %dma_start3A_92] : memref<10000x16xf32, #tpu.memory_space<vmem_shared>> -> memref<10000x16xf32, #tpu.memory_space<vmem_shared>>
      tpu.enqueue_indirect_dma source(%arg6 : memref<80x16xf32, #tpu.memory_space<vmem>>) target(%dma_start3A_93 : memref<10000x16xf32, #tpu.memory_space<vmem_shared>>) offsets(%dma_start3A_90 : memref<80xi32, #tpu.memory_space<vmem>>) semaphore(%arg9 : memref<!tpu.dma_semaphore, #tpu.memory_space<semaphore_mem>>) {add = true}
      %ge3A = arith.constant 4 : i32
      %ge3A_94 = arith.cmpi sge, %scan3A_87, %ge3A : i32
      %convert_element_type3A = arith.extui %ge3A_94 : i1 to i32
      %cond3A = arith.constant 0 : i32
      %cond3A_95 = arith.cmpi ne, %convert_element_type3A, %cond3A : i32
      scf.if %cond3A_95 {
        %dma_wait3A_96 = arith.constant 0 : i32
        %dma_wait3A_97 = tpu.memref_slice %arg5[%scan3A_87, %dma_wait3A_96] : memref<125x80xi32, #tpu.memory_space<vmem>> -> memref<1x80xi32, #tpu.memory_space<vmem>>
        %dma_wait3A_98 = tpu.memref_squeeze %dma_wait3A_97 : memref<1x80xi32, #tpu.memory_space<vmem>> -> memref<80xi32, #tpu.memory_space<vmem>>
        %dma_wait3A_99 = arith.constant 0 : i32
        %dma_wait3A_100 = arith.constant 0 : i32
        %dma_wait3A_101 = tpu.memref_slice %arg4[%dma_wait3A_99, %dma_wait3A_100] : memref<10000x16xf32, #tpu.memory_space<vmem_shared>> -> memref<10000x16xf32, #tpu.memory_space<vmem_shared>>
        tpu.wait_indirect_dma semaphore(%arg9 : memref<!tpu.dma_semaphore, #tpu.memory_space<semaphore_mem>>) src(%arg6 : memref<80x16xf32, #tpu.memory_space<vmem>>) dst(%dma_wait3A_101 : memref<10000x16xf32, #tpu.memory_space<vmem_shared>>)
      } else {
      }
    }
    %scan3A_45 = arith.constant 125 : i32
    %dma_wait3A_46 = arith.constant 0 : i32
    %dma_wait3A_47 = arith.constant 0 : i32
    %dma_wait3A_48 = tpu.memref_slice %arg5[%dma_wait3A_46, %dma_wait3A_47] : memref<125x80xi32, #tpu.memory_space<vmem>> -> memref<1x80xi32, #tpu.memory_space<vmem>>
    %dma_wait3A_49 = tpu.memref_squeeze %dma_wait3A_48 : memref<1x80xi32, #tpu.memory_space<vmem>> -> memref<80xi32, #tpu.memory_space<vmem>>
    %dma_wait3A_50 = arith.constant 0 : i32
    %dma_wait3A_51 = arith.constant 0 : i32
    %dma_wait3A_52 = tpu.memref_slice %arg4[%dma_wait3A_50, %dma_wait3A_51] : memref<10000x16xf32, #tpu.memory_space<vmem_shared>> -> memref<10000x16xf32, #tpu.memory_space<vmem_shared>>
    tpu.wait_indirect_dma semaphore(%arg9 : memref<!tpu.dma_semaphore, #tpu.memory_space<semaphore_mem>>) src(%arg6 : memref<80x16xf32, #tpu.memory_space<vmem>>) dst(%dma_wait3A_52 : memref<10000x16xf32, #tpu.memory_space<vmem_shared>>)
    %dma_wait3A_53 = arith.constant 0 : i32
    %dma_wait3A_54 = arith.constant 0 : i32
    %dma_wait3A_55 = tpu.memref_slice %arg5[%dma_wait3A_53, %dma_wait3A_54] : memref<125x80xi32, #tpu.memory_space<vmem>> -> memref<1x80xi32, #tpu.memory_space<vmem>>
    %dma_wait3A_56 = tpu.memref_squeeze %dma_wait3A_55 : memref<1x80xi32, #tpu.memory_space<vmem>> -> memref<80xi32, #tpu.memory_space<vmem>>
    %dma_wait3A_57 = arith.constant 0 : i32
    %dma_wait3A_58 = arith.constant 0 : i32
    %dma_wait3A_59 = tpu.memref_slice %arg4[%dma_wait3A_57, %dma_wait3A_58] : memref<10000x16xf32, #tpu.memory_space<vmem_shared>> -> memref<10000x16xf32, #tpu.memory_space<vmem_shared>>
    tpu.wait_indirect_dma semaphore(%arg9 : memref<!tpu.dma_semaphore, #tpu.memory_space<semaphore_mem>>) src(%arg6 : memref<80x16xf32, #tpu.memory_space<vmem>>) dst(%dma_wait3A_59 : memref<10000x16xf32, #tpu.memory_space<vmem_shared>>)
    %dma_wait3A_60 = arith.constant 0 : i32
    %dma_wait3A_61 = arith.constant 0 : i32
    %dma_wait3A_62 = tpu.memref_slice %arg5[%dma_wait3A_60, %dma_wait3A_61] : memref<125x80xi32, #tpu.memory_space<vmem>> -> memref<1x80xi32, #tpu.memory_space<vmem>>
    %dma_wait3A_63 = tpu.memref_squeeze %dma_wait3A_62 : memref<1x80xi32, #tpu.memory_space<vmem>> -> memref<80xi32, #tpu.memory_space<vmem>>
    %dma_wait3A_64 = arith.constant 0 : i32
    %dma_wait3A_65 = arith.constant 0 : i32
    %dma_wait3A_66 = tpu.memref_slice %arg4[%dma_wait3A_64, %dma_wait3A_65] : memref<10000x16xf32, #tpu.memory_space<vmem_shared>> -> memref<10000x16xf32, #tpu.memory_space<vmem_shared>>
    tpu.wait_indirect_dma semaphore(%arg9 : memref<!tpu.dma_semaphore, #tpu.memory_space<semaphore_mem>>) src(%arg6 : memref<80x16xf32, #tpu.memory_space<vmem>>) dst(%dma_wait3A_66 : memref<10000x16xf32, #tpu.memory_space<vmem_shared>>)
    %dma_wait3A_67 = arith.constant 0 : i32
    %dma_wait3A_68 = arith.constant 0 : i32
    %dma_wait3A_69 = tpu.memref_slice %arg5[%dma_wait3A_67, %dma_wait3A_68] : memref<125x80xi32, #tpu.memory_space<vmem>> -> memref<1x80xi32, #tpu.memory_space<vmem>>
    %dma_wait3A_70 = tpu.memref_squeeze %dma_wait3A_69 : memref<1x80xi32, #tpu.memory_space<vmem>> -> memref<80xi32, #tpu.memory_space<vmem>>
    %dma_wait3A_71 = arith.constant 0 : i32
    %dma_wait3A_72 = arith.constant 0 : i32
    %dma_wait3A_73 = tpu.memref_slice %arg4[%dma_wait3A_71, %dma_wait3A_72] : memref<10000x16xf32, #tpu.memory_space<vmem_shared>> -> memref<10000x16xf32, #tpu.memory_space<vmem_shared>>
    tpu.wait_indirect_dma semaphore(%arg9 : memref<!tpu.dma_semaphore, #tpu.memory_space<semaphore_mem>>) src(%arg6 : memref<80x16xf32, #tpu.memory_space<vmem>>) dst(%dma_wait3A_73 : memref<10000x16xf32, #tpu.memory_space<vmem_shared>>)
    %barrier3A_74 = arith.constant 0 : index
    tpu.barrier barrier_id(%barrier3A_74)
    %scan3A_75 = arith.constant 0 : i32
    %scan3A_76 = arith.constant 0 : i32
    %scan3A_77 = arith.constant 8 : i32
    %scan3A_78 = arith.addi %scan3A_76, %scan3A_77 : i32
    %scan3A_79 = arith.constant 1 : i32
    scf.for %scan3A_87 = %scan3A_76 to %scan3A_78 step %scan3A_79  : i32 {
      %mul3A_88 = arith.constant 16 : i32
      %mul3A_89 = arith.muli %scan3A_87, %mul3A_88 : i32
      %add3A_90 = arith.addi %arg1, %mul3A_89 : i32
      %lt3A = arith.constant 125 : i32
      %lt3A_91 = arith.cmpi slt, %add3A_90, %lt3A : i32
      %convert_element_type3A = arith.extui %lt3A_91 : i1 to i32
      %cond3A = arith.constant 0 : i32
      %cond3A_92 = arith.cmpi ne, %convert_element_type3A, %cond3A : i32
      scf.if %cond3A_92 {
        %mul3A_93 = arith.constant 80 : i32
        %mul3A_94 = arith.muli %add3A_90, %mul3A_93 : i32
        %mul3A_95 = arith.constant 80 : i32
        %mul3A_96 = arith.muli %add3A_90, %mul3A_95 : i32
        %dma_start3A_97 = arith.constant 0 : i32
        %dma_start3A_98 = tpu.memref_slice %arg3[%arg0, %mul3A_96, %dma_start3A_97] : memref<2x10000x16xf32, #tpu.memory_space<hbm>> -> memref<1x80x16xf32, #tpu.memory_space<hbm>>
        %dma_start3A_99 = tpu.memref_squeeze %dma_start3A_98 : memref<1x80x16xf32, #tpu.memory_space<hbm>> -> memref<80x16xf32, #tpu.memory_space<hbm>>
        %dma_start3A_100 = arith.constant 0 : i32
        %dma_start3A_101 = tpu.memref_slice %arg4[%mul3A_94, %dma_start3A_100] : memref<10000x16xf32, #tpu.memory_space<vmem_shared>> -> memref<80x16xf32, #tpu.memory_space<vmem_shared>>
        tpu.enqueue_dma source(%dma_start3A_101 : memref<80x16xf32, #tpu.memory_space<vmem_shared>>) target(%dma_start3A_99 : memref<80x16xf32, #tpu.memory_space<hbm>>) target_semaphore(%arg8 : memref<!tpu.dma_semaphore, #tpu.memory_space<semaphore_mem>>)
      } else {
      }
    }
    %scan3A_80 = arith.constant 8 : i32
    %scan3A_81 = arith.constant 0 : i32
    %scan3A_82 = arith.constant 0 : i32
    %scan3A_83 = arith.constant 8 : i32
    %scan3A_84 = arith.addi %scan3A_82, %scan3A_83 : i32
    %scan3A_85 = arith.constant 1 : i32
    scf.for %scan3A_87 = %scan3A_82 to %scan3A_84 step %scan3A_85  : i32 {
      %mul3A_88 = arith.constant 16 : i32
      %mul3A_89 = arith.muli %scan3A_87, %mul3A_88 : i32
      %add3A_90 = arith.addi %arg1, %mul3A_89 : i32
      %lt3A = arith.constant 125 : i32
      %lt3A_91 = arith.cmpi slt, %add3A_90, %lt3A : i32
      %convert_element_type3A = arith.extui %lt3A_91 : i1 to i32
      %cond3A = arith.constant 0 : i32
      %cond3A_92 = arith.cmpi ne, %convert_element_type3A, %cond3A : i32
      scf.if %cond3A_92 {
        %mul3A_93 = arith.constant 80 : i32
        %mul3A_94 = arith.muli %add3A_90, %mul3A_93 : i32
        %mul3A_95 = arith.constant 80 : i32
        %mul3A_96 = arith.muli %add3A_90, %mul3A_95 : i32
        %dma_wait3A_97 = arith.constant 0 : i32
        %dma_wait3A_98 = tpu.memref_slice %arg3[%arg0, %mul3A_96, %dma_wait3A_97] : memref<2x10000x16xf32, #tpu.memory_space<hbm>> -> memref<1x80x16xf32, #tpu.memory_space<hbm>>
        %dma_wait3A_99 = tpu.memref_squeeze %dma_wait3A_98 : memref<1x80x16xf32, #tpu.memory_space<hbm>> -> memref<80x16xf32, #tpu.memory_space<hbm>>
        %dma_wait3A_100 = arith.constant 0 : i32
        %dma_wait3A_101 = tpu.memref_slice %arg4[%mul3A_94, %dma_wait3A_100] : memref<10000x16xf32, #tpu.memory_space<vmem_shared>> -> memref<80x16xf32, #tpu.memory_space<vmem_shared>>
        tpu.wait_dma2 semaphore(%arg8 : memref<!tpu.dma_semaphore, #tpu.memory_space<semaphore_mem>>) src(%dma_wait3A_101 : memref<80x16xf32, #tpu.memory_space<vmem_shared>>) dst(%dma_wait3A_99 : memref<80x16xf32, #tpu.memory_space<hbm>>)
      } else {
      }
    }
    %scan3A_86 = arith.constant 8 : i32
    return
  }
}

#map = affine_map<(d0, d1) -> (0, 0)>
#map1 = affine_map<(d0, d1) -> (0, 0, 0, 0)>
#map2 = affine_map<(d0, d1) -> (0, 0, 0)>
module attributes {stable_mosaic.version = 14 : i64} {
  func.func @k(%arg0: i32, %arg1: i32, %arg2: memref<10000x128xf32, #tpu.memory_space<hbm>>, %arg3: memref<2x32x125x80xi32, #tpu.memory_space<hbm>>, %arg4: memref<2x10000x128xf32, #tpu.memory_space<hbm>>, %arg5: memref<10000x128xf32, #tpu.memory_space<vmem_shared>>, %arg6: memref<125x80xi32, #tpu.memory_space<vmem>>, %arg7: memref<125x80xi32, #tpu.memory_space<vmem>>, %arg8: memref<80x128xf32, #tpu.memory_space<vmem>>, %arg9: memref<80x128xf32, #tpu.memory_space<vmem>>, %arg10: memref<80x128xf32, #tpu.memory_space<vmem>>, %arg11: memref<!tpu.dma_semaphore, #tpu.memory_space<semaphore_mem>>, %arg12: memref<!tpu.dma_semaphore, #tpu.memory_space<semaphore_mem>>, %arg13: memref<!tpu.dma_semaphore, #tpu.memory_space<semaphore_mem>>, %arg14: memref<!tpu.dma_semaphore, #tpu.memory_space<semaphore_mem>>, %arg15: memref<!tpu.dma_semaphore, #tpu.memory_space<semaphore_mem>>, %arg16: memref<!tpu.dma_semaphore, #tpu.memory_space<semaphore_mem>>, %arg17: memref<!tpu.dma_semaphore, #tpu.memory_space<semaphore_mem>>, %arg18: memref<!tpu.dma_semaphore, #tpu.memory_space<semaphore_mem>>) attributes {dimension_semantics = [#tpu.dimension_semantics<core_parallel>, #tpu.dimension_semantics<subcore_parallel>], iteration_bounds = array<i64: 2, 16>, scalar_prefetch = 0 : i64, scratch_operands = 14 : i64, tpu.core_type = #tpu.core_type<sc_vector_subcore>, window_params = [{transform_indices = #map}, {transform_indices = #map1}, {transform_indices = #map2}]} {
    %mul3A = arith.constant 16 : i32
    %mul3A_0 = arith.muli %arg0, %mul3A : i32
    %add3A = arith.addi %mul3A_0, %arg1 : i32
    %dma_start3A = arith.constant 1 : i32
    %dma_start3A_1 = arith.constant 0 : i32
    %dma_start3A_2 = arith.constant 0 : i32
    %dma_start3A_3 = tpu.memref_slice %arg3[%dma_start3A, %add3A, %dma_start3A_1, %dma_start3A_2] : memref<2x32x125x80xi32, #tpu.memory_space<hbm>> -> memref<1x1x125x80xi32, #tpu.memory_space<hbm>>
    %dma_start3A_4 = tpu.memref_squeeze %dma_start3A_3 : memref<1x1x125x80xi32, #tpu.memory_space<hbm>> -> memref<125x80xi32, #tpu.memory_space<hbm>>
    %dma_start3A_5 = arith.constant 0 : i32
    %dma_start3A_6 = arith.constant 0 : i32
    %dma_start3A_7 = tpu.memref_slice %arg3[%dma_start3A, %add3A, %dma_start3A_5, %dma_start3A_6] : memref<2x32x125x80xi32, #tpu.memory_space<hbm>> -> memref<1x1x125x80xi32, #tpu.memory_space<hbm>>
    %dma_start3A_8 = tpu.memref_squeeze %dma_start3A_7 : memref<1x1x125x80xi32, #tpu.memory_space<hbm>> -> memref<125x80xi32, #tpu.memory_space<hbm>>
    tpu.enqueue_dma source(%dma_start3A_8 : memref<125x80xi32, #tpu.memory_space<hbm>>) target(%arg6 : memref<125x80xi32, #tpu.memory_space<vmem>>) target_semaphore(%arg11 : memref<!tpu.dma_semaphore, #tpu.memory_space<semaphore_mem>>)
    %dma_start3A_9 = arith.constant 0 : i32
    %dma_start3A_10 = arith.constant 0 : i32
    %dma_start3A_11 = arith.constant 0 : i32
    %dma_start3A_12 = tpu.memref_slice %arg3[%dma_start3A_9, %add3A, %dma_start3A_10, %dma_start3A_11] : memref<2x32x125x80xi32, #tpu.memory_space<hbm>> -> memref<1x1x125x80xi32, #tpu.memory_space<hbm>>
    %dma_start3A_13 = tpu.memref_squeeze %dma_start3A_12 : memref<1x1x125x80xi32, #tpu.memory_space<hbm>> -> memref<125x80xi32, #tpu.memory_space<hbm>>
    %dma_start3A_14 = arith.constant 0 : i32
    %dma_start3A_15 = arith.constant 0 : i32
    %dma_start3A_16 = tpu.memref_slice %arg3[%dma_start3A_9, %add3A, %dma_start3A_14, %dma_start3A_15] : memref<2x32x125x80xi32, #tpu.memory_space<hbm>> -> memref<1x1x125x80xi32, #tpu.memory_space<hbm>>
    %dma_start3A_17 = tpu.memref_squeeze %dma_start3A_16 : memref<1x1x125x80xi32, #tpu.memory_space<hbm>> -> memref<125x80xi32, #tpu.memory_space<hbm>>
    tpu.enqueue_dma source(%dma_start3A_17 : memref<125x80xi32, #tpu.memory_space<hbm>>) target(%arg7 : memref<125x80xi32, #tpu.memory_space<vmem>>) target_semaphore(%arg11 : memref<!tpu.dma_semaphore, #tpu.memory_space<semaphore_mem>>)
    %scan3A = arith.constant 0 : i32
    %scan3A_18 = arith.constant 0 : i32
    %scan3A_19 = arith.constant 80 : i32
    %scan3A_20 = arith.addi %scan3A_18, %scan3A_19 : i32
    %scan3A_21 = arith.constant 1 : i32
    scf.for %scan3A_107 = %scan3A_18 to %scan3A_20 step %scan3A_21  : i32 {
      %broadcast_in_dim3A = arith.constant 0.000000e+00 : f32
      %broadcast_in_dim3A_108 = vector.broadcast %broadcast_in_dim3A : f32 to vector<16xf32>
      %swap3A = arith.index_cast %scan3A_107 : i32 to index
      %swap3A_109 = arith.constant 0 : index
      %swap3A_110 = tpu.vector_load %arg8[%swap3A, %swap3A_109] {strides = array<i32>} : memref<80x128xf32, #tpu.memory_space<vmem>>, vector<1x16xf32>,
      %swap3A_111 = vector.shape_cast %swap3A_110 : vector<1x16xf32> to vector<16xf32>
      %swap3A_112 = vector.shape_cast %broadcast_in_dim3A_108 : vector<16xf32> to vector<1x16xf32>
      tpu.vector_store %arg8[%swap3A, %swap3A_109], %swap3A_112 {strides = array<i32>} : memref<80x128xf32, #tpu.memory_space<vmem>>, vector<1x16xf32>,
      %broadcast_in_dim3A_113 = arith.constant 0.000000e+00 : f32
      %broadcast_in_dim3A_114 = vector.broadcast %broadcast_in_dim3A_113 : f32 to vector<16xf32>
      %swap3A_115 = arith.index_cast %scan3A_107 : i32 to index
      %swap3A_116 = arith.constant 16 : index
      %swap3A_117 = tpu.vector_load %arg8[%swap3A_115, %swap3A_116] {strides = array<i32>} : memref<80x128xf32, #tpu.memory_space<vmem>>, vector<1x16xf32>,
      %swap3A_118 = vector.shape_cast %swap3A_117 : vector<1x16xf32> to vector<16xf32>
      %swap3A_119 = vector.shape_cast %broadcast_in_dim3A_114 : vector<16xf32> to vector<1x16xf32>
      tpu.vector_store %arg8[%swap3A_115, %swap3A_116], %swap3A_119 {strides = array<i32>} : memref<80x128xf32, #tpu.memory_space<vmem>>, vector<1x16xf32>,
      %broadcast_in_dim3A_120 = arith.constant 0.000000e+00 : f32
      %broadcast_in_dim3A_121 = vector.broadcast %broadcast_in_dim3A_120 : f32 to vector<16xf32>
      %swap3A_122 = arith.index_cast %scan3A_107 : i32 to index
      %swap3A_123 = arith.constant 32 : index
      %swap3A_124 = tpu.vector_load %arg8[%swap3A_122, %swap3A_123] {strides = array<i32>} : memref<80x128xf32, #tpu.memory_space<vmem>>, vector<1x16xf32>,
      %swap3A_125 = vector.shape_cast %swap3A_124 : vector<1x16xf32> to vector<16xf32>
      %swap3A_126 = vector.shape_cast %broadcast_in_dim3A_121 : vector<16xf32> to vector<1x16xf32>
      tpu.vector_store %arg8[%swap3A_122, %swap3A_123], %swap3A_126 {strides = array<i32>} : memref<80x128xf32, #tpu.memory_space<vmem>>, vector<1x16xf32>,
      %broadcast_in_dim3A_127 = arith.constant 0.000000e+00 : f32
      %broadcast_in_dim3A_128 = vector.broadcast %broadcast_in_dim3A_127 : f32 to vector<16xf32>
      %swap3A_129 = arith.index_cast %scan3A_107 : i32 to index
      %swap3A_130 = arith.constant 48 : index
      %swap3A_131 = tpu.vector_load %arg8[%swap3A_129, %swap3A_130] {strides = array<i32>} : memref<80x128xf32, #tpu.memory_space<vmem>>, vector<1x16xf32>,
      %swap3A_132 = vector.shape_cast %swap3A_131 : vector<1x16xf32> to vector<16xf32>
      %swap3A_133 = vector.shape_cast %broadcast_in_dim3A_128 : vector<16xf32> to vector<1x16xf32>
      tpu.vector_store %arg8[%swap3A_129, %swap3A_130], %swap3A_133 {strides = array<i32>} : memref<80x128xf32, #tpu.memory_space<vmem>>, vector<1x16xf32>,
      %broadcast_in_dim3A_134 = arith.constant 0.000000e+00 : f32
      %broadcast_in_dim3A_135 = vector.broadcast %broadcast_in_dim3A_134 : f32 to vector<16xf32>
      %swap3A_136 = arith.index_cast %scan3A_107 : i32 to index
      %swap3A_137 = arith.constant 64 : index
      %swap3A_138 = tpu.vector_load %arg8[%swap3A_136, %swap3A_137] {strides = array<i32>} : memref<80x128xf32, #tpu.memory_space<vmem>>, vector<1x16xf32>,
      %swap3A_139 = vector.shape_cast %swap3A_138 : vector<1x16xf32> to vector<16xf32>
      %swap3A_140 = vector.shape_cast %broadcast_in_dim3A_135 : vector<16xf32> to vector<1x16xf32>
      tpu.vector_store %arg8[%swap3A_136, %swap3A_137], %swap3A_140 {strides = array<i32>} : memref<80x128xf32, #tpu.memory_space<vmem>>, vector<1x16xf32>,
      %broadcast_in_dim3A_141 = arith.constant 0.000000e+00 : f32
      %broadcast_in_dim3A_142 = vector.broadcast %broadcast_in_dim3A_141 : f32 to vector<16xf32>
      %swap3A_143 = arith.index_cast %scan3A_107 : i32 to index
      %swap3A_144 = arith.constant 80 : index
      %swap3A_145 = tpu.vector_load %arg8[%swap3A_143, %swap3A_144] {strides = array<i32>} : memref<80x128xf32, #tpu.memory_space<vmem>>, vector<1x16xf32>,
      %swap3A_146 = vector.shape_cast %swap3A_145 : vector<1x16xf32> to vector<16xf32>
      %swap3A_147 = vector.shape_cast %broadcast_in_dim3A_142 : vector<16xf32> to vector<1x16xf32>
      tpu.vector_store %arg8[%swap3A_143, %swap3A_144], %swap3A_147 {strides = array<i32>} : memref<80x128xf32, #tpu.memory_space<vmem>>, vector<1x16xf32>,
      %broadcast_in_dim3A_148 = arith.constant 0.000000e+00 : f32
      %broadcast_in_dim3A_149 = vector.broadcast %broadcast_in_dim3A_148 : f32 to vector<16xf32>
      %swap3A_150 = arith.index_cast %scan3A_107 : i32 to index
      %swap3A_151 = arith.constant 96 : index
      %swap3A_152 = tpu.vector_load %arg8[%swap3A_150, %swap3A_151] {strides = array<i32>} : memref<80x128xf32, #tpu.memory_space<vmem>>, vector<1x16xf32>,
      %swap3A_153 = vector.shape_cast %swap3A_152 : vector<1x16xf32> to vector<16xf32>
      %swap3A_154 = vector.shape_cast %broadcast_in_dim3A_149 : vector<16xf32> to vector<1x16xf32>
      tpu.vector_store %arg8[%swap3A_150, %swap3A_151], %swap3A_154 {strides = array<i32>} : memref<80x128xf32, #tpu.memory_space<vmem>>, vector<1x16xf32>,
      %broadcast_in_dim3A_155 = arith.constant 0.000000e+00 : f32
      %broadcast_in_dim3A_156 = vector.broadcast %broadcast_in_dim3A_155 : f32 to vector<16xf32>
      %swap3A_157 = arith.index_cast %scan3A_107 : i32 to index
      %swap3A_158 = arith.constant 112 : index
      %swap3A_159 = tpu.vector_load %arg8[%swap3A_157, %swap3A_158] {strides = array<i32>} : memref<80x128xf32, #tpu.memory_space<vmem>>, vector<1x16xf32>,
      %swap3A_160 = vector.shape_cast %swap3A_159 : vector<1x16xf32> to vector<16xf32>
      %swap3A_161 = vector.shape_cast %broadcast_in_dim3A_156 : vector<16xf32> to vector<1x16xf32>
      tpu.vector_store %arg8[%swap3A_157, %swap3A_158], %swap3A_161 {strides = array<i32>} : memref<80x128xf32, #tpu.memory_space<vmem>>, vector<1x16xf32>,
    }
    %scan3A_22 = arith.constant 80 : i32
    %scan3A_23 = arith.constant 0 : i32
    %scan3A_24 = arith.constant 0 : i32
    %scan3A_25 = arith.constant 8 : i32
    %scan3A_26 = arith.addi %scan3A_24, %scan3A_25 : i32
    %scan3A_27 = arith.constant 1 : i32
    scf.for %scan3A_107 = %scan3A_24 to %scan3A_26 step %scan3A_27  : i32 {
      %mul3A_108 = arith.constant 16 : i32
      %mul3A_109 = arith.muli %scan3A_107, %mul3A_108 : i32
      %add3A_110 = arith.addi %arg1, %mul3A_109 : i32
      %lt3A = arith.constant 125 : i32
      %lt3A_111 = arith.cmpi slt, %add3A_110, %lt3A : i32
      %convert_element_type3A = arith.extui %lt3A_111 : i1 to i32
      %cond3A = arith.constant 0 : i32
      %cond3A_112 = arith.cmpi ne, %convert_element_type3A, %cond3A : i32
      scf.if %cond3A_112 {
        %mul3A_113 = arith.constant 80 : i32
        %mul3A_114 = arith.muli %add3A_110, %mul3A_113 : i32
        %dma_start3A_115 = arith.constant 0 : i32
        %dma_start3A_116 = tpu.memref_slice %arg5[%mul3A_114, %dma_start3A_115] : memref<10000x128xf32, #tpu.memory_space<vmem_shared>> -> memref<80x128xf32, #tpu.memory_space<vmem_shared>>
        %dma_start3A_117 = arith.constant 0 : i32
        %dma_start3A_118 = tpu.memref_slice %arg5[%mul3A_114, %dma_start3A_117] : memref<10000x128xf32, #tpu.memory_space<vmem_shared>> -> memref<80x128xf32, #tpu.memory_space<vmem_shared>>
        tpu.enqueue_dma source(%arg8 : memref<80x128xf32, #tpu.memory_space<vmem>>) target(%dma_start3A_118 : memref<80x128xf32, #tpu.memory_space<vmem_shared>>) target_semaphore(%arg18 : memref<!tpu.dma_semaphore, #tpu.memory_space<semaphore_mem>>)
      } else {
      }
    }
    %scan3A_28 = arith.constant 8 : i32
    %scan3A_29 = arith.constant 0 : i32
    %scan3A_30 = arith.constant 0 : i32
    %scan3A_31 = arith.constant 8 : i32
    %scan3A_32 = arith.addi %scan3A_30, %scan3A_31 : i32
    %scan3A_33 = arith.constant 1 : i32
    scf.for %scan3A_107 = %scan3A_30 to %scan3A_32 step %scan3A_33  : i32 {
      %mul3A_108 = arith.constant 16 : i32
      %mul3A_109 = arith.muli %scan3A_107, %mul3A_108 : i32
      %add3A_110 = arith.addi %arg1, %mul3A_109 : i32
      %lt3A = arith.constant 125 : i32
      %lt3A_111 = arith.cmpi slt, %add3A_110, %lt3A : i32
      %convert_element_type3A = arith.extui %lt3A_111 : i1 to i32
      %cond3A = arith.constant 0 : i32
      %cond3A_112 = arith.cmpi ne, %convert_element_type3A, %cond3A : i32
      scf.if %cond3A_112 {
        %mul3A_113 = arith.constant 80 : i32
        %mul3A_114 = arith.muli %add3A_110, %mul3A_113 : i32
        %dma_wait3A_115 = arith.constant 0 : i32
        %dma_wait3A_116 = tpu.memref_slice %arg5[%mul3A_114, %dma_wait3A_115] : memref<10000x128xf32, #tpu.memory_space<vmem_shared>> -> memref<80x128xf32, #tpu.memory_space<vmem_shared>>
        %dma_wait3A_117 = arith.constant 0 : i32
        %dma_wait3A_118 = tpu.memref_slice %arg5[%mul3A_114, %dma_wait3A_117] : memref<10000x128xf32, #tpu.memory_space<vmem_shared>> -> memref<80x128xf32, #tpu.memory_space<vmem_shared>>
        tpu.wait_dma2 semaphore(%arg18 : memref<!tpu.dma_semaphore, #tpu.memory_space<semaphore_mem>>) src(%arg8 : memref<80x128xf32, #tpu.memory_space<vmem>>) dst(%dma_wait3A_118 : memref<80x128xf32, #tpu.memory_space<vmem_shared>>)
      } else {
      }
    }
    %scan3A_34 = arith.constant 8 : i32
    %dma_wait3A = arith.constant 1 : i32
    %dma_wait3A_35 = arith.constant 0 : i32
    %dma_wait3A_36 = arith.constant 0 : i32
    %dma_wait3A_37 = tpu.memref_slice %arg3[%dma_wait3A, %add3A, %dma_wait3A_35, %dma_wait3A_36] : memref<2x32x125x80xi32, #tpu.memory_space<hbm>> -> memref<1x1x125x80xi32, #tpu.memory_space<hbm>>
    %dma_wait3A_38 = tpu.memref_squeeze %dma_wait3A_37 : memref<1x1x125x80xi32, #tpu.memory_space<hbm>> -> memref<125x80xi32, #tpu.memory_space<hbm>>
    %dma_wait3A_39 = arith.constant 0 : i32
    %dma_wait3A_40 = arith.constant 0 : i32
    %dma_wait3A_41 = tpu.memref_slice %arg3[%dma_wait3A, %add3A, %dma_wait3A_39, %dma_wait3A_40] : memref<2x32x125x80xi32, #tpu.memory_space<hbm>> -> memref<1x1x125x80xi32, #tpu.memory_space<hbm>>
    %dma_wait3A_42 = tpu.memref_squeeze %dma_wait3A_41 : memref<1x1x125x80xi32, #tpu.memory_space<hbm>> -> memref<125x80xi32, #tpu.memory_space<hbm>>
    tpu.wait_dma2 semaphore(%arg11 : memref<!tpu.dma_semaphore, #tpu.memory_space<semaphore_mem>>) src(%dma_wait3A_42 : memref<125x80xi32, #tpu.memory_space<hbm>>) dst(%arg6 : memref<125x80xi32, #tpu.memory_space<vmem>>)
    %dma_wait3A_43 = arith.constant 0 : i32
    %dma_wait3A_44 = arith.constant 0 : i32
    %dma_wait3A_45 = arith.constant 0 : i32
    %dma_wait3A_46 = tpu.memref_slice %arg3[%dma_wait3A_43, %add3A, %dma_wait3A_44, %dma_wait3A_45] : memref<2x32x125x80xi32, #tpu.memory_space<hbm>> -> memref<1x1x125x80xi32, #tpu.memory_space<hbm>>
    %dma_wait3A_47 = tpu.memref_squeeze %dma_wait3A_46 : memref<1x1x125x80xi32, #tpu.memory_space<hbm>> -> memref<125x80xi32, #tpu.memory_space<hbm>>
    %dma_wait3A_48 = arith.constant 0 : i32
    %dma_wait3A_49 = arith.constant 0 : i32
    %dma_wait3A_50 = tpu.memref_slice %arg3[%dma_wait3A_43, %add3A, %dma_wait3A_48, %dma_wait3A_49] : memref<2x32x125x80xi32, #tpu.memory_space<hbm>> -> memref<1x1x125x80xi32, #tpu.memory_space<hbm>>
    %dma_wait3A_51 = tpu.memref_squeeze %dma_wait3A_50 : memref<1x1x125x80xi32, #tpu.memory_space<hbm>> -> memref<125x80xi32, #tpu.memory_space<hbm>>
    tpu.wait_dma2 semaphore(%arg11 : memref<!tpu.dma_semaphore, #tpu.memory_space<semaphore_mem>>) src(%dma_wait3A_51 : memref<125x80xi32, #tpu.memory_space<hbm>>) dst(%arg7 : memref<125x80xi32, #tpu.memory_space<vmem>>)
    %dma_start3A_52 = arith.constant 0 : i32
    %dma_start3A_53 = arith.constant 0 : i32
    %dma_start3A_54 = tpu.memref_slice %arg6[%dma_start3A_52, %dma_start3A_53] : memref<125x80xi32, #tpu.memory_space<vmem>> -> memref<1x80xi32, #tpu.memory_space<vmem>>
    %dma_start3A_55 = tpu.memref_squeeze %dma_start3A_54 : memref<1x80xi32, #tpu.memory_space<vmem>> -> memref<80xi32, #tpu.memory_space<vmem>>
    %dma_start3A_56 = arith.constant 0 : i32
    %dma_start3A_57 = arith.constant 0 : i32
    %dma_start3A_58 = tpu.memref_slice %arg2[%dma_start3A_56, %dma_start3A_57] : memref<10000x128xf32, #tpu.memory_space<hbm>> -> memref<10000x128xf32, #tpu.memory_space<hbm>>
    tpu.enqueue_indirect_dma source(%dma_start3A_58 : memref<10000x128xf32, #tpu.memory_space<hbm>>) target(%arg8 : memref<80x128xf32, #tpu.memory_space<vmem>>) offsets(%dma_start3A_55 : memref<80xi32, #tpu.memory_space<vmem>>) semaphore(%arg12 : memref<!tpu.dma_semaphore, #tpu.memory_space<semaphore_mem>>)
    %dma_start3A_59 = arith.constant 1 : i32
    %dma_start3A_60 = arith.constant 0 : i32
    %dma_start3A_61 = tpu.memref_slice %arg6[%dma_start3A_59, %dma_start3A_60] : memref<125x80xi32, #tpu.memory_space<vmem>> -> memref<1x80xi32, #tpu.memory_space<vmem>>
    %dma_start3A_62 = tpu.memref_squeeze %dma_start3A_61 : memref<1x80xi32, #tpu.memory_space<vmem>> -> memref<80xi32, #tpu.memory_space<vmem>>
    %dma_start3A_63 = arith.constant 0 : i32
    %dma_start3A_64 = arith.constant 0 : i32
    %dma_start3A_65 = tpu.memref_slice %arg2[%dma_start3A_63, %dma_start3A_64] : memref<10000x128xf32, #tpu.memory_space<hbm>> -> memref<10000x128xf32, #tpu.memory_space<hbm>>
    tpu.enqueue_indirect_dma source(%dma_start3A_65 : memref<10000x128xf32, #tpu.memory_space<hbm>>) target(%arg9 : memref<80x128xf32, #tpu.memory_space<vmem>>) offsets(%dma_start3A_62 : memref<80xi32, #tpu.memory_space<vmem>>) semaphore(%arg13 : memref<!tpu.dma_semaphore, #tpu.memory_space<semaphore_mem>>)
    %dma_start3A_66 = arith.constant 2 : i32
    %dma_start3A_67 = arith.constant 0 : i32
    %dma_start3A_68 = tpu.memref_slice %arg6[%dma_start3A_66, %dma_start3A_67] : memref<125x80xi32, #tpu.memory_space<vmem>> -> memref<1x80xi32, #tpu.memory_space<vmem>>
    %dma_start3A_69 = tpu.memref_squeeze %dma_start3A_68 : memref<1x80xi32, #tpu.memory_space<vmem>> -> memref<80xi32, #tpu.memory_space<vmem>>
    %dma_start3A_70 = arith.constant 0 : i32
    %dma_start3A_71 = arith.constant 0 : i32
    %dma_start3A_72 = tpu.memref_slice %arg2[%dma_start3A_70, %dma_start3A_71] : memref<10000x128xf32, #tpu.memory_space<hbm>> -> memref<10000x128xf32, #tpu.memory_space<hbm>>
    tpu.enqueue_indirect_dma source(%dma_start3A_72 : memref<10000x128xf32, #tpu.memory_space<hbm>>) target(%arg10 : memref<80x128xf32, #tpu.memory_space<vmem>>) offsets(%dma_start3A_69 : memref<80xi32, #tpu.memory_space<vmem>>) semaphore(%arg14 : memref<!tpu.dma_semaphore, #tpu.memory_space<semaphore_mem>>)
    %barrier3A = arith.constant 0 : index
    tpu.barrier barrier_id(%barrier3A)
    %scan3A_73 = arith.constant 0 : i32
    %scan3A_74 = arith.constant 0 : i32
    %scan3A_75 = arith.constant 41 : i32
    %scan3A_76 = arith.addi %scan3A_74, %scan3A_75 : i32
    %scan3A_77 = arith.constant 1 : i32
    scf.for %scan3A_107 = %scan3A_74 to %scan3A_76 step %scan3A_77  : i32 {
      %mul3A_108 = arith.constant 3 : i32
      %mul3A_109 = arith.muli %mul3A_108, %scan3A_107 : i32
      %add3A_110 = arith.constant 0 : i32
      %add3A_111 = arith.addi %mul3A_109, %add3A_110 : i32
      %dma_wait3A_112 = arith.constant 0 : i32
      %dma_wait3A_113 = tpu.memref_slice %arg6[%add3A_111, %dma_wait3A_112] : memref<125x80xi32, #tpu.memory_space<vmem>> -> memref<1x80xi32, #tpu.memory_space<vmem>>
      %dma_wait3A_114 = tpu.memref_squeeze %dma_wait3A_113 : memref<1x80xi32, #tpu.memory_space<vmem>> -> memref<80xi32, #tpu.memory_space<vmem>>
      %dma_wait3A_115 = arith.constant 0 : i32
      %dma_wait3A_116 = arith.constant 0 : i32
      %dma_wait3A_117 = tpu.memref_slice %arg2[%dma_wait3A_115, %dma_wait3A_116] : memref<10000x128xf32, #tpu.memory_space<hbm>> -> memref<10000x128xf32, #tpu.memory_space<hbm>>
      tpu.wait_indirect_dma semaphore(%arg12 : memref<!tpu.dma_semaphore, #tpu.memory_space<semaphore_mem>>) src(%dma_wait3A_117 : memref<10000x128xf32, #tpu.memory_space<hbm>>) dst(%arg8 : memref<80x128xf32, #tpu.memory_space<vmem>>)
      %dma_start3A_118 = arith.constant 0 : i32
      %dma_start3A_119 = tpu.memref_slice %arg7[%add3A_111, %dma_start3A_118] : memref<125x80xi32, #tpu.memory_space<vmem>> -> memref<1x80xi32, #tpu.memory_space<vmem>>
      %dma_start3A_120 = tpu.memref_squeeze %dma_start3A_119 : memref<1x80xi32, #tpu.memory_space<vmem>> -> memref<80xi32, #tpu.memory_space<vmem>>
      %dma_start3A_121 = arith.constant 0 : i32
      %dma_start3A_122 = arith.constant 0 : i32
      %dma_start3A_123 = tpu.memref_slice %arg5[%dma_start3A_121, %dma_start3A_122] : memref<10000x128xf32, #tpu.memory_space<vmem_shared>> -> memref<10000x128xf32, #tpu.memory_space<vmem_shared>>
      tpu.enqueue_indirect_dma source(%arg8 : memref<80x128xf32, #tpu.memory_space<vmem>>) target(%dma_start3A_123 : memref<10000x128xf32, #tpu.memory_space<vmem_shared>>) offsets(%dma_start3A_120 : memref<80xi32, #tpu.memory_space<vmem>>) semaphore(%arg15 : memref<!tpu.dma_semaphore, #tpu.memory_space<semaphore_mem>>) {add = true}
      %dma_wait3A_124 = arith.constant 0 : i32
      %dma_wait3A_125 = tpu.memref_slice %arg7[%add3A_111, %dma_wait3A_124] : memref<125x80xi32, #tpu.memory_space<vmem>> -> memref<1x80xi32, #tpu.memory_space<vmem>>
      %dma_wait3A_126 = tpu.memref_squeeze %dma_wait3A_125 : memref<1x80xi32, #tpu.memory_space<vmem>> -> memref<80xi32, #tpu.memory_space<vmem>>
      %dma_wait3A_127 = arith.constant 0 : i32
      %dma_wait3A_128 = arith.constant 0 : i32
      %dma_wait3A_129 = tpu.memref_slice %arg5[%dma_wait3A_127, %dma_wait3A_128] : memref<10000x128xf32, #tpu.memory_space<vmem_shared>> -> memref<10000x128xf32, #tpu.memory_space<vmem_shared>>
      tpu.wait_indirect_dma semaphore(%arg15 : memref<!tpu.dma_semaphore, #tpu.memory_space<semaphore_mem>>) src(%arg8 : memref<80x128xf32, #tpu.memory_space<vmem>>) dst(%dma_wait3A_129 : memref<10000x128xf32, #tpu.memory_space<vmem_shared>>)
      %add3A_130 = arith.constant 3 : i32
      %add3A_131 = arith.addi %add3A_111, %add3A_130 : i32
      %lt3A = arith.constant 125 : i32
      %lt3A_132 = arith.cmpi slt, %add3A_131, %lt3A : i32
      %convert_element_type3A = arith.extui %lt3A_132 : i1 to i32
      %cond3A = arith.constant 0 : i32
      %cond3A_133 = arith.cmpi ne, %convert_element_type3A, %cond3A : i32
      scf.if %cond3A_133 {
        %add3A_192 = arith.constant 3 : i32
        %add3A_193 = arith.addi %add3A_111, %add3A_192 : i32
        %dma_start3A_194 = arith.constant 0 : i32
        %dma_start3A_195 = tpu.memref_slice %arg6[%add3A_193, %dma_start3A_194] : memref<125x80xi32, #tpu.memory_space<vmem>> -> memref<1x80xi32, #tpu.memory_space<vmem>>
        %dma_start3A_196 = tpu.memref_squeeze %dma_start3A_195 : memref<1x80xi32, #tpu.memory_space<vmem>> -> memref<80xi32, #tpu.memory_space<vmem>>
        %dma_start3A_197 = arith.constant 0 : i32
        %dma_start3A_198 = arith.constant 0 : i32
        %dma_start3A_199 = tpu.memref_slice %arg2[%dma_start3A_197, %dma_start3A_198] : memref<10000x128xf32, #tpu.memory_space<hbm>> -> memref<10000x128xf32, #tpu.memory_space<hbm>>
        tpu.enqueue_indirect_dma source(%dma_start3A_199 : memref<10000x128xf32, #tpu.memory_space<hbm>>) target(%arg8 : memref<80x128xf32, #tpu.memory_space<vmem>>) offsets(%dma_start3A_196 : memref<80xi32, #tpu.memory_space<vmem>>) semaphore(%arg12 : memref<!tpu.dma_semaphore, #tpu.memory_space<semaphore_mem>>)
      } else {
      }
      %mul3A_134 = arith.constant 3 : i32
      %mul3A_135 = arith.muli %mul3A_134, %scan3A_107 : i32
      %add3A_136 = arith.constant 1 : i32
      %add3A_137 = arith.addi %mul3A_135, %add3A_136 : i32
      %dma_wait3A_138 = arith.constant 0 : i32
      %dma_wait3A_139 = tpu.memref_slice %arg6[%add3A_137, %dma_wait3A_138] : memref<125x80xi32, #tpu.memory_space<vmem>> -> memref<1x80xi32, #tpu.memory_space<vmem>>
      %dma_wait3A_140 = tpu.memref_squeeze %dma_wait3A_139 : memref<1x80xi32, #tpu.memory_space<vmem>> -> memref<80xi32, #tpu.memory_space<vmem>>
      %dma_wait3A_141 = arith.constant 0 : i32
      %dma_wait3A_142 = arith.constant 0 : i32
      %dma_wait3A_143 = tpu.memref_slice %arg2[%dma_wait3A_141, %dma_wait3A_142] : memref<10000x128xf32, #tpu.memory_space<hbm>> -> memref<10000x128xf32, #tpu.memory_space<hbm>>
      tpu.wait_indirect_dma semaphore(%arg13 : memref<!tpu.dma_semaphore, #tpu.memory_space<semaphore_mem>>) src(%dma_wait3A_143 : memref<10000x128xf32, #tpu.memory_space<hbm>>) dst(%arg9 : memref<80x128xf32, #tpu.memory_space<vmem>>)
      %dma_start3A_144 = arith.constant 0 : i32
      %dma_start3A_145 = tpu.memref_slice %arg7[%add3A_137, %dma_start3A_144] : memref<125x80xi32, #tpu.memory_space<vmem>> -> memref<1x80xi32, #tpu.memory_space<vmem>>
      %dma_start3A_146 = tpu.memref_squeeze %dma_start3A_145 : memref<1x80xi32, #tpu.memory_space<vmem>> -> memref<80xi32, #tpu.memory_space<vmem>>
      %dma_start3A_147 = arith.constant 0 : i32
      %dma_start3A_148 = arith.constant 0 : i32
      %dma_start3A_149 = tpu.memref_slice %arg5[%dma_start3A_147, %dma_start3A_148] : memref<10000x128xf32, #tpu.memory_space<vmem_shared>> -> memref<10000x128xf32, #tpu.memory_space<vmem_shared>>
      tpu.enqueue_indirect_dma source(%arg9 : memref<80x128xf32, #tpu.memory_space<vmem>>) target(%dma_start3A_149 : memref<10000x128xf32, #tpu.memory_space<vmem_shared>>) offsets(%dma_start3A_146 : memref<80xi32, #tpu.memory_space<vmem>>) semaphore(%arg16 : memref<!tpu.dma_semaphore, #tpu.memory_space<semaphore_mem>>) {add = true}
      %dma_wait3A_150 = arith.constant 0 : i32
      %dma_wait3A_151 = tpu.memref_slice %arg7[%add3A_137, %dma_wait3A_150] : memref<125x80xi32, #tpu.memory_space<vmem>> -> memref<1x80xi32, #tpu.memory_space<vmem>>
      %dma_wait3A_152 = tpu.memref_squeeze %dma_wait3A_151 : memref<1x80xi32, #tpu.memory_space<vmem>> -> memref<80xi32, #tpu.memory_space<vmem>>
      %dma_wait3A_153 = arith.constant 0 : i32
      %dma_wait3A_154 = arith.constant 0 : i32
      %dma_wait3A_155 = tpu.memref_slice %arg5[%dma_wait3A_153, %dma_wait3A_154] : memref<10000x128xf32, #tpu.memory_space<vmem_shared>> -> memref<10000x128xf32, #tpu.memory_space<vmem_shared>>
      tpu.wait_indirect_dma semaphore(%arg16 : memref<!tpu.dma_semaphore, #tpu.memory_space<semaphore_mem>>) src(%arg9 : memref<80x128xf32, #tpu.memory_space<vmem>>) dst(%dma_wait3A_155 : memref<10000x128xf32, #tpu.memory_space<vmem_shared>>)
      %add3A_156 = arith.constant 3 : i32
      %add3A_157 = arith.addi %add3A_137, %add3A_156 : i32
      %lt3A_158 = arith.constant 125 : i32
      %lt3A_159 = arith.cmpi slt, %add3A_157, %lt3A_158 : i32
      %convert_element_type3A_160 = arith.extui %lt3A_159 : i1 to i32
      %cond3A_161 = arith.constant 0 : i32
      %cond3A_162 = arith.cmpi ne, %convert_element_type3A_160, %cond3A_161 : i32
      scf.if %cond3A_162 {
        %add3A_192 = arith.constant 3 : i32
        %add3A_193 = arith.addi %add3A_137, %add3A_192 : i32
        %dma_start3A_194 = arith.constant 0 : i32
        %dma_start3A_195 = tpu.memref_slice %arg6[%add3A_193, %dma_start3A_194] : memref<125x80xi32, #tpu.memory_space<vmem>> -> memref<1x80xi32, #tpu.memory_space<vmem>>
        %dma_start3A_196 = tpu.memref_squeeze %dma_start3A_195 : memref<1x80xi32, #tpu.memory_space<vmem>> -> memref<80xi32, #tpu.memory_space<vmem>>
        %dma_start3A_197 = arith.constant 0 : i32
        %dma_start3A_198 = arith.constant 0 : i32
        %dma_start3A_199 = tpu.memref_slice %arg2[%dma_start3A_197, %dma_start3A_198] : memref<10000x128xf32, #tpu.memory_space<hbm>> -> memref<10000x128xf32, #tpu.memory_space<hbm>>
        tpu.enqueue_indirect_dma source(%dma_start3A_199 : memref<10000x128xf32, #tpu.memory_space<hbm>>) target(%arg9 : memref<80x128xf32, #tpu.memory_space<vmem>>) offsets(%dma_start3A_196 : memref<80xi32, #tpu.memory_space<vmem>>) semaphore(%arg13 : memref<!tpu.dma_semaphore, #tpu.memory_space<semaphore_mem>>)
      } else {
      }
      %mul3A_163 = arith.constant 3 : i32
      %mul3A_164 = arith.muli %mul3A_163, %scan3A_107 : i32
      %add3A_165 = arith.constant 2 : i32
      %add3A_166 = arith.addi %mul3A_164, %add3A_165 : i32
      %dma_wait3A_167 = arith.constant 0 : i32
      %dma_wait3A_168 = tpu.memref_slice %arg6[%add3A_166, %dma_wait3A_167] : memref<125x80xi32, #tpu.memory_space<vmem>> -> memref<1x80xi32, #tpu.memory_space<vmem>>
      %dma_wait3A_169 = tpu.memref_squeeze %dma_wait3A_168 : memref<1x80xi32, #tpu.memory_space<vmem>> -> memref<80xi32, #tpu.memory_space<vmem>>
      %dma_wait3A_170 = arith.constant 0 : i32
      %dma_wait3A_171 = arith.constant 0 : i32
      %dma_wait3A_172 = tpu.memref_slice %arg2[%dma_wait3A_170, %dma_wait3A_171] : memref<10000x128xf32, #tpu.memory_space<hbm>> -> memref<10000x128xf32, #tpu.memory_space<hbm>>
      tpu.wait_indirect_dma semaphore(%arg14 : memref<!tpu.dma_semaphore, #tpu.memory_space<semaphore_mem>>) src(%dma_wait3A_172 : memref<10000x128xf32, #tpu.memory_space<hbm>>) dst(%arg10 : memref<80x128xf32, #tpu.memory_space<vmem>>)
      %dma_start3A_173 = arith.constant 0 : i32
      %dma_start3A_174 = tpu.memref_slice %arg7[%add3A_166, %dma_start3A_173] : memref<125x80xi32, #tpu.memory_space<vmem>> -> memref<1x80xi32, #tpu.memory_space<vmem>>
      %dma_start3A_175 = tpu.memref_squeeze %dma_start3A_174 : memref<1x80xi32, #tpu.memory_space<vmem>> -> memref<80xi32, #tpu.memory_space<vmem>>
      %dma_start3A_176 = arith.constant 0 : i32
      %dma_start3A_177 = arith.constant 0 : i32
      %dma_start3A_178 = tpu.memref_slice %arg5[%dma_start3A_176, %dma_start3A_177] : memref<10000x128xf32, #tpu.memory_space<vmem_shared>> -> memref<10000x128xf32, #tpu.memory_space<vmem_shared>>
      tpu.enqueue_indirect_dma source(%arg10 : memref<80x128xf32, #tpu.memory_space<vmem>>) target(%dma_start3A_178 : memref<10000x128xf32, #tpu.memory_space<vmem_shared>>) offsets(%dma_start3A_175 : memref<80xi32, #tpu.memory_space<vmem>>) semaphore(%arg17 : memref<!tpu.dma_semaphore, #tpu.memory_space<semaphore_mem>>) {add = true}
      %dma_wait3A_179 = arith.constant 0 : i32
      %dma_wait3A_180 = tpu.memref_slice %arg7[%add3A_166, %dma_wait3A_179] : memref<125x80xi32, #tpu.memory_space<vmem>> -> memref<1x80xi32, #tpu.memory_space<vmem>>
      %dma_wait3A_181 = tpu.memref_squeeze %dma_wait3A_180 : memref<1x80xi32, #tpu.memory_space<vmem>> -> memref<80xi32, #tpu.memory_space<vmem>>
      %dma_wait3A_182 = arith.constant 0 : i32
      %dma_wait3A_183 = arith.constant 0 : i32
      %dma_wait3A_184 = tpu.memref_slice %arg5[%dma_wait3A_182, %dma_wait3A_183] : memref<10000x128xf32, #tpu.memory_space<vmem_shared>> -> memref<10000x128xf32, #tpu.memory_space<vmem_shared>>
      tpu.wait_indirect_dma semaphore(%arg17 : memref<!tpu.dma_semaphore, #tpu.memory_space<semaphore_mem>>) src(%arg10 : memref<80x128xf32, #tpu.memory_space<vmem>>) dst(%dma_wait3A_184 : memref<10000x128xf32, #tpu.memory_space<vmem_shared>>)
      %add3A_185 = arith.constant 3 : i32
      %add3A_186 = arith.addi %add3A_166, %add3A_185 : i32
      %lt3A_187 = arith.constant 125 : i32
      %lt3A_188 = arith.cmpi slt, %add3A_186, %lt3A_187 : i32
      %convert_element_type3A_189 = arith.extui %lt3A_188 : i1 to i32
      %cond3A_190 = arith.constant 0 : i32
      %cond3A_191 = arith.cmpi ne, %convert_element_type3A_189, %cond3A_190 : i32
      scf.if %cond3A_191 {
        %add3A_192 = arith.constant 3 : i32
        %add3A_193 = arith.addi %add3A_166, %add3A_192 : i32
        %dma_start3A_194 = arith.constant 0 : i32
        %dma_start3A_195 = tpu.memref_slice %arg6[%add3A_193, %dma_start3A_194] : memref<125x80xi32, #tpu.memory_space<vmem>> -> memref<1x80xi32, #tpu.memory_space<vmem>>
        %dma_start3A_196 = tpu.memref_squeeze %dma_start3A_195 : memref<1x80xi32, #tpu.memory_space<vmem>> -> memref<80xi32, #tpu.memory_space<vmem>>
        %dma_start3A_197 = arith.constant 0 : i32
        %dma_start3A_198 = arith.constant 0 : i32
        %dma_start3A_199 = tpu.memref_slice %arg2[%dma_start3A_197, %dma_start3A_198] : memref<10000x128xf32, #tpu.memory_space<hbm>> -> memref<10000x128xf32, #tpu.memory_space<hbm>>
        tpu.enqueue_indirect_dma source(%dma_start3A_199 : memref<10000x128xf32, #tpu.memory_space<hbm>>) target(%arg10 : memref<80x128xf32, #tpu.memory_space<vmem>>) offsets(%dma_start3A_196 : memref<80xi32, #tpu.memory_space<vmem>>) semaphore(%arg14 : memref<!tpu.dma_semaphore, #tpu.memory_space<semaphore_mem>>)
      } else {
      }
    }
    %scan3A_78 = arith.constant 41 : i32
    %dma_wait3A_79 = arith.constant 123 : i32
    %dma_wait3A_80 = arith.constant 0 : i32
    %dma_wait3A_81 = tpu.memref_slice %arg6[%dma_wait3A_79, %dma_wait3A_80] : memref<125x80xi32, #tpu.memory_space<vmem>> -> memref<1x80xi32, #tpu.memory_space<vmem>>
    %dma_wait3A_82 = tpu.memref_squeeze %dma_wait3A_81 : memref<1x80xi32, #tpu.memory_space<vmem>> -> memref<80xi32, #tpu.memory_space<vmem>>
    %dma_wait3A_83 = arith.constant 0 : i32
    %dma_wait3A_84 = arith.constant 0 : i32
    %dma_wait3A_85 = tpu.memref_slice %arg2[%dma_wait3A_83, %dma_wait3A_84] : memref<10000x128xf32, #tpu.memory_space<hbm>> -> memref<10000x128xf32, #tpu.memory_space<hbm>>
    tpu.wait_indirect_dma semaphore(%arg12 : memref<!tpu.dma_semaphore, #tpu.memory_space<semaphore_mem>>) src(%dma_wait3A_85 : memref<10000x128xf32, #tpu.memory_space<hbm>>) dst(%arg8 : memref<80x128xf32, #tpu.memory_space<vmem>>)
    %run_scoped3A = arith.constant 123 : i32
    "tpu.region"() ({
      %run_scoped3A_107 = tpu.sem_alloc : memref<!tpu.dma_semaphore, #tpu.memory_space<semaphore_mem>>
      %dma_start3A_108 = arith.constant 0 : i32
      %dma_start3A_109 = tpu.memref_slice %arg7[%run_scoped3A, %dma_start3A_108] : memref<125x80xi32, #tpu.memory_space<vmem>> -> memref<1x80xi32, #tpu.memory_space<vmem>>
      %dma_start3A_110 = tpu.memref_squeeze %dma_start3A_109 : memref<1x80xi32, #tpu.memory_space<vmem>> -> memref<80xi32, #tpu.memory_space<vmem>>
      %dma_start3A_111 = arith.constant 0 : i32
      %dma_start3A_112 = arith.constant 0 : i32
      %dma_start3A_113 = tpu.memref_slice %arg5[%dma_start3A_111, %dma_start3A_112] : memref<10000x128xf32, #tpu.memory_space<vmem_shared>> -> memref<10000x128xf32, #tpu.memory_space<vmem_shared>>
      tpu.enqueue_indirect_dma source(%arg8 : memref<80x128xf32, #tpu.memory_space<vmem>>) target(%dma_start3A_113 : memref<10000x128xf32, #tpu.memory_space<vmem_shared>>) offsets(%dma_start3A_110 : memref<80xi32, #tpu.memory_space<vmem>>) semaphore(%run_scoped3A_107 : memref<!tpu.dma_semaphore, #tpu.memory_space<semaphore_mem>>) {add = true}
      %dma_wait3A_114 = arith.constant 0 : i32
      %dma_wait3A_115 = tpu.memref_slice %arg7[%run_scoped3A, %dma_wait3A_114] : memref<125x80xi32, #tpu.memory_space<vmem>> -> memref<1x80xi32, #tpu.memory_space<vmem>>
      %dma_wait3A_116 = tpu.memref_squeeze %dma_wait3A_115 : memref<1x80xi32, #tpu.memory_space<vmem>> -> memref<80xi32, #tpu.memory_space<vmem>>
      %dma_wait3A_117 = arith.constant 0 : i32
      %dma_wait3A_118 = arith.constant 0 : i32
      %dma_wait3A_119 = tpu.memref_slice %arg5[%dma_wait3A_117, %dma_wait3A_118] : memref<10000x128xf32, #tpu.memory_space<vmem_shared>> -> memref<10000x128xf32, #tpu.memory_space<vmem_shared>>
      tpu.wait_indirect_dma semaphore(%run_scoped3A_107 : memref<!tpu.dma_semaphore, #tpu.memory_space<semaphore_mem>>) src(%arg8 : memref<80x128xf32, #tpu.memory_space<vmem>>) dst(%dma_wait3A_119 : memref<10000x128xf32, #tpu.memory_space<vmem_shared>>)
      tpu.yield
    }) : () -> ()
    %dma_wait3A_86 = arith.constant 124 : i32
    %dma_wait3A_87 = arith.constant 0 : i32
    %dma_wait3A_88 = tpu.memref_slice %arg6[%dma_wait3A_86, %dma_wait3A_87] : memref<125x80xi32, #tpu.memory_space<vmem>> -> memref<1x80xi32, #tpu.memory_space<vmem>>
    %dma_wait3A_89 = tpu.memref_squeeze %dma_wait3A_88 : memref<1x80xi32, #tpu.memory_space<vmem>> -> memref<80xi32, #tpu.memory_space<vmem>>
    %dma_wait3A_90 = arith.constant 0 : i32
    %dma_wait3A_91 = arith.constant 0 : i32
    %dma_wait3A_92 = tpu.memref_slice %arg2[%dma_wait3A_90, %dma_wait3A_91] : memref<10000x128xf32, #tpu.memory_space<hbm>> -> memref<10000x128xf32, #tpu.memory_space<hbm>>
    tpu.wait_indirect_dma semaphore(%arg13 : memref<!tpu.dma_semaphore, #tpu.memory_space<semaphore_mem>>) src(%dma_wait3A_92 : memref<10000x128xf32, #tpu.memory_space<hbm>>) dst(%arg9 : memref<80x128xf32, #tpu.memory_space<vmem>>)
    %run_scoped3A_93 = arith.constant 124 : i32
    "tpu.region"() ({
      %run_scoped3A_107 = tpu.sem_alloc : memref<!tpu.dma_semaphore, #tpu.memory_space<semaphore_mem>>
      %dma_start3A_108 = arith.constant 0 : i32
      %dma_start3A_109 = tpu.memref_slice %arg7[%run_scoped3A_93, %dma_start3A_108] : memref<125x80xi32, #tpu.memory_space<vmem>> -> memref<1x80xi32, #tpu.memory_space<vmem>>
      %dma_start3A_110 = tpu.memref_squeeze %dma_start3A_109 : memref<1x80xi32, #tpu.memory_space<vmem>> -> memref<80xi32, #tpu.memory_space<vmem>>
      %dma_start3A_111 = arith.constant 0 : i32
      %dma_start3A_112 = arith.constant 0 : i32
      %dma_start3A_113 = tpu.memref_slice %arg5[%dma_start3A_111, %dma_start3A_112] : memref<10000x128xf32, #tpu.memory_space<vmem_shared>> -> memref<10000x128xf32, #tpu.memory_space<vmem_shared>>
      tpu.enqueue_indirect_dma source(%arg9 : memref<80x128xf32, #tpu.memory_space<vmem>>) target(%dma_start3A_113 : memref<10000x128xf32, #tpu.memory_space<vmem_shared>>) offsets(%dma_start3A_110 : memref<80xi32, #tpu.memory_space<vmem>>) semaphore(%run_scoped3A_107 : memref<!tpu.dma_semaphore, #tpu.memory_space<semaphore_mem>>) {add = true}
      %dma_wait3A_114 = arith.constant 0 : i32
      %dma_wait3A_115 = tpu.memref_slice %arg7[%run_scoped3A_93, %dma_wait3A_114] : memref<125x80xi32, #tpu.memory_space<vmem>> -> memref<1x80xi32, #tpu.memory_space<vmem>>
      %dma_wait3A_116 = tpu.memref_squeeze %dma_wait3A_115 : memref<1x80xi32, #tpu.memory_space<vmem>> -> memref<80xi32, #tpu.memory_space<vmem>>
      %dma_wait3A_117 = arith.constant 0 : i32
      %dma_wait3A_118 = arith.constant 0 : i32
      %dma_wait3A_119 = tpu.memref_slice %arg5[%dma_wait3A_117, %dma_wait3A_118] : memref<10000x128xf32, #tpu.memory_space<vmem_shared>> -> memref<10000x128xf32, #tpu.memory_space<vmem_shared>>
      tpu.wait_indirect_dma semaphore(%run_scoped3A_107 : memref<!tpu.dma_semaphore, #tpu.memory_space<semaphore_mem>>) src(%arg9 : memref<80x128xf32, #tpu.memory_space<vmem>>) dst(%dma_wait3A_119 : memref<10000x128xf32, #tpu.memory_space<vmem_shared>>)
      tpu.yield
    }) : () -> ()
    %barrier3A_94 = arith.constant 0 : index
    tpu.barrier barrier_id(%barrier3A_94)
    %scan3A_95 = arith.constant 0 : i32
    %scan3A_96 = arith.constant 0 : i32
    %scan3A_97 = arith.constant 8 : i32
    %scan3A_98 = arith.addi %scan3A_96, %scan3A_97 : i32
    %scan3A_99 = arith.constant 1 : i32
    scf.for %scan3A_107 = %scan3A_96 to %scan3A_98 step %scan3A_99  : i32 {
      %mul3A_108 = arith.constant 16 : i32
      %mul3A_109 = arith.muli %scan3A_107, %mul3A_108 : i32
      %add3A_110 = arith.addi %arg1, %mul3A_109 : i32
      %lt3A = arith.constant 125 : i32
      %lt3A_111 = arith.cmpi slt, %add3A_110, %lt3A : i32
      %convert_element_type3A = arith.extui %lt3A_111 : i1 to i32
      %cond3A = arith.constant 0 : i32
      %cond3A_112 = arith.cmpi ne, %convert_element_type3A, %cond3A : i32
      scf.if %cond3A_112 {
        %mul3A_113 = arith.constant 80 : i32
        %mul3A_114 = arith.muli %add3A_110, %mul3A_113 : i32
        %mul3A_115 = arith.constant 80 : i32
        %mul3A_116 = arith.muli %add3A_110, %mul3A_115 : i32
        %dma_start3A_117 = arith.constant 0 : i32
        %dma_start3A_118 = tpu.memref_slice %arg4[%arg0, %mul3A_116, %dma_start3A_117] : memref<2x10000x128xf32, #tpu.memory_space<hbm>> -> memref<1x80x128xf32, #tpu.memory_space<hbm>>
        %dma_start3A_119 = tpu.memref_squeeze %dma_start3A_118 : memref<1x80x128xf32, #tpu.memory_space<hbm>> -> memref<80x128xf32, #tpu.memory_space<hbm>>
        %dma_start3A_120 = arith.constant 0 : i32
        %dma_start3A_121 = tpu.memref_slice %arg5[%mul3A_114, %dma_start3A_120] : memref<10000x128xf32, #tpu.memory_space<vmem_shared>> -> memref<80x128xf32, #tpu.memory_space<vmem_shared>>
        tpu.enqueue_dma source(%dma_start3A_121 : memref<80x128xf32, #tpu.memory_space<vmem_shared>>) target(%dma_start3A_119 : memref<80x128xf32, #tpu.memory_space<hbm>>) target_semaphore(%arg11 : memref<!tpu.dma_semaphore, #tpu.memory_space<semaphore_mem>>)
      } else {
      }
    }
    %scan3A_100 = arith.constant 8 : i32
    %scan3A_101 = arith.constant 0 : i32
    %scan3A_102 = arith.constant 0 : i32
    %scan3A_103 = arith.constant 8 : i32
    %scan3A_104 = arith.addi %scan3A_102, %scan3A_103 : i32
    %scan3A_105 = arith.constant 1 : i32
    scf.for %scan3A_107 = %scan3A_102 to %scan3A_104 step %scan3A_105  : i32 {
      %mul3A_108 = arith.constant 16 : i32
      %mul3A_109 = arith.muli %scan3A_107, %mul3A_108 : i32
      %add3A_110 = arith.addi %arg1, %mul3A_109 : i32
      %lt3A = arith.constant 125 : i32
      %lt3A_111 = arith.cmpi slt, %add3A_110, %lt3A : i32
      %convert_element_type3A = arith.extui %lt3A_111 : i1 to i32
      %cond3A = arith.constant 0 : i32
      %cond3A_112 = arith.cmpi ne, %convert_element_type3A, %cond3A : i32
      scf.if %cond3A_112 {
        %mul3A_113 = arith.constant 80 : i32
        %mul3A_114 = arith.muli %add3A_110, %mul3A_113 : i32
        %mul3A_115 = arith.constant 80 : i32
        %mul3A_116 = arith.muli %add3A_110, %mul3A_115 : i32
        %dma_wait3A_117 = arith.constant 0 : i32
        %dma_wait3A_118 = tpu.memref_slice %arg4[%arg0, %mul3A_116, %dma_wait3A_117] : memref<2x10000x128xf32, #tpu.memory_space<hbm>> -> memref<1x80x128xf32, #tpu.memory_space<hbm>>
        %dma_wait3A_119 = tpu.memref_squeeze %dma_wait3A_118 : memref<1x80x128xf32, #tpu.memory_space<hbm>> -> memref<80x128xf32, #tpu.memory_space<hbm>>
        %dma_wait3A_120 = arith.constant 0 : i32
        %dma_wait3A_121 = tpu.memref_slice %arg5[%mul3A_114, %dma_wait3A_120] : memref<10000x128xf32, #tpu.memory_space<vmem_shared>> -> memref<80x128xf32, #tpu.memory_space<vmem_shared>>
        tpu.wait_dma2 semaphore(%arg11 : memref<!tpu.dma_semaphore, #tpu.memory_space<semaphore_mem>>) src(%dma_wait3A_121 : memref<80x128xf32, #tpu.memory_space<vmem_shared>>) dst(%dma_wait3A_119 : memref<80x128xf32, #tpu.memory_space<hbm>>)
      } else {
      }
    }
    %scan3A_106 = arith.constant 8 : i32
    return
  }
}

module attributes {stable_mosaic.version = 14 : i64} {
  func.func @body(%arg0: i32, %arg1: memref<2000x128xf32, #tpu.memory_space<vmem>>, %arg2: memref<2x2000x16xf32, #tpu.memory_space<vmem>>, %arg3: memref<2000x128xf32, #tpu.memory_space<vmem>>, %arg4: memref<2000x1xf32, #tpu.memory_space<vmem>>) attributes {dimension_semantics = [#tpu.dimension_semantics<arbitrary>], iteration_bounds = array<i64: 5>, scalar_prefetch = 0 : i64, scratch_operands = 0 : i64, tpu.core_type = #tpu.core_type<tc>, window_params = [{transform_indices = @transform_0, window_bounds = array<i64: 2000, 128>}, {transform_indices = @transform_1, window_bounds = array<i64: 2, 2000, 16>}, {transform_indices = @transform_2, window_bounds = array<i64: 2000, 128>}, {transform_indices = @transform_3, window_bounds = array<i64: 2000, 1>}]} {
    %get3A = arith.constant 0 : index
    %get3A_0 = arith.constant 0 : index
    %get3A_1 = arith.constant 0 : index
    %get3A_2 = vector.load %arg2[%get3A, %get3A_0, %get3A_1] : memref<2x2000x16xf32, #tpu.memory_space<vmem>>, vector<1x2000x16xf32>
    %get3A_3 = vector.shape_cast %get3A_2 : vector<1x2000x16xf32> to vector<2000x16xf32>
    %get3A_4 = arith.constant 1 : index
    %get3A_5 = arith.constant 0 : index
    %get3A_6 = arith.constant 0 : index
    %get3A_7 = vector.load %arg2[%get3A_4, %get3A_5, %get3A_6] : memref<2x2000x16xf32, #tpu.memory_space<vmem>>, vector<1x2000x16xf32>
    %get3A_8 = vector.shape_cast %get3A_7 : vector<1x2000x16xf32> to vector<2000x16xf32>
    %add3A = arith.addf %get3A_3, %get3A_8 : vector<2000x16xf32>
    %gt3A = arith.constant 0.000000e+00 : f32
    %gt3A_9 = vector.broadcast %gt3A : f32 to vector<2000x16xf32>
    %gt3A_10 = arith.cmpf ogt, %add3A, %gt3A_9 : vector<2000x16xf32>
    %rsqrt3A = math.rsqrt %add3A : vector<2000x16xf32>
    %jit3A = arith.constant 0.000000e+00 : f32
    %broadcast_in_dim3A = vector.broadcast %jit3A : f32 to vector<2000x16xf32>
    %select_n3A = arith.select %gt3A_10, %rsqrt3A, %broadcast_in_dim3A : vector<2000x16xi1>, vector<2000x16xf32>
    %slice3A = vector.extract_strided_slice %select_n3A {offsets = [0, 0], sizes = [2000, 1], strides = [1, 1]} : vector<2000x16xf32> to vector<2000x1xf32>
    %get3A_11 = arith.constant 0 : index
    %get3A_12 = arith.constant 0 : index
    %get3A_13 = vector.load %arg1[%get3A_11, %get3A_12] : memref<2000x128xf32, #tpu.memory_space<vmem>>, vector<2000x128xf32>
    %mul3A = vector.broadcast %slice3A : vector<2000x1xf32> to vector<2000x128xf32>
    %mul3A_14 = arith.mulf %get3A_13, %mul3A : vector<2000x128xf32>
    %swap3A = arith.constant 0 : index
    %swap3A_15 = arith.constant 0 : index
    %swap3A_16 = vector.load %arg3[%swap3A, %swap3A_15] : memref<2000x128xf32, #tpu.memory_space<vmem>>, vector<2000x128xf32>
    tpu.vector_store %arg3[%swap3A, %swap3A_15], %mul3A_14 {strides = array<i32>} : memref<2000x128xf32, #tpu.memory_space<vmem>>, vector<2000x128xf32>,
    %swap3A_17 = arith.constant 0 : index
    %swap3A_18 = arith.constant 0 : index
    %swap3A_19 = vector.load %arg4[%swap3A_17, %swap3A_18] : memref<2000x1xf32, #tpu.memory_space<vmem>>, vector<2000x1xf32>
    tpu.vector_store %arg4[%swap3A_17, %swap3A_18], %slice3A {strides = array<i32>} : memref<2000x1xf32, #tpu.memory_space<vmem>>, vector<2000x1xf32>,
    return
  }
  func.func @transform_0(%arg0: i32) -> (i32, i32) {
    %c0_i32 = arith.constant 0 : i32
    %c0_i32_0 = arith.constant 0 : i32
    return %arg0, %c0_i32 : i32, i32
  }
  func.func @transform_1(%arg0: i32) -> (i32, i32, i32) {
    %c0_i32 = arith.constant 0 : i32
    %c0_i32_0 = arith.constant 0 : i32
    %c0_i32_1 = arith.constant 0 : i32
    return %c0_i32, %arg0, %c0_i32_0 : i32, i32, i32
  }
  func.func @transform_2(%arg0: i32) -> (i32, i32) {
    %c0_i32 = arith.constant 0 : i32
    %c0_i32_0 = arith.constant 0 : i32
    return %arg0, %c0_i32 : i32, i32
  }
  func.func @transform_3(%arg0: i32) -> (i32, i32) {
    %c0_i32 = arith.constant 0 : i32
    %c0_i32_0 = arith.constant 0 : i32
    return %arg0, %c0_i32 : i32, i32
  }
}

module attributes {stable_mosaic.version = 14 : i64} {
  func.func @body(%arg0: i32, %arg1: memref<2000x128xf32, #tpu.memory_space<vmem>>, %arg2: memref<128x128xf32, #tpu.memory_space<vmem>>, %arg3: memref<2000x128xf32, #tpu.memory_space<vmem>>) attributes {dimension_semantics = [#tpu.dimension_semantics<arbitrary>], iteration_bounds = array<i64: 5>, scalar_prefetch = 0 : i64, scratch_operands = 0 : i64, tpu.core_type = #tpu.core_type<tc>, window_params = [{transform_indices = @transform_0, window_bounds = array<i64: 2000, 128>}, {pipeline_mode = #tpu.pipeline_mode<synchronous>, transform_indices = @transform_1, window_bounds = array<i64: 128, 128>}, {transform_indices = @transform_2, window_bounds = array<i64: 2000, 128>}]} {
    %get3A = arith.constant 0 : index
    %get3A_0 = arith.constant 0 : index
    %get3A_1 = vector.load %arg1[%get3A, %get3A_0] : memref<2000x128xf32, #tpu.memory_space<vmem>>, vector<2000x128xf32>
    %get3A_2 = arith.constant 0 : index
    %get3A_3 = arith.constant 0 : index
    %get3A_4 = vector.load %arg2[%get3A_2, %get3A_3] : memref<128x128xf32, #tpu.memory_space<vmem>>, vector<128x128xf32>
    %dot_general3A = arith.constant dense<0.000000e+00> : vector<2000x128xf32>
    %dot_general3A_5 = tpu.matmul %get3A_1, %get3A_4, %dot_general3A {dimension_numbers = #tpu.dot_dimension_numbers<[1], [0], [0], [1], [0, 0, 1, 1], [], []>, transpose_lhs_hint = false} : vector<2000x128xf32>, vector<128x128xf32>, vector<2000x128xf32> -> vector<2000x128xf32>
    %swap3A = arith.constant 0 : index
    %swap3A_6 = arith.constant 0 : index
    %swap3A_7 = vector.load %arg3[%swap3A, %swap3A_6] : memref<2000x128xf32, #tpu.memory_space<vmem>>, vector<2000x128xf32>
    tpu.vector_store %arg3[%swap3A, %swap3A_6], %dot_general3A_5 {strides = array<i32>} : memref<2000x128xf32, #tpu.memory_space<vmem>>, vector<2000x128xf32>,
    return
  }
  func.func @transform_0(%arg0: i32) -> (i32, i32) {
    %c0_i32 = arith.constant 0 : i32
    %c0_i32_0 = arith.constant 0 : i32
    return %arg0, %c0_i32 : i32, i32
  }
  func.func @transform_1(%arg0: i32) -> (i32, i32) {
    %c0_i32 = arith.constant 0 : i32
    %c0_i32_0 = arith.constant 0 : i32
    %c0_i32_1 = arith.constant 0 : i32
    return %c0_i32, %c0_i32_0 : i32, i32
  }
  func.func @transform_2(%arg0: i32) -> (i32, i32) {
    %c0_i32 = arith.constant 0 : i32
    %c0_i32_0 = arith.constant 0 : i32
    return %arg0, %c0_i32 : i32, i32
  }
}

module attributes {stable_mosaic.version = 14 : i64} {
  func.func @body(%arg0: i32, %arg1: memref<2x2000x128xf32, #tpu.memory_space<vmem>>, %arg2: memref<2000x1xf32, #tpu.memory_space<vmem>>, %arg3: memref<128x64xf32, #tpu.memory_space<vmem>>, %arg4: memref<2000x64xf32, #tpu.memory_space<vmem>>) attributes {dimension_semantics = [#tpu.dimension_semantics<arbitrary>], iteration_bounds = array<i64: 5>, scalar_prefetch = 0 : i64, scratch_operands = 0 : i64, tpu.core_type = #tpu.core_type<tc>, window_params = [{transform_indices = @transform_0, window_bounds = array<i64: 2, 2000, 128>}, {transform_indices = @transform_1, window_bounds = array<i64: 2000, 1>}, {pipeline_mode = #tpu.pipeline_mode<synchronous>, transform_indices = @transform_2, window_bounds = array<i64: 128, 64>}, {transform_indices = @transform_3, window_bounds = array<i64: 2000, 64>}]} {
    %get3A = arith.constant 0 : index
    %get3A_0 = arith.constant 0 : index
    %get3A_1 = vector.load %arg2[%get3A, %get3A_0] : memref<2000x1xf32, #tpu.memory_space<vmem>>, vector<2000x1xf32>
    %get3A_2 = arith.constant 0 : index
    %get3A_3 = arith.constant 0 : index
    %get3A_4 = arith.constant 0 : index
    %get3A_5 = vector.load %arg1[%get3A_2, %get3A_3, %get3A_4] : memref<2x2000x128xf32, #tpu.memory_space<vmem>>, vector<1x2000x128xf32>
    %get3A_6 = vector.shape_cast %get3A_5 : vector<1x2000x128xf32> to vector<2000x128xf32>
    %get3A_7 = arith.constant 1 : index
    %get3A_8 = arith.constant 0 : index
    %get3A_9 = arith.constant 0 : index
    %get3A_10 = vector.load %arg1[%get3A_7, %get3A_8, %get3A_9] : memref<2x2000x128xf32, #tpu.memory_space<vmem>>, vector<1x2000x128xf32>
    %get3A_11 = vector.shape_cast %get3A_10 : vector<1x2000x128xf32> to vector<2000x128xf32>
    %add3A = arith.addf %get3A_6, %get3A_11 : vector<2000x128xf32>
    %mul3A = vector.broadcast %get3A_1 : vector<2000x1xf32> to vector<2000x128xf32>
    %mul3A_12 = arith.mulf %add3A, %mul3A : vector<2000x128xf32>
    %max3A = arith.constant 0.000000e+00 : f32
    %max3A_13 = vector.broadcast %max3A : f32 to vector<2000x128xf32>
    %max3A_14 = arith.maximumf %mul3A_12, %max3A_13 : vector<2000x128xf32>
    %get3A_15 = arith.constant 0 : index
    %get3A_16 = arith.constant 0 : index
    %get3A_17 = vector.load %arg3[%get3A_15, %get3A_16] : memref<128x64xf32, #tpu.memory_space<vmem>>, vector<128x64xf32>
    %dot_general3A = arith.constant dense<0.000000e+00> : vector<2000x64xf32>
    %dot_general3A_18 = tpu.matmul %max3A_14, %get3A_17, %dot_general3A {dimension_numbers = #tpu.dot_dimension_numbers<[1], [0], [0], [1], [0, 0, 1, 1], [], []>, transpose_lhs_hint = false} : vector<2000x128xf32>, vector<128x64xf32>, vector<2000x64xf32> -> vector<2000x64xf32>
    %mul3A_19 = vector.broadcast %get3A_1 : vector<2000x1xf32> to vector<2000x64xf32>
    %mul3A_20 = arith.mulf %dot_general3A_18, %mul3A_19 : vector<2000x64xf32>
    %swap3A = arith.constant 0 : index
    %swap3A_21 = arith.constant 0 : index
    %swap3A_22 = vector.load %arg4[%swap3A, %swap3A_21] : memref<2000x64xf32, #tpu.memory_space<vmem>>, vector<2000x64xf32>
    tpu.vector_store %arg4[%swap3A, %swap3A_21], %mul3A_20 {strides = array<i32>} : memref<2000x64xf32, #tpu.memory_space<vmem>>, vector<2000x64xf32>,
    return
  }
  func.func @transform_0(%arg0: i32) -> (i32, i32, i32) {
    %c0_i32 = arith.constant 0 : i32
    %c0_i32_0 = arith.constant 0 : i32
    %c0_i32_1 = arith.constant 0 : i32
    return %c0_i32, %arg0, %c0_i32_0 : i32, i32, i32
  }
  func.func @transform_1(%arg0: i32) -> (i32, i32) {
    %c0_i32 = arith.constant 0 : i32
    %c0_i32_0 = arith.constant 0 : i32
    return %arg0, %c0_i32 : i32, i32
  }
  func.func @transform_2(%arg0: i32) -> (i32, i32) {
    %c0_i32 = arith.constant 0 : i32
    %c0_i32_0 = arith.constant 0 : i32
    %c0_i32_1 = arith.constant 0 : i32
    return %c0_i32, %c0_i32_0 : i32, i32
  }
  func.func @transform_3(%arg0: i32) -> (i32, i32) {
    %c0_i32 = arith.constant 0 : i32
    %c0_i32_0 = arith.constant 0 : i32
    return %arg0, %c0_i32 : i32, i32
  }
}

module attributes {stable_mosaic.version = 14 : i64} {
  func.func @body(%arg0: i32, %arg1: memref<2x2000x64xf32, #tpu.memory_space<vmem>>, %arg2: memref<2000x1xf32, #tpu.memory_space<vmem>>, %arg3: memref<2000x64xf32, #tpu.memory_space<vmem>>) attributes {dimension_semantics = [#tpu.dimension_semantics<arbitrary>], iteration_bounds = array<i64: 5>, scalar_prefetch = 0 : i64, scratch_operands = 0 : i64, tpu.core_type = #tpu.core_type<tc>, window_params = [{transform_indices = @transform_0, window_bounds = array<i64: 2, 2000, 64>}, {transform_indices = @transform_1, window_bounds = array<i64: 2000, 1>}, {transform_indices = @transform_2, window_bounds = array<i64: 2000, 64>}]} {
    %get3A = arith.constant 0 : index
    %get3A_0 = arith.constant 0 : index
    %get3A_1 = arith.constant 0 : index
    %get3A_2 = vector.load %arg1[%get3A, %get3A_0, %get3A_1] : memref<2x2000x64xf32, #tpu.memory_space<vmem>>, vector<1x2000x64xf32>
    %get3A_3 = vector.shape_cast %get3A_2 : vector<1x2000x64xf32> to vector<2000x64xf32>
    %get3A_4 = arith.constant 1 : index
    %get3A_5 = arith.constant 0 : index
    %get3A_6 = arith.constant 0 : index
    %get3A_7 = vector.load %arg1[%get3A_4, %get3A_5, %get3A_6] : memref<2x2000x64xf32, #tpu.memory_space<vmem>>, vector<1x2000x64xf32>
    %get3A_8 = vector.shape_cast %get3A_7 : vector<1x2000x64xf32> to vector<2000x64xf32>
    %add3A = arith.addf %get3A_3, %get3A_8 : vector<2000x64xf32>
    %get3A_9 = arith.constant 0 : index
    %get3A_10 = arith.constant 0 : index
    %get3A_11 = vector.load %arg2[%get3A_9, %get3A_10] : memref<2000x1xf32, #tpu.memory_space<vmem>>, vector<2000x1xf32>
    %mul3A = vector.broadcast %get3A_11 : vector<2000x1xf32> to vector<2000x64xf32>
    %mul3A_12 = arith.mulf %add3A, %mul3A : vector<2000x64xf32>
    %swap3A = arith.constant 0 : index
    %swap3A_13 = arith.constant 0 : index
    %swap3A_14 = vector.load %arg3[%swap3A, %swap3A_13] : memref<2000x64xf32, #tpu.memory_space<vmem>>, vector<2000x64xf32>
    tpu.vector_store %arg3[%swap3A, %swap3A_13], %mul3A_12 {strides = array<i32>} : memref<2000x64xf32, #tpu.memory_space<vmem>>, vector<2000x64xf32>,
    return
  }
  func.func @transform_0(%arg0: i32) -> (i32, i32, i32) {
    %c0_i32 = arith.constant 0 : i32
    %c0_i32_0 = arith.constant 0 : i32
    %c0_i32_1 = arith.constant 0 : i32
    return %c0_i32, %arg0, %c0_i32_0 : i32, i32, i32
  }
  func.func @transform_1(%arg0: i32) -> (i32, i32) {
    %c0_i32 = arith.constant 0 : i32
    %c0_i32_0 = arith.constant 0 : i32
    return %arg0, %c0_i32 : i32, i32
  }
  func.func @transform_2(%arg0: i32) -> (i32, i32) {
    %c0_i32 = arith.constant 0 : i32
    %c0_i32_0 = arith.constant 0 : i32
    return %arg0, %c0_i32 : i32, i32
  }
}

</mosaic_0001>

<sc_bundles>
// kernel: kernel.12.cloned.1.call-start
scs
__scs_entry_jumppad:
0x0: {  	(pc) =	sbr.rel $0x88, $3  }
0x1: {  	(tag) =	ssettag $0x0;
	lr =	simm.s32 $0x1  }
0x2: {  	[smem:$0x3F9D] =	sst lr;
	_ =	strace $0xD0000000  }
0x3: {  	_ = 	snop  }
0x4: {  	_ = 	snop  }
0x5: {  	_ = 	snop  }
0x6: {  	_ = 	snop  }
0x7: {  	_ = 	snop  }
__scs_overlays_trampoline_lowered:
0x8: {  	[smem:$0x3FAC] =	sst s0  }
0x9: {  	[smem:$0x3FAD] =	sst s1  }
0xa: {  	[smem:$0x3FAE] =	sst s2  }
0xb: {  	[smem:$0x3FAF] =	sst s3  }
0xc: {  	[smem:$0x3FB0] =	sst s4  }
0xd: {  	[smem:$0x3FB1] =	sst s5  }
0xe: {  	[smem:$0x3FB2] =	sst s6  }
0xf: {  	[smem:$0x3FB3] =	sst s7  }
0x10: {  	[smem:$0x3FB4] =	sst s8  }
0x11: {  	[smem:$0x3FB5] =	sst s9;
	s0 =	simm.s32 @!p0 $0x0  }
0x12: {  	s1 =	sld [smem:$0x3F9B];
	s0 =	simm.s32 @p0 $0x1  }
0x13: {  	[smem:$0x3FB6] =	sst s0;
	s0 =	simm.s32 @!p1 $0x0  }
0x14: {  	s2 =	sld [smem:$0x3F9A];
	s0 =	simm.s32 @p1 $0x1  }
0x15: {  	[smem:$0x3FB7] =	sst s0;
	s0 =	simm.s32 @!p2 $0x0  }
0x16: {  	s3 =	sld [smem:$0x3FDB];
	s0 =	simm.s32 @p2 $0x1  }
0x17: {  	s4 =	simm.s32 $0x1BF5;
	[smem:$0x3FB9] =	sst s0  }
0x18: {  	s0 =	sld [smem:$0x3F9C];
	_ =	swait.ge [sflag:s4], $0x0  }
0x19: {  	s7 =	sld [smem:$0x3F9D]  }
0x1a: {  	s8 =	sadd.s32 $0xFFFFE003, lr  }
0x1b: {  	s9 =	sadd.s32 $0xFFFFFEF7, lr;
	s5 =	simm.s32 $0xFFFFFFFF;
	p2 =	slt.u32 s8, $0xFFFFF086  }
0x1c: {  	p1 =	slt.u32 s9, $0xF7A;
	s5 =	simm.s32 @!p2 $0x0  }
0x1d: {  	s5 =	simm.s32 @p1 $0x1;
	p0 =	seq.s32 s7, s2  }
0x1e: {  	s7 =	smul.u32 @!p0 $0xF7A, s2;
	p2 =	seq.s32 @!p0 s5, $0x0  }
0x1f: {  	s9 =	smul.u32 $0xF7A, s1;
	s8 =	simm.s32 @!p0 $0x1BF5;
	p2 =	por !p2, p0  }
0x20: {  	[sflag:s8] =	ssyncset.s32 @!p0 $0xFFFFF086;
	s6 =	sadd.s32 @!p0 s3, s7;
	s7 =	simm.s32 @!p0 $0x108  }
0x21: {  	s3 =	sadd.s32 s3, s9;
	s6 =	sadd.s32 @!p0 $0x88, s6;
	s7 =	simm.s32 @p2 $0x1082  }
0x22: {  	[simem:s7], [sflag:s8] =	dma.local @!p0 [hbm:s6], $0xF7A  }
0x23: {  	s9 =	sor.u32 $0xD0000000, s2;
	s6 =	simm.s32 $0x108;
	_ =	swait.ge @!p0 [sflag:s8], $0x0  }
0x24: {  	s3 =	sadd.s32 $0x88, s3;
	s6 =	simm.s32 @!p1 $0x1082;
	[sflag:s4] =	ssyncset.s32 $0xFFFFF086  }
0x25: {  	[simem:s6], [sflag:s4] =	dma.local [hbm:s3], $0xF7A  }
0x26: {  	[smem:$0x3F9D] =	sst s1;
	(tag) =	ssettag s2;
	_ =	strace s9  }
0x27: {  	s1 =	sld [smem:$0x3FAD]  }
0x28: {  	s2 =	sld [smem:$0x3FAE]  }
0x29: {  	s4 =	sld [smem:$0x3FB0]  }
0x2a: {  	p0 =	seq.s32 s5, $0x0;
	s5 =	sld [smem:$0x3FB1]  }
0x2b: {  	s6 =	sld [smem:$0x3FB2]  }
0x2c: {  	s7 =	sld [smem:$0x3FB3]  }
0x2d: {  	s3 =	simm.s32 $0x108;
	s8 =	sld [smem:$0x3FB4]  }
0x2e: {  	s3 =	simm.s32 @!p0 $0x1082;
	s9 =	sld [smem:$0x3FB5]  }
0x2f: {  	lr =	sadd.s32 s0, s3;
	s0 =	sld [smem:$0x3FAC]  }
0x30: {  	s3 =	sld [smem:$0x3FAF]  }
0x31: {  	[smem:$0x3FB8] =	sst s10  }
0x32: {  	s10 =	sld [smem:$0x3FB6];
	_ =	sdelay $0x3  }
0x33: {  	p0 =	seq.s32 s10, $0x1;
	s10 =	sld [smem:$0x3FB8];
	_ =	sdelay $0x3  }
0x34: {  	[smem:$0x3FB8] =	sst s10  }
0x35: {  	s10 =	sld [smem:$0x3FB7];
	_ =	sdelay $0x3  }
0x36: {  	p1 =	seq.s32 s10, $0x1;
	s10 =	sld [smem:$0x3FB8];
	_ =	sdelay $0x3  }
0x37: {  	[smem:$0x3FB8] =	sst s10  }
0x38: {  	s10 =	sld [smem:$0x3FB9]  }
0x39: {  	_ = 	snop;
	(pc) =	sbr.ind lr, $3  }
0x3a: {  	_ = 	snop  }
0x3b: {  	_ = 	snop  }
0x3c: {  	p2 =	seq.s32 s10, $0x1;
	s10 =	sld [smem:$0x3FB8]  }
0x3d: {  	_ =	shalt  }
0x3e: {  	_ =	shalt  }
0x3f: {  	_ =	shalt  }
0x40: {  	_ =	shalt  }
0x41: {  	_ =	shalt  }
0x42: {  	_ =	shalt  }
0x43: {  	_ =	shalt  }
0x44: {  	_ =	shalt  }
0x45: {  	_ =	shalt  }
0x46: {  	_ =	shalt  }
0x47: {  	_ =	shalt  }
0x48: {  	_ =	shalt  }
0x49: {  	_ =	shalt  }
0x4a: {  	_ =	shalt  }
0x4b: {  	_ =	shalt  }
0x4c: {  	_ =	shalt  }
0x4d: {  	_ =	shalt  }
0x4e: {  	_ =	shalt  }
0x4f: {  	_ =	shalt  }
0x50: {  	_ =	shalt  }
0x51: {  	_ =	shalt  }
0x52: {  	_ =	shalt  }
0x53: {  	_ =	shalt  }
0x54: {  	_ =	shalt  }
0x55: {  	_ =	shalt  }
0x56: {  	_ =	shalt  }
0x57: {  	_ =	shalt  }
0x58: {  	_ =	shalt  }
0x59: {  	_ =	shalt  }
0x5a: {  	_ =	shalt  }
0x5b: {  	_ =	shalt  }
0x5c: {  	_ =	shalt  }
0x5d: {  	_ =	shalt  }
0x5e: {  	_ =	shalt  }
0x5f: {  	_ =	shalt  }
0x60: {  	_ =	shalt  }
0x61: {  	_ =	shalt  }
0x62: {  	_ =	shalt  }
0x63: {  	_ =	shalt  }
0x64: {  	_ =	shalt  }
0x65: {  	_ =	shalt  }
0x66: {  	_ =	shalt  }
0x67: {  	_ =	shalt  }
0x68: {  	_ =	shalt  }
0x69: {  	_ =	shalt  }
0x6a: {  	_ =	shalt  }
0x6b: {  	_ =	shalt  }
0x6c: {  	_ =	shalt  }
0x6d: {  	_ =	shalt  }
0x6e: {  	_ =	shalt  }
0x6f: {  	_ =	shalt  }
0x70: {  	_ =	shalt  }
0x71: {  	_ =	shalt  }
0x72: {  	_ =	shalt  }
0x73: {  	_ =	shalt  }
0x74: {  	_ =	shalt  }
0x75: {  	_ =	shalt  }
0x76: {  	_ =	shalt  }
0x77: {  	_ =	shalt  }
0x78: {  	_ =	shalt  }
0x79: {  	_ =	shalt  }
0x7a: {  	_ =	shalt  }
0x7b: {  	_ =	shalt  }
0x7c: {  	_ =	shalt  }
0x7d: {  	_ =	shalt  }
0x7e: {  	_ =	shalt  }
0x7f: {  	_ =	shalt  }
0x80: {  	_ =	shalt  }
0x81: {  	_ =	shalt  }
0x82: {  	_ =	shalt  }
0x83: {  	_ =	shalt  }
0x84: {  	_ =	shalt  }
0x85: {  	_ =	shalt  }
0x86: {  	_ =	shalt  }
0x87: {  	_ =	shalt  }
.Lfunc_end0:
.L_simem_size_0:
called_computation.1_lowered:
.L_overlay_start_0:
0x88: {  	s2 =	sld [smem:$0x3FD9]  }
0x89: {  	s3 =	sld [smem:$0x3FFE];
	_ =	sdelay $0x1  }
0x8a: {  	s1 =	srdreg.scid  }
0x8b: {  	s0 =	sand.u32 $0x1, s1  }
0x8c: {  	s17 =	sshll.u32 s0, $0xA;
	s2 =	sadd.s32 s3, s2  }
0x8d: {  	s2 =	sadd.s32 s2, s17  }
0x8e: {  	[smem:$0x3FC4] =	sst s2  }
0x8f: {  	_ = 	snop  }
0x90: {  	s2 =	sld [smem:$0x3FD0];
	(tm) =	ssettm $0x1  }
0x91: {  	s18 =	sld [smem:$0x3FFB];
	_ =	sdelay $0x3  }
0x92: {  	_ =	strace s18  }
0x93: {  	s3 =	sld [smem:$0x3FFC];
	_ =	sdelay $0x3  }
0x94: {  	_ =	strace s3  }
0x95: {  	s3 =	sld [smem:$0x3FFD];
	_ =	sdelay $0x3  }
0x96: {  	_ =	strace s3  }
0x97: {  	_ =	strace $0x8FFFFFFF  }
0x98: {  	s19 =	sld [smem:$0x3FDB];
	_ =	sdelay $0x1  }
0x99: {  	s4 =	simm.s32 $_scs_section_size  }
0x9a: {  	s5 =	simm.s32 $_size__tile_overlayer_lowered;
	s6 =	simm.s32 $_tile_overlayer_lowered  }
0x9b: {  	s22 =	simm.s32 $0x1BFF;
	s21 =	sshll.u32 s6, $0x1;
	s3 =	sadd.s32 s4, s19  }
0x9c: {  	s7 =	simm.s32 $0x0;
	s20 =	sshll.u32 s5, $0x1;
	s5 =	sadd.s32 s21, s3  }
0x9d: {  	[timem:s7], [sflag:s22] =	dma.local [hbm:s5], s20  }
0x9e: {  	_ =	swait.ge [sflag:s22], s20  }
0x9f: {  	s4 =	ssub.s32 $0x0, s20;
	[sflag:s22] =	ssyncset.done $0x0  }
0xa0: {  	[sflag:s22] =	ssyncadd.s32 s4;
	_ =	sdelay $0x1  }
0xa1: {  	s23 =	simm.s32 $0x1B8B  }
0xa2: {  	_ =	swait.ge [sflag:s23], $0x1  }
0xa3: {  	[sflag:s23] =	ssyncset.done $0x0  }
0xa4: {  	s25 =	simm.s32 $0x1B8E;
	s24 =	sld [smem:$0x3FFE];
	[sflag:s23] =	ssyncadd.s32 $0xFFFFFFFF  }
0xa5: {  	s26 =	simm.s32 $execute0_lowered;
	[smem:$0x3FD2] =	sst s25  }
0xa6: {  	s5 =	sshll.u32 s26, $0x1;
	_ =	strace $0x80000049;
	[dreg:$0x1] =	wrdreg $0xFFFFFFFF  }
0xa7: {  	s28 =	simm.s32 $_size_execute0_lowered;
	s3 =	sadd.s32 s3, s5;
	[dreg:$0x0] =	wrdreg $0x0  }
0xa8: {  	s5 =	sshll.u32 s28, $0x1;
	[dreg:$0x2] =	wrdreg s3  }
0xa9: {  	[dreg:$0x3] =	wrdreg s5  }
0xaa: {  	[dreg:$0x4] =	wrdreg $0xC0  }
0xab: {  	_ =	task [dreg:s7], $0x5FFFF  }
0xac: {  	[dreg:$0x1] =	wrdreg $0xFFFFFFFF  }
0xad: {  	[dreg:$0x0] =	wrdreg $0x60  }
0xae: {  	[dreg:$0x2] =	wrdreg s24  }
0xaf: {  	[dreg:$0x3] =	wrdreg s2  }
0xb0: {  	[dreg:$0x4] =	wrdreg $0x0  }
0xb1: {  	[dreg:$0x5] =	wrdreg $0x9  }
0xb2: {  	_ =	task.clear_ibuf [dreg:s7], $0x6FFFF;
	_ =	strace $0x90000049  }
0xb3: {  	s29 =	simm.s32 $0x9;
	_ =	strace $0x8000004B  }
0xb4: {  	_ =	swait.ge [sflag:s29], $0x1  }
0xb5: {  	[sflag:s29] =	ssyncadd.s32 $0xFFFFFFFF  }
0xb6: {  	_ =	strace $0x9000004B  }
0xb7: {  	_ =	sfence  }
0xb8: {  	s30 =	sld [smem:$0x0];
	_ =	sdelay $0x2  }
0xb9: {  	s31 =	sshll.u32 s1, $0xD;
	s1 =	sshrl.u32 s1, $0x2  }
0xba: {  	s3 =	sand.u32 $0x4000, s31;
	s1 =	sadd.s32 s1, s30  }
0xbb: {  	s0 =	sor.u32 s3, s0;
	s1 =	sshll.u32 s1, $0x11  }
0xbc: {  	s0 =	sor.u32 s1, s0  }
0xbd: {  	s0 =	sadd.s32 $0x8F2B, s0  }
0xbe: {  	[sflag:s0] =	ssyncadd.remote.s32 $0x1  }
0xbf: {  	_ =	sfence.sel $0xFFFF  }
0xc0: {  	[dreg:$0x0] =	wrdreg $0xFFFFFFFF;
	(pc) =	sbr.abs _section_cstart, $3  }
0xc1: {  	[dreg:$0x1] =	wrdreg $0xFFFFFFFF  }
0xc2: {  	_ =	task.clear_ibuf [dreg:s7], $0x2FFFF;
	_ =	strace $0x9FFFFFFF  }
0xc3: {  	(tm) =	ssettm $0x7FFFFFFF  }
tec
execute0_lowered:
.L_overlay_start_1:
0x0: {  	(tag) =	ssettag $0x1  }
0x1: {  	s2 =	rddreg [dreg:$0x0];
	s0 =	srdreg.scid  }
0x2: {  	s1 =	rddreg [dreg:$0x1];
	s4 =	simm.s32 $0x0;
	s20 =	stileid.u32  }
0x3: {  	s0 =	sand.u32 $0x1, s0;
	[smem:$0x7FF] =	sst s4;
	s4 =	sadd.s32 $0x29000, s2  }
0x4: {  	s8 =	sor.u32 $0x10, s20;
	s9 =	sor.u32 $0x30, s20;
	s7 =	smul.u32 $0x138800, s0  }
0x5: {  	s3 =	sshll.u32 s0, $0x4;
	s5 =	ssub.s32 $0x2, s0;
	s0 =	smul.u32 $0x2800, s20  }
0x6: {  	s10 =	sor.u32 $0x40, s20;
	s12 =	sor.u32 $0x60, s20;
	s16 =	smul.u32 $0x2800, s9  }
0x7: {  	s14 =	sor.u32 $0x70, s20;
	p1 =	sgt.u32 s20, $0xC;
	s17 =	smul.u32 $0x2800, s10  }
0x8: {  	s19 =	smul.u32 $0x2800, s12;
	s3 =	sor.u32 s20, s3;
	s6 =	sshrl.u32 s5, $0x1  }
0x9: {  	p0 =	sgt.u32 s14, $0x7C;
	s3 =	smul.u32 $0x2710, s3;
	s5 =	ssub.s32 s5, s6  }
0xa: {  	s6 =	sor.u32 $0x20, s20;
	s11 =	sadd.s32 s7, s0;
	s25 =	sadd.s32 s7, s16  }
0xb: {  	s15 =	smul.u32 $0x2800, s6;
	s11 =	sshrl.u32 s11, $0x3;
	s26 =	sshrl.u32 s25, $0x3  }
0xc: {  	s25 =	sadd.s32 s7, s19;
	s5 =	smax.u32 s5, $0x1;
	s22 =	sshrl.u32 s3, $0x3  }
0xd: {  	s3 =	smul.u32 $0xA000, s8;
	s11 =	sadd.s32 s4, s11;
	s21 =	sadd.s32 s1, s22  }
0xe: {  	s1 =	smul.u32 $0x2800, s8;
	s8 =	sor.u32 $0x50, s20;
	s24 =	sadd.s32 s7, s15  }
0xf: {  	[dreg:$0x4] =	wrdreg s11;
	s11 =	sshrl.u32 s24, $0x3;
	s18 =	smul.u32 $0x2800, s8  }
0x10: {  	s3 =	sshrl.u32 s3, $0x2;
	s13 =	sadd.s32 s7, s1;
	s11 =	sadd.s32 s4, s11  }
0x11: {  	s13 =	sshrl.u32 s13, $0x3;
	[dreg:$0x6] =	wrdreg s11;
	s11 =	sadd.s32 s4, s26  }
0x12: {  	s22 =	sadd.s32 s7, s18;
	s26 =	sshrl.u32 s25, $0x3;
	s25 =	smul.u32 $0xA000, s10  }
0x13: {  	s23 =	sadd.s32 s4, s13;
	[dreg:$0x7] =	wrdreg s11;
	s13 =	sadd.s32 s7, s17  }
0x14: {  	s24 =	sshrl.u32 s22, $0x3;
	s22 =	smul.u32 $0xA000, s6;
	s11 =	sshrl.u32 s13, $0x3  }
0x15: {  	[dreg:$0x5] =	wrdreg s23;
	s23 =	smul.u32 $0x2800, s14;
	s11 =	sadd.s32 s4, s11  }
0x16: {  	s13 =	sadd.s32 $0x1E00, s2;
	s2 =	sshrl.u32 s22, $0x2;
	[dreg:$0x8] =	wrdreg s11  }
0x17: {  	s11 =	sadd.s32 s4, s24;
	s7 =	sadd.s32 s7, s23;
	s24 =	smul.u32 $0xA000, s9  }
0x18: {  	[dreg:$0x9] =	wrdreg s11;
	s11 =	sadd.s32 s4, s26;
	s26 =	smul.u32 $0xA000, s8  }
0x19: {  	s7 =	sshrl.u32 s7, $0x3;
	s8 =	smul.u32 $0xA000, s14;
	[dreg:$0xa] =	wrdreg s11  }
0x1a: {  	s11 =	rddreg [dreg:$0x2];
	s4 =	sadd.s32 s4, s7;
	s7 =	smul.u32 $0xA000, s20  }
0x1b: {  	s6 =	sshrl.u32 s24, $0x2;
	[dreg:$0xb] =	wrdreg s4;
	s3 =	sadd.s32 s3, s11  }
0x1c: {  	s2 =	sadd.s32 s2, s11;
	s10 =	sshrl.u32 s26, $0x2;
	s14 =	sshrl.u32 s8, $0x2  }
0x1d: {  	s0 =	sadd.s32 s0, s11;
	s1 =	sadd.s32 s1, s11;
	s15 =	sadd.s32 s15, s11  }
0x1e: {  	s16 =	sadd.s32 s16, s11;
	s17 =	sadd.s32 s17, s11;
	s18 =	sadd.s32 s18, s11  }
0x1f: {  	s19 =	sadd.s32 s19, s11;
	_ =	strace $0x8000004A;
	[dreg:$0xc] =	wrdreg s5  }
0x20: {  	s8 =	simm.s32 $0x5;
	s4 =	sshrl.u32 s7, $0x2;
	[dreg:$0xe] =	wrdreg s3  }
0x21: {  	[dreg:$0xf] =	wrdreg s2;
	s7 =	smul.u32 $0xA000, s12;
	s2 =	sadd.s32 s6, s11  }
0x22: {  	s22 =	sadd.s32 s14, s11;
	s24 =	sshrl.u32 s1, $0x3;
	s26 =	sshrl.u32 s16, $0x3  }
0x23: {  	s28 =	sshrl.u32 s17, $0x3;
	s29 =	sshrl.u32 s18, $0x3;
	s30 =	sshrl.u32 s19, $0x3  }
0x24: {  	s1 =	simm.s32 $0x186A0;
	s3 =	simm.s32 $0x1;
	s5 =	simm.s32 $0x1AEA0  }
0x25: {  	s6 =	simm.s32 $0x1D6A0;
	s14 =	simm.s32 $0x4;
	s16 =	simm.s32 $0x9  }
0x26: {  	s17 =	simm.s32 $0x0;
	s4 =	sadd.s32 s4, s11;
	[dreg:$0x10] =	wrdreg s2  }
0x27: {  	s2 =	sadd.s32 s10, s11;
	s10 =	simm.s32 $0x3;
	[dreg:$0xd] =	wrdreg s4  }
0x28: {  	s4 =	sshrl.u32 s25, $0x2;
	[dreg:$0x12] =	wrdreg s2;
	s12 =	sshrl.u32 s7, $0x2  }
0x29: {  	s7 =	sadd.s32 s23, s11;
	s23 =	sshrl.u32 s0, $0x3;
	s25 =	sshrl.u32 s15, $0x3  }
0x2a: {  	s0 =	simm.s32 $0x13880;
	s15 =	simm.s32 $0x7;
	s9 =	sadd.s32 s4, s11  }
0x2b: {  	s2 =	sadd.s32 s12, s11;
	s31 =	sshrl.u32 @!p0 s7, $0x3;
	s4 =	simm.s32 $0x50  }
0x2c: {  	s7 =	simm.s32 $0x2;
	s12 =	simm.s32 $0x6;
	[dreg:$0x11] =	wrdreg s9  }
0x2d: {  	v0 =	vimm.f32 $0.0e+00;
	[dreg:$0x13] =	wrdreg s2;
	s9 =	sadd.s32 $0x9C40, s21;
	s2 =	simm.s32 $0x8  }
.LBB2_1:
0x2e: {  	s18 =	simm.s32 $0x0  }
0x2f: {  	[tilespmem:s0], [sflag:$0x1] =	stream.linear.gather [hbm4b:s9+s18], $0x2710, $0x38;
	[tilespmem:$0x1FEA0] =	vst v63  }
0x30: {  	s19 =	simm.s32 $0x15F90  }
0x31: {  	[tilespmem:s19], [sflag:$0x1] =	stream.linear.gather [hbm4b:s21+s18], $0x2710, $0x38;
	[tilespmem:$0x1FEA0] =	vst v63  }
0x32: {  	s18 =	simm.s32 $0x0;
	s19 =	simm.s32 $0x200  }
.LBB2_2:
0x33: {  	p2 =	sne.s32 s19, $0x9E00;
	[tilespmem:s18+$0x18710] =	vst v0  }
0x34: {  	[tilespmem:s18+$0x186A0] =	vst v0  }
0x35: {  	[tilespmem:s18+$0x186B0] =	vst v0  }
.Ltmp0:
0x36: {  	[tilespmem:s18+$0x186C0] =	vst v0;
	(pc) =	sbr.rel @p2 .LBB2_2-.Ltmp0, $4  }
0x37: {  	[tilespmem:s18+$0x186D0] =	vst v0  }
0x38: {  	[tilespmem:s18+$0x186E0] =	vst v0  }
0x39: {  	[tilespmem:s18+$0x186F0] =	vst v0  }
0x3a: {  	[tilespmem:s18+$0x18700] =	vst v0;
	s18 =	sshra.s32 s19, $0x2;
	s19 =	sadd.s32 $0x200, s19  }
0x3b: {  	[tilespmem:s18+$0x18710] =	vst v0  }
0x3c: {  	[tilespmem:s18+$0x186A0] =	vst v0  }
0x3d: {  	[tilespmem:s18+$0x186B0] =	vst v0  }
0x3e: {  	[tilespmem:s18+$0x186C0] =	vst v0  }
0x3f: {  	[tilespmem:s18+$0x186D0] =	vst v0  }
0x40: {  	[tilespmem:s18+$0x186E0] =	vst v0  }
0x41: {  	[tilespmem:s18+$0x186F0] =	vst v0  }
0x42: {  	[tilespmem:s18+$0x18700] =	vst v0;
	s19 =	rddreg [dreg:$0xd]  }
0x43: {  	[spmem:s19] =	stream.linear.scatter [tilespmem:s1], [sflag:$0x8], $0x2800, $0x38;
	[tilespmem:$0x1FEA0] =	vst v63  }
0x44: {  	s20 =	rddreg [dreg:$0xe]  }
0x45: {  	[spmem:s20] =	stream.linear.scatter [tilespmem:s1], [sflag:$0x8], $0x2800, $0x38;
	[tilespmem:$0x1FEA0] =	vst v63  }
0x46: {  	s19 =	rddreg [dreg:$0xf]  }
0x47: {  	[spmem:s19] =	stream.linear.scatter [tilespmem:s1], [sflag:$0x8], $0x2800, $0x38;
	[tilespmem:$0x1FEA0] =	vst v63  }
0x48: {  	s20 =	rddreg [dreg:$0x10]  }
0x49: {  	[spmem:s20] =	stream.linear.scatter [tilespmem:s1], [sflag:$0x8], $0x2800, $0x38;
	[tilespmem:$0x1FEA0] =	vst v63  }
0x4a: {  	s19 =	rddreg [dreg:$0x11]  }
0x4b: {  	[spmem:s19] =	stream.linear.scatter [tilespmem:s1], [sflag:$0x8], $0x2800, $0x38;
	[tilespmem:$0x1FEA0] =	vst v63  }
0x4c: {  	s20 =	rddreg [dreg:$0x12]  }
0x4d: {  	[spmem:s20] =	stream.linear.scatter [tilespmem:s1], [sflag:$0x8], $0x2800, $0x38;
	[tilespmem:$0x1FEA0] =	vst v63  }
0x4e: {  	s19 =	rddreg [dreg:$0x13]  }
0x4f: {  	[spmem:s19] =	stream.linear.scatter [tilespmem:s1], [sflag:$0x8], $0x2800, $0x38;
	[tilespmem:$0x1FEA0] =	vst v63  }
0x50: {  	s18 =	simm.s32 @!p0 $0x186A0  }
0x51: {  	[spmem:s22] =	stream.linear.scatter @!p0 [tilespmem:s18], [sflag:$0x8], $0x2800, $0x38;
	[tilespmem:$0x1FEA0] =	vst v63  }
0x52: {  	_ =	swait.ge [sflag:s2], $0x2800  }
0x53: {  	[sflag:s2] =	ssyncset.done $0x0  }
0x54: {  	[sflag:s2] =	ssyncadd.s32 $0xFFFFD800  }
0x55: {  	_ =	swait.ge [sflag:s2], $0x2800  }
0x56: {  	[sflag:s2] =	ssyncset.done $0x0  }
0x57: {  	[sflag:s2] =	ssyncadd.s32 $0xFFFFD800  }
0x58: {  	_ =	swait.ge [sflag:s2], $0x2800  }
0x59: {  	[sflag:s2] =	ssyncset.done $0x0  }
0x5a: {  	[sflag:s2] =	ssyncadd.s32 $0xFFFFD800  }
0x5b: {  	_ =	swait.ge [sflag:s2], $0x2800  }
0x5c: {  	[sflag:s2] =	ssyncset.done $0x0  }
0x5d: {  	[sflag:s2] =	ssyncadd.s32 $0xFFFFD800  }
0x5e: {  	_ =	swait.ge [sflag:s2], $0x2800  }
0x5f: {  	[sflag:s2] =	ssyncset.done $0x0  }
0x60: {  	[sflag:s2] =	ssyncadd.s32 $0xFFFFD800  }
0x61: {  	_ =	swait.ge [sflag:s2], $0x2800  }
0x62: {  	[sflag:s2] =	ssyncset.done $0x0  }
0x63: {  	[sflag:s2] =	ssyncadd.s32 $0xFFFFD800  }
0x64: {  	_ =	swait.ge [sflag:s2], $0x2800  }
0x65: {  	[sflag:s2] =	ssyncset.done $0x0  }
0x66: {  	s18 =	simm.s32 @!p1 $0x8;
	[sflag:s2] =	ssyncadd.s32 $0xFFFFD800  }
0x67: {  	_ =	swait.ge @!p1 [sflag:s18], $0x2800  }
0x68: {  	[sflag:s18] =	ssyncset.done @!p1 $0x0  }
0x69: {  	[sflag:s18] =	ssyncadd.s32 @!p1 $0xFFFFD800  }
0x6a: {  	_ =	swait.ge [sflag:s3], $0x2710  }
0x6b: {  	[sflag:s3] =	ssyncset.done $0x0  }
0x6c: {  	[sflag:s3] =	ssyncadd.s32 $0xFFFFD8F0  }
0x6d: {  	_ =	swait.ge [sflag:s3], $0x2710  }
0x6e: {  	[sflag:s3] =	ssyncset.done $0x0  }
0x6f: {  	[sflag:s3] =	ssyncadd.s32 $0xFFFFD8F0  }
0x70: {  	[tilespmem:s1], [sflag:$0x2] =	stream.indirect.gather [hbm4b:s13+s4], $0x80, s0, s4, $0xb8;
	[tilespmem:$0x1FEA0] =	vst v63  }
0x71: {  	s20 =	simm.s32 $0x138D0  }
0x72: {  	[tilespmem:s5], [sflag:$0x3] =	stream.indirect.gather [hbm4b:s13+s4], $0x80, s20, s4, $0xb8;
	[tilespmem:$0x1FEA0] =	vst v63  }
0x73: {  	s19 =	simm.s32 $0x13920  }
0x74: {  	[tilespmem:s6], [sflag:$0x4] =	stream.indirect.gather [hbm4b:s13+s4], $0x80, s19, s4, $0xb8;
	[tilespmem:$0x1FEA0] =	vst v63  }
0x75: {  	[bflag:$0x0] =	sbarrier.arrive $0xFFFF  }
0x76: {  	_ =	swait.ge [sflag:s7], $0x2800  }
0x77: {  	[sflag:s7] =	ssyncset.done $0x0  }
0x78: {  	s20 =	simm.s32 $0x15F90;
	[sflag:s7] =	ssyncadd.s32 $0xFFFFD800  }
0x79: {  	[spmem:s11] =	stream.indirect.scatter.add.f32 [tilespmem:s1], [sflag:$0x5], $0x80, s20, s4, $0xb8;
	[tilespmem:$0x1FEA0] =	vst v63  }
0x7a: {  	_ =	swait.ge [sflag:s8], $0x2800  }
0x7b: {  	[sflag:s8] =	ssyncset.done $0x0  }
0x7c: {  	s19 =	simm.s32 $0x13970;
	[sflag:s8] =	ssyncadd.s32 $0xFFFFD800  }
0x7d: {  	[tilespmem:s1], [sflag:$0x2] =	stream.indirect.gather [hbm4b:s13+s4], $0x80, s19, s4, $0xb8;
	[tilespmem:$0x1FEA0] =	vst v63  }
0x7e: {  	_ =	swait.ge [sflag:s10], $0x2800  }
0x7f: {  	[sflag:s10] =	ssyncset.done $0x0  }
0x80: {  	s20 =	simm.s32 $0x15FE0;
	[sflag:s10] =	ssyncadd.s32 $0xFFFFD800  }
0x81: {  	[spmem:s11] =	stream.indirect.scatter.add.f32 [tilespmem:s5], [sflag:$0x6], $0x80, s20, s4, $0xb8;
	[tilespmem:$0x1FEA0] =	vst v63  }
0x82: {  	_ =	swait.ge [sflag:s12], $0x2800  }
0x83: {  	[sflag:s12] =	ssyncset.done $0x0  }
0x84: {  	s19 =	simm.s32 $0x139C0;
	[sflag:s12] =	ssyncadd.s32 $0xFFFFD800  }
0x85: {  	[tilespmem:s5], [sflag:$0x3] =	stream.indirect.gather [hbm4b:s13+s4], $0x80, s19, s4, $0xb8;
	[tilespmem:$0x1FEA0] =	vst v63  }
0x86: {  	_ =	swait.ge [sflag:s14], $0x2800  }
0x87: {  	[sflag:s14] =	ssyncset.done $0x0  }
0x88: {  	s20 =	simm.s32 $0x16030;
	[sflag:s14] =	ssyncadd.s32 $0xFFFFD800  }
0x89: {  	[spmem:s11] =	stream.indirect.scatter.add.f32 [tilespmem:s6], [sflag:$0x7], $0x80, s20, s4, $0xb8;
	[tilespmem:$0x1FEA0] =	vst v63  }
0x8a: {  	_ =	swait.ge [sflag:s15], $0x2800  }
0x8b: {  	[sflag:s15] =	ssyncset.done $0x0  }
0x8c: {  	s18 =	simm.s32 $0x3C0;
	s19 =	simm.s32 $0x13A10;
	[sflag:s15] =	ssyncadd.s32 $0xFFFFD800  }
.LBB2_4:
0x8d: {  	[tilespmem:s6], [sflag:$0x4] =	stream.indirect.gather [hbm4b:s13+s4], $0x80, s19, s4, $0xb8;
	[tilespmem:$0x1FEA0] =	vst v63  }
0x8e: {  	s19 =	smov.u32 s18  }
0x8f: {  	p2 =	sne.s32 s18, $0x9240;
	s18 =	sadd.s32 $0x3C0, s18;
	_ =	swait.ge [sflag:s7], $0x2800  }
0x90: {  	s19 =	sshra.s32 s19, $0x2;
	[sflag:s7] =	ssyncset.done $0x0  }
0x91: {  	s20 =	sadd.s32 $0x15F90, s19;
	[sflag:s7] =	ssyncadd.s32 $0xFFFFD800  }
0x92: {  	[spmem:s11] =	stream.indirect.scatter.add.f32 [tilespmem:s1], [sflag:$0x5], $0x80, s20, s4, $0xb8;
	[tilespmem:$0x1FEA0] =	vst v63  }
0x93: {  	_ =	swait.ge [sflag:s8], $0x2800  }
0x94: {  	[sflag:s8] =	ssyncset.done $0x0  }
0x95: {  	s20 =	sadd.s32 $0x13970, s19;
	[sflag:s8] =	ssyncadd.s32 $0xFFFFD800  }
0x96: {  	[tilespmem:s1], [sflag:$0x2] =	stream.indirect.gather [hbm4b:s13+s4], $0x80, s20, s4, $0xb8;
	[tilespmem:$0x1FEA0] =	vst v63  }
0x97: {  	_ =	swait.ge [sflag:s10], $0x2800  }
0x98: {  	[sflag:s10] =	ssyncset.done $0x0  }
0x99: {  	s20 =	sadd.s32 $0x15FE0, s19;
	[sflag:s10] =	ssyncadd.s32 $0xFFFFD800  }
0x9a: {  	[spmem:s11] =	stream.indirect.scatter.add.f32 [tilespmem:s5], [sflag:$0x6], $0x80, s20, s4, $0xb8;
	[tilespmem:$0x1FEA0] =	vst v63  }
0x9b: {  	_ =	swait.ge [sflag:s12], $0x2800  }
0x9c: {  	[sflag:s12] =	ssyncset.done $0x0  }
0x9d: {  	s20 =	sadd.s32 $0x139C0, s19;
	[sflag:s12] =	ssyncadd.s32 $0xFFFFD800  }
0x9e: {  	[tilespmem:s5], [sflag:$0x3] =	stream.indirect.gather [hbm4b:s13+s4], $0x80, s20, s4, $0xb8;
	[tilespmem:$0x1FEA0] =	vst v63  }
0x9f: {  	_ =	swait.ge [sflag:s14], $0x2800  }
0xa0: {  	[sflag:s14] =	ssyncset.done $0x0  }
.Ltmp1:
0xa1: {  	s20 =	sadd.s32 $0x16030, s19;
	[sflag:s14] =	ssyncadd.s32 $0xFFFFD800;
	(pc) =	sbr.rel @p2 .LBB2_4-.Ltmp1, $4  }
0xa2: {  	[spmem:s11] =	stream.indirect.scatter.add.f32 [tilespmem:s6], [sflag:$0x7], $0x80, s20, s4, $0xb8;
	[tilespmem:$0x1FEA0] =	vst v63  }
0xa3: {  	_ =	swait.ge [sflag:s15], $0x2800  }
0xa4: {  	[sflag:s15] =	ssyncset.done $0x0  }
0xa5: {  	s19 =	sadd.s32 $0x13A10, s19;
	[sflag:s15] =	ssyncadd.s32 $0xFFFFD800  }
0xa6: {  	[tilespmem:s6], [sflag:$0x4] =	stream.indirect.gather [hbm4b:s13+s4], $0x80, s19, s4, $0xb8;
	[tilespmem:$0x1FEA0] =	vst v63  }
0xa7: {  	_ =	swait.ge [sflag:s7], $0x2800  }
0xa8: {  	[sflag:s7] =	ssyncset.done $0x0  }
0xa9: {  	s18 =	simm.s32 $0x18510;
	[sflag:s7] =	ssyncadd.s32 $0xFFFFD800  }
0xaa: {  	[spmem:s11] =	stream.indirect.scatter.add.f32 [tilespmem:s1], [sflag:$0x5], $0x80, s18, s4, $0xb8;
	[tilespmem:$0x1FEA0] =	vst v63  }
0xab: {  	_ =	swait.ge [sflag:s8], $0x2800  }
0xac: {  	[sflag:s8] =	ssyncset.done $0x0  }
0xad: {  	s19 =	simm.s32 $0x15EF0;
	[sflag:s8] =	ssyncadd.s32 $0xFFFFD800  }
0xae: {  	[tilespmem:s1], [sflag:$0x2] =	stream.indirect.gather [hbm4b:s13+s4], $0x80, s19, s4, $0xb8;
	[tilespmem:$0x1FEA0] =	vst v63  }
0xaf: {  	_ =	swait.ge [sflag:s10], $0x2800  }
0xb0: {  	[sflag:s10] =	ssyncset.done $0x0  }
0xb1: {  	s20 =	simm.s32 $0x18560;
	[sflag:s10] =	ssyncadd.s32 $0xFFFFD800  }
0xb2: {  	[spmem:s11] =	stream.indirect.scatter.add.f32 [tilespmem:s5], [sflag:$0x6], $0x80, s20, s4, $0xb8;
	[tilespmem:$0x1FEA0] =	vst v63  }
0xb3: {  	_ =	swait.ge [sflag:s12], $0x2800  }
0xb4: {  	[sflag:s12] =	ssyncset.done $0x0  }
0xb5: {  	s19 =	simm.s32 $0x15F40;
	[sflag:s12] =	ssyncadd.s32 $0xFFFFD800  }
0xb6: {  	[tilespmem:s5], [sflag:$0x3] =	stream.indirect.gather [hbm4b:s13+s4], $0x80, s19, s4, $0xb8;
	[tilespmem:$0x1FEA0] =	vst v63  }
0xb7: {  	_ =	swait.ge [sflag:s14], $0x2800  }
0xb8: {  	[sflag:s14] =	ssyncset.done $0x0  }
0xb9: {  	s20 =	simm.s32 $0x185B0;
	[sflag:s14] =	ssyncadd.s32 $0xFFFFD800  }
0xba: {  	[spmem:s11] =	stream.indirect.scatter.add.f32 [tilespmem:s6], [sflag:$0x7], $0x80, s20, s4, $0xb8;
	[tilespmem:$0x1FEA0] =	vst v63  }
0xbb: {  	_ =	swait.ge [sflag:s15], $0x2800  }
0xbc: {  	[sflag:s15] =	ssyncset.done $0x0  }
0xbd: {  	[sflag:s15] =	ssyncadd.s32 $0xFFFFD800  }
0xbe: {  	_ =	swait.ge [sflag:s7], $0x2800  }
0xbf: {  	[sflag:s7] =	ssyncset.done $0x0  }
0xc0: {  	s19 =	simm.s32 $0x18600;
	[sflag:s7] =	ssyncadd.s32 $0xFFFFD800  }
0xc1: {  	[spmem:s11] =	stream.indirect.scatter.add.f32 [tilespmem:s1], [sflag:$0x9], $0x80, s19, s4, $0xb8;
	[tilespmem:$0x1FEA0] =	vst v63  }
0xc2: {  	_ =	swait.ge [sflag:s16], $0x2800  }
0xc3: {  	[sflag:s16] =	ssyncset.done $0x0  }
0xc4: {  	[sflag:s16] =	ssyncadd.s32 $0xFFFFD800  }
0xc5: {  	_ =	swait.ge [sflag:s10], $0x2800  }
0xc6: {  	[sflag:s10] =	ssyncset.done $0x0  }
0xc7: {  	s20 =	simm.s32 $0x18650;
	[sflag:s10] =	ssyncadd.s32 $0xFFFFD800  }
0xc8: {  	[spmem:s11] =	stream.indirect.scatter.add.f32 [tilespmem:s5], [sflag:$0x9], $0x80, s20, s4, $0xb8;
	[tilespmem:$0x1FEA0] =	vst v63  }
0xc9: {  	_ =	swait.ge [sflag:s16], $0x2800  }
0xca: {  	[sflag:s16] =	ssyncset.done $0x0  }
0xcb: {  	s19 =	stileid.u32;
	[sflag:s16] =	ssyncadd.s32 $0xFFFFD800  }
0xcc: {  	s18 =	sshll.u32 s19, $0x6;
	[bflag:$0x0] =	sbarrier.arrive $0xFFFF  }
0xcd: {  	s18 =	sor.u32 $0x1C01, s18;
	s20 =	rddreg [dreg:$0x4]  }
0xce: {  	[hbm:s20], [sflag:s18] =	dma.local [spmem:s23], $0x500  }
0xcf: {  	s19 =	rddreg [dreg:$0x5]  }
0xd0: {  	[hbm:s19], [sflag:s18] =	dma.local [spmem:s24], $0x500  }
0xd1: {  	s19 =	rddreg [dreg:$0x6]  }
0xd2: {  	[hbm:s19], [sflag:s18] =	dma.local [spmem:s25], $0x500  }
0xd3: {  	s19 =	rddreg [dreg:$0x7]  }
0xd4: {  	[hbm:s19], [sflag:s18] =	dma.local [spmem:s26], $0x500  }
0xd5: {  	s19 =	rddreg [dreg:$0x8]  }
0xd6: {  	[hbm:s19], [sflag:s18] =	dma.local [spmem:s28], $0x500  }
0xd7: {  	s19 =	rddreg [dreg:$0x9]  }
0xd8: {  	[hbm:s19], [sflag:s18] =	dma.local [spmem:s29], $0x500  }
0xd9: {  	s19 =	rddreg [dreg:$0xa]  }
0xda: {  	[hbm:s19], [sflag:s18] =	dma.local [spmem:s30], $0x500  }
0xdb: {  	s19 =	rddreg [dreg:$0xb]  }
0xdc: {  	[hbm:s19], [sflag:s18] =	dma.local @!p0 [spmem:s31], $0x500  }
0xdd: {  	_ =	swait.ge [sflag:s3], $0x500  }
0xde: {  	[sflag:s3] =	ssyncset.done $0x0  }
0xdf: {  	[sflag:s3] =	ssyncadd.s32 $0xFFFFFB00  }
0xe0: {  	_ =	swait.ge [sflag:s3], $0x500  }
0xe1: {  	[sflag:s3] =	ssyncset.done $0x0  }
0xe2: {  	[sflag:s3] =	ssyncadd.s32 $0xFFFFFB00  }
0xe3: {  	_ =	swait.ge [sflag:s3], $0x500  }
0xe4: {  	[sflag:s3] =	ssyncset.done $0x0  }
0xe5: {  	[sflag:s3] =	ssyncadd.s32 $0xFFFFFB00  }
0xe6: {  	_ =	swait.ge [sflag:s3], $0x500  }
0xe7: {  	[sflag:s3] =	ssyncset.done $0x0  }
0xe8: {  	[sflag:s3] =	ssyncadd.s32 $0xFFFFFB00  }
0xe9: {  	_ =	swait.ge [sflag:s3], $0x500  }
0xea: {  	[sflag:s3] =	ssyncset.done $0x0  }
0xeb: {  	[sflag:s3] =	ssyncadd.s32 $0xFFFFFB00  }
0xec: {  	_ =	swait.ge [sflag:s3], $0x500  }
0xed: {  	[sflag:s3] =	ssyncset.done $0x0  }
0xee: {  	[sflag:s3] =	ssyncadd.s32 $0xFFFFFB00  }
0xef: {  	_ =	swait.ge [sflag:s3], $0x500  }
0xf0: {  	[sflag:s3] =	ssyncset.done $0x0  }
0xf1: {  	s18 =	simm.s32 @!p1 $0x1;
	[sflag:s3] =	ssyncadd.s32 $0xFFFFFB00  }
0xf2: {  	_ =	swait.ge @!p1 [sflag:s18], $0x500  }
0xf3: {  	s17 =	sadd.s32 $0x1, s17;
	s20 =	rddreg [dreg:$0xc]  }
0xf4: {  	p2 =	sne.s32 s17, s20  }
.Ltmp2:
0xf5: {  	_ = 	snop;
	(pc) =	sbr.rel @p2 .LBB2_1-.Ltmp2, $3  }
0xf6: {  	_ =	sdelay $0x1  }
0xf7: {  	[sflag:s18] =	ssyncset.done @!p1 $0x0  }
0xf8: {  	[sflag:s18] =	ssyncadd.s32 @!p1 $0xFFFFFB00  }
0xf9: {  	_ =	sfence.sel $0x180000  }
0xfa: {  	[bflag:$0x0] =	sbarrier.arrive $0xFFFF  }
0xfb: {  	_ =	strace $0x9000004A  }
0xfc: {  	s0 =	stileid.u32;
	[bflag:$0x2] =	sbarrier.arrive $0xFFFF  }
0xfd: {  	p0 =	sne.s32 s0, $0x0;
	s0 =	rddreg [dreg:$0x3]  }
0xfe: {  	s0 =	sadd.s32 @!p0 $0x100000, s0  }
0xff: {  	[sflag:s0] =	ssyncadd.tile.s32 @!p0 $0x1;
	_ =	shalt  }
.Lfunc_end2:
_tile_overlayer_lowered:
.L_overlay_start_2:
0x100: {  	(tag) =	ssettag $0x2  }
0x101: {  	s0 =	rddreg [dreg:$0x0];
	s2 =	stileid.u32  }
0x102: {  	s1 =	rddreg [dreg:$0x1];
	p0 =	sne.s32 s2, $0x0  }
0x103: {  	s3 =	rddreg [dreg:$0x2];
	[bflag:$0x3] =	sbarrier.arrive $0xFFFF;
	s2 =	simm.s32 @!p0 $0x1C09  }
0x104: {  	[timem:s3], [sflag:s2] =	dma.local @!p0 [hbm:s0], s1  }
0x105: {  	s0 =	simm.s32 @!p0 $0x9  }
0x106: {  	_ =	swait.ge @!p0 [sflag:s0], s1  }
0x107: {  	s1 =	ssub.s32 @!p0 $0x0, s1;
	[sflag:s0] =	ssyncset.done @!p0 $0x0  }
0x108: {  	[sflag:s0] =	ssyncadd.s32 @!p0 s1  }
0x109: {  	[bflag:$0x3] =	sbarrier.arrive $0xFFFF  }
0x10a: {  	_ =	shalt  }

// kernel: kernel.15.cloned.1.call-start
scs
__scs_entry_jumppad:
0x0: {  	(pc) =	sbr.rel $0x88, $3  }
0x1: {  	(tag) =	ssettag $0x0;
	lr =	simm.s32 $0x1  }
0x2: {  	[smem:$0x3F9D] =	sst lr;
	_ =	strace $0xD0000000  }
0x3: {  	_ = 	snop  }
0x4: {  	_ = 	snop  }
0x5: {  	_ = 	snop  }
0x6: {  	_ = 	snop  }
0x7: {  	_ = 	snop  }
__scs_overlays_trampoline_lowered:
0x8: {  	[smem:$0x3FAC] =	sst s0  }
0x9: {  	[smem:$0x3FAD] =	sst s1  }
0xa: {  	[smem:$0x3FAE] =	sst s2  }
0xb: {  	[smem:$0x3FAF] =	sst s3  }
0xc: {  	[smem:$0x3FB0] =	sst s4  }
0xd: {  	[smem:$0x3FB1] =	sst s5  }
0xe: {  	[smem:$0x3FB2] =	sst s6  }
0xf: {  	[smem:$0x3FB3] =	sst s7  }
0x10: {  	[smem:$0x3FB4] =	sst s8  }
0x11: {  	[smem:$0x3FB5] =	sst s9;
	s0 =	simm.s32 @!p0 $0x0  }
0x12: {  	s1 =	sld [smem:$0x3F9B];
	s0 =	simm.s32 @p0 $0x1  }
0x13: {  	[smem:$0x3FB6] =	sst s0;
	s0 =	simm.s32 @!p1 $0x0  }
0x14: {  	s2 =	sld [smem:$0x3F9A];
	s0 =	simm.s32 @p1 $0x1  }
0x15: {  	[smem:$0x3FB7] =	sst s0;
	s0 =	simm.s32 @!p2 $0x0  }
0x16: {  	s3 =	sld [smem:$0x3FDB];
	s0 =	simm.s32 @p2 $0x1  }
0x17: {  	s4 =	simm.s32 $0x1BF5;
	[smem:$0x3FB9] =	sst s0  }
0x18: {  	s0 =	sld [smem:$0x3F9C];
	_ =	swait.ge [sflag:s4], $0x0  }
0x19: {  	s7 =	sld [smem:$0x3F9D]  }
0x1a: {  	s8 =	sadd.s32 $0xFFFFE003, lr  }
0x1b: {  	s9 =	sadd.s32 $0xFFFFFEF7, lr;
	s5 =	simm.s32 $0xFFFFFFFF;
	p2 =	slt.u32 s8, $0xFFFFF086  }
0x1c: {  	p1 =	slt.u32 s9, $0xF7A;
	s5 =	simm.s32 @!p2 $0x0  }
0x1d: {  	s5 =	simm.s32 @p1 $0x1;
	p0 =	seq.s32 s7, s2  }
0x1e: {  	s7 =	smul.u32 @!p0 $0xF7A, s2;
	p2 =	seq.s32 @!p0 s5, $0x0  }
0x1f: {  	s9 =	smul.u32 $0xF7A, s1;
	s8 =	simm.s32 @!p0 $0x1BF5;
	p2 =	por !p2, p0  }
0x20: {  	[sflag:s8] =	ssyncset.s32 @!p0 $0xFFFFF086;
	s6 =	sadd.s32 @!p0 s3, s7;
	s7 =	simm.s32 @!p0 $0x108  }
0x21: {  	s3 =	sadd.s32 s3, s9;
	s6 =	sadd.s32 @!p0 $0x88, s6;
	s7 =	simm.s32 @p2 $0x1082  }
0x22: {  	[simem:s7], [sflag:s8] =	dma.local @!p0 [hbm:s6], $0xF7A  }
0x23: {  	s9 =	sor.u32 $0xD0000000, s2;
	s6 =	simm.s32 $0x108;
	_ =	swait.ge @!p0 [sflag:s8], $0x0  }
0x24: {  	s3 =	sadd.s32 $0x88, s3;
	s6 =	simm.s32 @!p1 $0x1082;
	[sflag:s4] =	ssyncset.s32 $0xFFFFF086  }
0x25: {  	[simem:s6], [sflag:s4] =	dma.local [hbm:s3], $0xF7A  }
0x26: {  	[smem:$0x3F9D] =	sst s1;
	(tag) =	ssettag s2;
	_ =	strace s9  }
0x27: {  	s1 =	sld [smem:$0x3FAD]  }
0x28: {  	s2 =	sld [smem:$0x3FAE]  }
0x29: {  	s4 =	sld [smem:$0x3FB0]  }
0x2a: {  	p0 =	seq.s32 s5, $0x0;
	s5 =	sld [smem:$0x3FB1]  }
0x2b: {  	s6 =	sld [smem:$0x3FB2]  }
0x2c: {  	s7 =	sld [smem:$0x3FB3]  }
0x2d: {  	s3 =	simm.s32 $0x108;
	s8 =	sld [smem:$0x3FB4]  }
0x2e: {  	s3 =	simm.s32 @!p0 $0x1082;
	s9 =	sld [smem:$0x3FB5]  }
0x2f: {  	lr =	sadd.s32 s0, s3;
	s0 =	sld [smem:$0x3FAC]  }
0x30: {  	s3 =	sld [smem:$0x3FAF]  }
0x31: {  	[smem:$0x3FB8] =	sst s10  }
0x32: {  	s10 =	sld [smem:$0x3FB6];
	_ =	sdelay $0x3  }
0x33: {  	p0 =	seq.s32 s10, $0x1;
	s10 =	sld [smem:$0x3FB8];
	_ =	sdelay $0x3  }
0x34: {  	[smem:$0x3FB8] =	sst s10  }
0x35: {  	s10 =	sld [smem:$0x3FB7];
	_ =	sdelay $0x3  }
0x36: {  	p1 =	seq.s32 s10, $0x1;
	s10 =	sld [smem:$0x3FB8];
	_ =	sdelay $0x3  }
0x37: {  	[smem:$0x3FB8] =	sst s10  }
0x38: {  	s10 =	sld [smem:$0x3FB9]  }
0x39: {  	_ = 	snop;
	(pc) =	sbr.ind lr, $3  }
0x3a: {  	_ = 	snop  }
0x3b: {  	_ = 	snop  }
0x3c: {  	p2 =	seq.s32 s10, $0x1;
	s10 =	sld [smem:$0x3FB8]  }
0x3d: {  	_ =	shalt  }
0x3e: {  	_ =	shalt  }
0x3f: {  	_ =	shalt  }
0x40: {  	_ =	shalt  }
0x41: {  	_ =	shalt  }
0x42: {  	_ =	shalt  }
0x43: {  	_ =	shalt  }
0x44: {  	_ =	shalt  }
0x45: {  	_ =	shalt  }
0x46: {  	_ =	shalt  }
0x47: {  	_ =	shalt  }
0x48: {  	_ =	shalt  }
0x49: {  	_ =	shalt  }
0x4a: {  	_ =	shalt  }
0x4b: {  	_ =	shalt  }
0x4c: {  	_ =	shalt  }
0x4d: {  	_ =	shalt  }
0x4e: {  	_ =	shalt  }
0x4f: {  	_ =	shalt  }
0x50: {  	_ =	shalt  }
0x51: {  	_ =	shalt  }
0x52: {  	_ =	shalt  }
0x53: {  	_ =	shalt  }
0x54: {  	_ =	shalt  }
0x55: {  	_ =	shalt  }
0x56: {  	_ =	shalt  }
0x57: {  	_ =	shalt  }
0x58: {  	_ =	shalt  }
0x59: {  	_ =	shalt  }
0x5a: {  	_ =	shalt  }
0x5b: {  	_ =	shalt  }
0x5c: {  	_ =	shalt  }
0x5d: {  	_ =	shalt  }
0x5e: {  	_ =	shalt  }
0x5f: {  	_ =	shalt  }
0x60: {  	_ =	shalt  }
0x61: {  	_ =	shalt  }
0x62: {  	_ =	shalt  }
0x63: {  	_ =	shalt  }
0x64: {  	_ =	shalt  }
0x65: {  	_ =	shalt  }
0x66: {  	_ =	shalt  }
0x67: {  	_ =	shalt  }
0x68: {  	_ =	shalt  }
0x69: {  	_ =	shalt  }
0x6a: {  	_ =	shalt  }
0x6b: {  	_ =	shalt  }
0x6c: {  	_ =	shalt  }
0x6d: {  	_ =	shalt  }
0x6e: {  	_ =	shalt  }
0x6f: {  	_ =	shalt  }
0x70: {  	_ =	shalt  }
0x71: {  	_ =	shalt  }
0x72: {  	_ =	shalt  }
0x73: {  	_ =	shalt  }
0x74: {  	_ =	shalt  }
0x75: {  	_ =	shalt  }
0x76: {  	_ =	shalt  }
0x77: {  	_ =	shalt  }
0x78: {  	_ =	shalt  }
0x79: {  	_ =	shalt  }
0x7a: {  	_ =	shalt  }
0x7b: {  	_ =	shalt  }
0x7c: {  	_ =	shalt  }
0x7d: {  	_ =	shalt  }
0x7e: {  	_ =	shalt  }
0x7f: {  	_ =	shalt  }
0x80: {  	_ =	shalt  }
0x81: {  	_ =	shalt  }
0x82: {  	_ =	shalt  }
0x83: {  	_ =	shalt  }
0x84: {  	_ =	shalt  }
0x85: {  	_ =	shalt  }
0x86: {  	_ =	shalt  }
0x87: {  	_ =	shalt  }
.Lfunc_end0:
.L_simem_size_0:
called_computation.2_lowered:
.L_overlay_start_0:
0x88: {  	s2 =	sld [smem:$0x3FD9]  }
0x89: {  	s3 =	sld [smem:$0x3FFE];
	_ =	sdelay $0x1  }
0x8a: {  	s1 =	srdreg.scid  }
0x8b: {  	s0 =	sand.u32 $0x1, s1  }
0x8c: {  	s17 =	sshll.u32 s0, $0xA;
	s2 =	sadd.s32 s3, s2  }
0x8d: {  	s2 =	sadd.s32 s2, s17  }
0x8e: {  	[smem:$0x3FC4] =	sst s2  }
0x8f: {  	_ = 	snop  }
0x90: {  	s2 =	sld [smem:$0x3FD0];
	(tm) =	ssettm $0x1  }
0x91: {  	s18 =	sld [smem:$0x3FFB];
	_ =	sdelay $0x3  }
0x92: {  	_ =	strace s18  }
0x93: {  	s3 =	sld [smem:$0x3FFC];
	_ =	sdelay $0x3  }
0x94: {  	_ =	strace s3  }
0x95: {  	s3 =	sld [smem:$0x3FFD];
	_ =	sdelay $0x3  }
0x96: {  	_ =	strace s3  }
0x97: {  	_ =	strace $0x8FFFFFFF  }
0x98: {  	s19 =	sld [smem:$0x3FDB];
	_ =	sdelay $0x1  }
0x99: {  	s4 =	simm.s32 $_scs_section_size  }
0x9a: {  	s5 =	simm.s32 $_size__tile_overlayer_lowered;
	s6 =	simm.s32 $_tile_overlayer_lowered  }
0x9b: {  	s22 =	simm.s32 $0x1BFF;
	s21 =	sshll.u32 s6, $0x1;
	s3 =	sadd.s32 s4, s19  }
0x9c: {  	s7 =	simm.s32 $0x0;
	s20 =	sshll.u32 s5, $0x1;
	s5 =	sadd.s32 s21, s3  }
0x9d: {  	[timem:s7], [sflag:s22] =	dma.local [hbm:s5], s20  }
0x9e: {  	_ =	swait.ge [sflag:s22], s20  }
0x9f: {  	s4 =	ssub.s32 $0x0, s20;
	[sflag:s22] =	ssyncset.done $0x0  }
0xa0: {  	[sflag:s22] =	ssyncadd.s32 s4;
	_ =	sdelay $0x1  }
0xa1: {  	s23 =	simm.s32 $0x1B8B  }
0xa2: {  	_ =	swait.ge [sflag:s23], $0x1  }
0xa3: {  	[sflag:s23] =	ssyncset.done $0x0  }
0xa4: {  	s25 =	simm.s32 $0x1B8E;
	s24 =	sld [smem:$0x3FFE];
	[sflag:s23] =	ssyncadd.s32 $0xFFFFFFFF  }
0xa5: {  	s26 =	simm.s32 $execute0_lowered;
	[smem:$0x3FD2] =	sst s25  }
0xa6: {  	s5 =	sshll.u32 s26, $0x1;
	_ =	strace $0x8000004C;
	[dreg:$0x1] =	wrdreg $0xFFFFFFFF  }
0xa7: {  	s28 =	simm.s32 $_size_execute0_lowered;
	s3 =	sadd.s32 s3, s5;
	[dreg:$0x0] =	wrdreg $0x0  }
0xa8: {  	s5 =	sshll.u32 s28, $0x1;
	[dreg:$0x2] =	wrdreg s3  }
0xa9: {  	[dreg:$0x3] =	wrdreg s5  }
0xaa: {  	[dreg:$0x4] =	wrdreg $0xC0  }
0xab: {  	_ =	task [dreg:s7], $0x5FFFF  }
0xac: {  	[dreg:$0x1] =	wrdreg $0xFFFFFFFF  }
0xad: {  	[dreg:$0x0] =	wrdreg $0x60  }
0xae: {  	[dreg:$0x2] =	wrdreg s24  }
0xaf: {  	[dreg:$0x3] =	wrdreg s2  }
0xb0: {  	[dreg:$0x4] =	wrdreg $0x0  }
0xb1: {  	[dreg:$0x5] =	wrdreg $0x9  }
0xb2: {  	_ =	task.clear_ibuf [dreg:s7], $0x6FFFF;
	_ =	strace $0x9000004C  }
0xb3: {  	s29 =	simm.s32 $0x9;
	_ =	strace $0x8000004E  }
0xb4: {  	_ =	swait.ge [sflag:s29], $0x1  }
0xb5: {  	[sflag:s29] =	ssyncadd.s32 $0xFFFFFFFF  }
0xb6: {  	_ =	strace $0x9000004E  }
0xb7: {  	_ =	sfence  }
0xb8: {  	s30 =	sld [smem:$0x0];
	_ =	sdelay $0x2  }
0xb9: {  	s31 =	sshll.u32 s1, $0xD;
	s1 =	sshrl.u32 s1, $0x2  }
0xba: {  	s3 =	sand.u32 $0x4000, s31;
	s1 =	sadd.s32 s1, s30  }
0xbb: {  	s0 =	sor.u32 s3, s0;
	s1 =	sshll.u32 s1, $0x11  }
0xbc: {  	s0 =	sor.u32 s1, s0  }
0xbd: {  	s0 =	sadd.s32 $0x8F2B, s0  }
0xbe: {  	[sflag:s0] =	ssyncadd.remote.s32 $0x1  }
0xbf: {  	_ =	sfence.sel $0xFFFF  }
0xc0: {  	[dreg:$0x0] =	wrdreg $0xFFFFFFFF;
	(pc) =	sbr.abs _section_cstart, $3  }
0xc1: {  	[dreg:$0x1] =	wrdreg $0xFFFFFFFF  }
0xc2: {  	_ =	task.clear_ibuf [dreg:s7], $0x2FFFF;
	_ =	strace $0x9FFFFFFF  }
0xc3: {  	(tm) =	ssettm $0x7FFFFFFF  }
tec
execute0_lowered:
.L_overlay_start_1:
0x0: {  	(tag) =	ssettag $0x1  }
0x1: {  	s0 =	srdreg.scid  }
0x2: {  	s2 =	rddreg [dreg:$0x0];
	s21 =	stileid.u32  }
0x3: {  	s3 =	rddreg [dreg:$0x1];
	s5 =	simm.s32 $0x0;
	s28 =	simm.s32 $0x9C40  }
0x4: {  	s29 =	simm.s32 $0x0;
	s0 =	sand.u32 $0x1, s0;
	[smem:$0x7FF] =	sst s5  }
0x5: {  	s5 =	sadd.s32 $0x15800, s2;
	s8 =	sor.u32 $0x10, s21;
	s9 =	sor.u32 $0x30, s21  }
0x6: {  	s11 =	sor.u32 $0x40, s21;
	s12 =	sor.u32 $0x50, s21;
	s7 =	smul.u32 $0x9C400, s0  }
0x7: {  	s1 =	sshll.u32 s0, $0x4;
	s4 =	ssub.s32 $0x2, s0;
	s0 =	smul.u32 $0x1400, s21  }
0x8: {  	s16 =	sor.u32 $0x70, s21;
	p1 =	sgt.u32 s21, $0xC;
	s15 =	smul.u32 $0x1400, s9  }
0x9: {  	s18 =	smul.u32 $0x1400, s11;
	s1 =	sor.u32 s21, s1;
	s6 =	sshrl.u32 s4, $0x1  }
0xa: {  	p0 =	sgt.u32 s16, $0x7C;
	s1 =	smul.u32 $0x2710, s1;
	s4 =	ssub.s32 s4, s6  }
0xb: {  	s6 =	sor.u32 $0x20, s21;
	s10 =	sadd.s32 s7, s0;
	s17 =	sadd.s32 s7, s15  }
0xc: {  	s14 =	smul.u32 $0x1400, s6;
	s10 =	sshrl.u32 s10, $0x3;
	s1 =	sshrl.u32 s1, $0x3  }
0xd: {  	s17 =	sshrl.u32 s17, $0x3;
	s22 =	sadd.s32 s3, s1;
	s3 =	smul.u32 $0x5000, s8  }
0xe: {  	s10 =	sadd.s32 s5, s10;
	s23 =	sadd.s32 s5, s17;
	s1 =	smul.u32 $0x1400, s8  }
0xf: {  	s8 =	sor.u32 $0x60, s21;
	[dreg:$0x8] =	wrdreg s23;
	s23 =	smul.u32 $0x5000, s21  }
0x10: {  	s24 =	sadd.s32 s7, s18;
	[dreg:$0x5] =	wrdreg s10;
	s17 =	smul.u32 $0x1400, s8  }
0x11: {  	s19 =	sadd.s32 s7, s14;
	s8 =	smul.u32 $0x5000, s8;
	s13 =	sadd.s32 s7, s1  }
0x12: {  	s31 =	sshrl.u32 s13, $0x3;
	s13 =	sshrl.u32 s19, $0x3;
	s19 =	smul.u32 $0x1400, s12  }
0x13: {  	s30 =	sadd.s32 s7, s17;
	s10 =	sadd.s32 s5, s31;
	s20 =	sadd.s32 s5, s13  }
0x14: {  	s31 =	sshrl.u32 s30, $0x3;
	s30 =	smul.u32 $0x5000, s9;
	[dreg:$0x6] =	wrdreg s10  }
0x15: {  	s3 =	sshrl.u32 s3, $0x2;
	s9 =	smul.u32 $0x5000, s16;
	[dreg:$0x7] =	wrdreg s20  }
0x16: {  	s25 =	sadd.s32 s7, s19;
	s10 =	sshrl.u32 s24, $0x3;
	s20 =	smul.u32 $0x1400, s16  }
0x17: {  	s13 =	sshrl.u32 s25, $0x3;
	s10 =	sadd.s32 s5, s10;
	s25 =	smul.u32 $0x5000, s6  }
0x18: {  	s24 =	smax.u32 s4, $0x1;
	s6 =	smul.u32 $0x5000, s12;
	[dreg:$0x9] =	wrdreg s10  }
0x19: {  	s12 =	sshrl.u32 s9, $0x2;
	s26 =	sadd.s32 s5, s13;
	s10 =	rddreg [dreg:$0x2]  }
0x1a: {  	s7 =	sadd.s32 s7, s20;
	s13 =	sadd.s32 s5, s31;
	[dreg:$0xa] =	wrdreg s26  }
0x1b: {  	s31 =	smul.u32 $0x5000, s11;
	[dreg:$0xb] =	wrdreg s13;
	s7 =	sshrl.u32 s7, $0x3  }
0x1c: {  	s13 =	sadd.s32 $0x1E00, s2;
	s26 =	sshrl.u32 s23, $0x2;
	s3 =	sadd.s32 s3, s10  }
0x1d: {  	s2 =	sshrl.u32 s25, $0x2;
	s11 =	sshrl.u32 s6, $0x2;
	s0 =	sadd.s32 s0, s10  }
0x1e: {  	s1 =	sadd.s32 s1, s10;
	s14 =	sadd.s32 s14, s10;
	s15 =	sadd.s32 s15, s10  }
0x1f: {  	s16 =	sadd.s32 s18, s10;
	s18 =	sadd.s32 s19, s10;
	s5 =	sadd.s32 s5, s7  }
0x20: {  	s19 =	sadd.s32 s17, s10;
	s6 =	simm.s32 $0x11260;
	[dreg:$0xc] =	wrdreg s5  }
0x21: {  	s4 =	sadd.s32 s26, s10;
	_ =	strace $0x8000004D;
	[dreg:$0xd] =	wrdreg s24  }
0x22: {  	s17 =	simm.s32 $0xB;
	s2 =	sadd.s32 s2, s10;
	[dreg:$0xe] =	wrdreg s4  }
0x23: {  	s0 =	sshrl.u32 s0, $0x3;
	s21 =	sshrl.u32 s1, $0x3;
	[dreg:$0xf] =	wrdreg s3  }
0x24: {  	s23 =	sshrl.u32 s14, $0x3;
	s25 =	sshrl.u32 s16, $0x3;
	[dreg:$0x10] =	wrdreg s2  }
0x25: {  	s26 =	sshrl.u32 s18, $0x3;
	s1 =	simm.s32 $0xEA60;
	[dreg:$0x16] =	wrdreg s0  }
0x26: {  	s14 =	simm.s32 $0x2;
	s16 =	simm.s32 $0x3;
	[dreg:$0x17] =	wrdreg s21  }
0x27: {  	s18 =	simm.s32 $0x4;
	s5 =	sshrl.u32 s30, $0x2;
	[dreg:$0x18] =	wrdreg s23  }
0x28: {  	s30 =	sshrl.u32 s19, $0x3;
	s19 =	simm.s32 $0xC;
	[dreg:$0x1a] =	wrdreg s25  }
0x29: {  	s7 =	sadd.s32 s5, s10;
	s3 =	sshrl.u32 s31, $0x2;
	[dreg:$0x1b] =	wrdreg s26  }
0x2a: {  	s2 =	sshrl.u32 s8, $0x2;
	s24 =	sshrl.u32 s15, $0x3;
	[dreg:$0x1c] =	wrdreg s30  }
0x2b: {  	[dreg:$0x4] =	wrdreg s22;
	s31 =	sadd.s32 $0x9C40, s22;
	s4 =	simm.s32 $0x50  }
0x2c: {  	s5 =	simm.s32 $0xFE60;
	s8 =	simm.s32 $0x13A60;
	s15 =	simm.s32 $0xA  }
0x2d: {  	s21 =	simm.s32 $0xD;
	s22 =	simm.s32 $0x6;
	s23 =	simm.s32 $0xE  }
0x2e: {  	s25 =	simm.s32 $0xF;
	s26 =	simm.s32 $0x9;
	[dreg:$0x11] =	wrdreg s7  }
0x2f: {  	s3 =	sadd.s32 s3, s10;
	s2 =	sadd.s32 s2, s10;
	[dreg:$0x19] =	wrdreg s24  }
0x30: {  	s7 =	sadd.s32 s20, s10;
	[dreg:$0x1e] =	wrdreg s31;
	s20 =	simm.s32 $0x5  }
.Ltmp0:
0x31: {  	s24 =	simm.s32 $0x7;
	[dreg:$0x12] =	wrdreg s3;
	(pc) =	sbr.rel .LBB2_1-.Ltmp0, $4  }
0x32: {  	s3 =	sadd.s32 s11, s10;
	[dreg:$0x14] =	wrdreg s2;
	s2 =	sadd.s32 s12, s10  }
0x33: {  	s0 =	sshrl.u32 @!p0 s7, $0x3;
	s7 =	simm.s32 $0x12660;
	[dreg:$0x13] =	wrdreg s3  }
0x34: {  	s11 =	simm.s32 $0x14E60;
	s12 =	simm.s32 $0x17660;
	[dreg:$0x15] =	wrdreg s2  }
0x35: {  	v0 =	vimm.f32 $0.0e+00;
	[dreg:$0x1d] =	wrdreg s0;
	s3 =	simm.s32 $0x1;
	s0 =	simm.s32 $0x11  }
.LBB2_6:
0x36: {  	_ =	swait.ge [sflag:s14], $0x1400  }
0x37: {  	[sflag:s14] =	ssyncset.done $0x0  }
0x38: {  	s2 =	simm.s32 $0xE8D0;
	[sflag:s14] =	ssyncadd.s32 $0xFFFFEC00  }
0x39: {  	[spmem:s10] =	stream.indirect.scatter.add.f32 [tilespmem:s1], [sflag:$0x13], $0x40, s2, s4, $0xb8;
	[tilespmem:$0x18A60] =	vst v63  }
0x3a: {  	s2 =	simm.s32 $0x13  }
0x3b: {  	_ =	swait.ge [sflag:s2], $0x1400  }
0x3c: {  	[sflag:s2] =	ssyncset.done $0x0  }
0x3d: {  	[sflag:s2] =	ssyncadd.s32 $0xFFFFEC00  }
0x3e: {  	_ =	swait.ge [sflag:s16], $0x1400  }
0x3f: {  	[sflag:s16] =	ssyncset.done $0x0  }
0x40: {  	s9 =	simm.s32 $0xE920;
	[sflag:s16] =	ssyncadd.s32 $0xFFFFEC00  }
0x41: {  	[spmem:s10] =	stream.indirect.scatter.add.f32 [tilespmem:s5], [sflag:$0x13], $0x40, s9, s4, $0xb8;
	[tilespmem:$0x18A60] =	vst v63  }
0x42: {  	_ =	swait.ge [sflag:s2], $0x1400  }
0x43: {  	[sflag:s2] =	ssyncset.done $0x0  }
0x44: {  	[sflag:s2] =	ssyncadd.s32 $0xFFFFEC00  }
0x45: {  	_ =	swait.ge [sflag:s18], $0x1400  }
0x46: {  	[sflag:s18] =	ssyncset.done $0x0  }
0x47: {  	s31 =	simm.s32 $0xE970;
	[sflag:s18] =	ssyncadd.s32 $0xFFFFEC00  }
0x48: {  	[spmem:s10] =	stream.indirect.scatter.add.f32 [tilespmem:s6], [sflag:$0x13], $0x40, s31, s4, $0xb8;
	[tilespmem:$0x18A60] =	vst v63  }
0x49: {  	_ =	swait.ge [sflag:s2], $0x1400  }
0x4a: {  	[sflag:s2] =	ssyncset.done $0x0  }
0x4b: {  	[sflag:s2] =	ssyncadd.s32 $0xFFFFEC00  }
0x4c: {  	_ =	swait.ge [sflag:s20], $0x1400  }
0x4d: {  	[sflag:s20] =	ssyncset.done $0x0  }
0x4e: {  	s30 =	simm.s32 $0xE9C0;
	[sflag:s20] =	ssyncadd.s32 $0xFFFFEC00  }
0x4f: {  	[spmem:s10] =	stream.indirect.scatter.add.f32 [tilespmem:s7], [sflag:$0x13], $0x40, s30, s4, $0xb8;
	[tilespmem:$0x18A60] =	vst v63  }
0x50: {  	_ =	swait.ge [sflag:s2], $0x1400  }
0x51: {  	[sflag:s2] =	ssyncset.done $0x0  }
0x52: {  	[sflag:s2] =	ssyncadd.s32 $0xFFFFEC00  }
0x53: {  	_ =	swait.ge [sflag:s22], $0x1400  }
0x54: {  	[sflag:s22] =	ssyncset.done $0x0  }
0x55: {  	s31 =	simm.s32 $0xEA10;
	[sflag:s22] =	ssyncadd.s32 $0xFFFFEC00  }
0x56: {  	[spmem:s10] =	stream.indirect.scatter.add.f32 [tilespmem:s8], [sflag:$0x13], $0x40, s31, s4, $0xb8;
	[tilespmem:$0x18A60] =	vst v63  }
0x57: {  	_ =	swait.ge [sflag:s2], $0x1400  }
0x58: {  	[sflag:s2] =	ssyncset.done $0x0  }
0x59: {  	[sflag:s2] =	ssyncadd.s32 $0xFFFFEC00  }
0x5a: {  	s9 =	stileid.u32;
	[bflag:$0x0] =	sbarrier.arrive $0xFFFF  }
0x5b: {  	s2 =	sshll.u32 s9, $0x6;
	s30 =	rddreg [dreg:$0x5]  }
0x5c: {  	s2 =	sor.u32 $0x1C01, s2;
	s28 =	rddreg [dreg:$0x16]  }
0x5d: {  	[hbm:s30], [sflag:s2] =	dma.local [spmem:s28], $0x280  }
0x5e: {  	s9 =	rddreg [dreg:$0x6]  }
0x5f: {  	s28 =	rddreg [dreg:$0x17]  }
0x60: {  	[hbm:s9], [sflag:s2] =	dma.local [spmem:s28], $0x280  }
0x61: {  	s9 =	rddreg [dreg:$0x7]  }
0x62: {  	s28 =	rddreg [dreg:$0x18]  }
0x63: {  	[hbm:s9], [sflag:s2] =	dma.local [spmem:s28], $0x280  }
0x64: {  	s9 =	rddreg [dreg:$0x8]  }
0x65: {  	s28 =	rddreg [dreg:$0x19]  }
0x66: {  	[hbm:s9], [sflag:s2] =	dma.local [spmem:s28], $0x280  }
0x67: {  	s9 =	rddreg [dreg:$0x9]  }
0x68: {  	s28 =	rddreg [dreg:$0x1a]  }
0x69: {  	[hbm:s9], [sflag:s2] =	dma.local [spmem:s28], $0x280  }
0x6a: {  	s9 =	rddreg [dreg:$0xa]  }
0x6b: {  	s28 =	rddreg [dreg:$0x1b]  }
0x6c: {  	[hbm:s9], [sflag:s2] =	dma.local [spmem:s28], $0x280  }
0x6d: {  	s9 =	rddreg [dreg:$0xb]  }
0x6e: {  	s28 =	rddreg [dreg:$0x1c]  }
0x6f: {  	[hbm:s9], [sflag:s2] =	dma.local [spmem:s28], $0x280  }
0x70: {  	s9 =	rddreg [dreg:$0xc]  }
0x71: {  	s28 =	rddreg [dreg:$0x1d]  }
0x72: {  	[hbm:s9], [sflag:s2] =	dma.local @!p0 [spmem:s28], $0x280  }
0x73: {  	_ =	swait.ge [sflag:s3], $0x280  }
0x74: {  	[sflag:s3] =	ssyncset.done $0x0  }
0x75: {  	[sflag:s3] =	ssyncadd.s32 $0xFFFFFD80  }
0x76: {  	_ =	swait.ge [sflag:s3], $0x280  }
0x77: {  	[sflag:s3] =	ssyncset.done $0x0  }
0x78: {  	[sflag:s3] =	ssyncadd.s32 $0xFFFFFD80  }
0x79: {  	_ =	swait.ge [sflag:s3], $0x280  }
0x7a: {  	[sflag:s3] =	ssyncset.done $0x0  }
0x7b: {  	[sflag:s3] =	ssyncadd.s32 $0xFFFFFD80  }
0x7c: {  	_ =	swait.ge [sflag:s3], $0x280  }
0x7d: {  	[sflag:s3] =	ssyncset.done $0x0  }
0x7e: {  	[sflag:s3] =	ssyncadd.s32 $0xFFFFFD80  }
0x7f: {  	_ =	swait.ge [sflag:s3], $0x280  }
0x80: {  	[sflag:s3] =	ssyncset.done $0x0  }
0x81: {  	[sflag:s3] =	ssyncadd.s32 $0xFFFFFD80  }
0x82: {  	_ =	swait.ge [sflag:s3], $0x280  }
0x83: {  	[sflag:s3] =	ssyncset.done $0x0  }
0x84: {  	[sflag:s3] =	ssyncadd.s32 $0xFFFFFD80  }
0x85: {  	_ =	swait.ge [sflag:s3], $0x280  }
0x86: {  	[sflag:s3] =	ssyncset.done $0x0  }
0x87: {  	s2 =	simm.s32 @!p1 $0x1;
	[sflag:s3] =	ssyncadd.s32 $0xFFFFFD80  }
0x88: {  	_ =	swait.ge @!p1 [sflag:s2], $0x280  }
0x89: {  	s29 =	rddreg [dreg:$0x1f]  }
0x8a: {  	s31 =	rddreg [dreg:$0xd];
	s29 =	sadd.s32 $0x1, s29  }
0x8b: {  	p2 =	sne.s32 s29, s31  }
.Ltmp1:
0x8c: {  	_ = 	snop;
	(pc) =	sbr.rel @!p2 .LBB2_7-.Ltmp1, $3  }
0x8d: {  	_ =	sdelay $0x1  }
0x8e: {  	[sflag:s2] =	ssyncset.done @!p1 $0x0  }
0x8f: {  	s28 =	simm.s32 $0x9C40;
	[sflag:s2] =	ssyncadd.s32 @!p1 $0xFFFFFD80  }
.LBB2_1:
0x90: {  	[dreg:$0x1f] =	wrdreg s29  }
0x91: {  	s2 =	simm.s32 $0x0;
	s9 =	rddreg [dreg:$0x1e];
	s29 =	simm.s32 $0xC350  }
0x92: {  	[tilespmem:s28], [sflag:$0x1] =	stream.linear.gather [hbm4b:s9+s2], $0x2710, $0x38;
	[tilespmem:$0x18A60] =	vst v63  }
0x93: {  	s31 =	simm.s32 $0x100;
	s30 =	simm.s32 $0x0;
	s9 =	rddreg [dreg:$0x4]  }
0x94: {  	[tilespmem:s29], [sflag:$0x1] =	stream.linear.gather [hbm4b:s9+s2], $0x2710, $0x38;
	[tilespmem:$0x18A60] =	vst v63  }
.LBB2_2:
0x95: {  	p2 =	sne.s32 s31, $0x4F00;
	[tilespmem:s30+$0xEA90] =	vst v0;
	s9 =	smov.u32 s31;
	s31 =	sadd.s32 $0x100, s31  }
.Ltmp2:
0x96: {  	[tilespmem:s30+$0xEA80] =	vst v0;
	(pc) =	sbr.rel @p2 .LBB2_2-.Ltmp2, $3  }
0x97: {  	[tilespmem:s30+$0xEA60] =	vst v0  }
0x98: {  	[tilespmem:s30+$0xEA70] =	vst v0;
	_ =	sdelay $0x1  }
0x99: {  	s30 =	sshra.s32 s9, $0x2  }
0x9a: {  	[tilespmem:s30+$0xEA90] =	vst v0  }
0x9b: {  	[tilespmem:s30+$0xEA80] =	vst v0  }
0x9c: {  	[tilespmem:s30+$0xEA60] =	vst v0  }
0x9d: {  	[tilespmem:s30+$0xEA70] =	vst v0;
	s2 =	rddreg [dreg:$0xe]  }
0x9e: {  	[spmem:s2] =	stream.linear.scatter [tilespmem:s1], [sflag:$0x12], $0x1400, $0x38;
	[tilespmem:$0x18A60] =	vst v63  }
0x9f: {  	s31 =	rddreg [dreg:$0xf]  }
0xa0: {  	[spmem:s31] =	stream.linear.scatter [tilespmem:s1], [sflag:$0x12], $0x1400, $0x38;
	[tilespmem:$0x18A60] =	vst v63  }
0xa1: {  	s9 =	rddreg [dreg:$0x10]  }
0xa2: {  	[spmem:s9] =	stream.linear.scatter [tilespmem:s1], [sflag:$0x12], $0x1400, $0x38;
	[tilespmem:$0x18A60] =	vst v63  }
0xa3: {  	s29 =	rddreg [dreg:$0x11]  }
0xa4: {  	[spmem:s29] =	stream.linear.scatter [tilespmem:s1], [sflag:$0x12], $0x1400, $0x38;
	[tilespmem:$0x18A60] =	vst v63  }
0xa5: {  	s31 =	rddreg [dreg:$0x12]  }
0xa6: {  	[spmem:s31] =	stream.linear.scatter [tilespmem:s1], [sflag:$0x12], $0x1400, $0x38;
	[tilespmem:$0x18A60] =	vst v63  }
0xa7: {  	s9 =	rddreg [dreg:$0x13]  }
0xa8: {  	[spmem:s9] =	stream.linear.scatter [tilespmem:s1], [sflag:$0x12], $0x1400, $0x38;
	[tilespmem:$0x18A60] =	vst v63  }
0xa9: {  	s29 =	rddreg [dreg:$0x14]  }
0xaa: {  	[spmem:s29] =	stream.linear.scatter [tilespmem:s1], [sflag:$0x12], $0x1400, $0x38;
	[tilespmem:$0x18A60] =	vst v63  }
0xab: {  	s2 =	rddreg [dreg:$0x15];
	s31 =	simm.s32 $0x12;
	s9 =	simm.s32 @!p0 $0xEA60  }
0xac: {  	[spmem:s2] =	stream.linear.scatter @!p0 [tilespmem:s9], [sflag:$0x12], $0x1400, $0x38;
	[tilespmem:$0x18A60] =	vst v63  }
0xad: {  	_ =	swait.ge [sflag:s31], $0x1400  }
0xae: {  	[sflag:s31] =	ssyncset.done $0x0  }
0xaf: {  	[sflag:s31] =	ssyncadd.s32 $0xFFFFEC00  }
0xb0: {  	_ =	swait.ge [sflag:s31], $0x1400  }
0xb1: {  	[sflag:s31] =	ssyncset.done $0x0  }
0xb2: {  	[sflag:s31] =	ssyncadd.s32 $0xFFFFEC00  }
0xb3: {  	_ =	swait.ge [sflag:s31], $0x1400  }
0xb4: {  	[sflag:s31] =	ssyncset.done $0x0  }
0xb5: {  	[sflag:s31] =	ssyncadd.s32 $0xFFFFEC00  }
0xb6: {  	_ =	swait.ge [sflag:s31], $0x1400  }
0xb7: {  	[sflag:s31] =	ssyncset.done $0x0  }
0xb8: {  	[sflag:s31] =	ssyncadd.s32 $0xFFFFEC00  }
0xb9: {  	_ =	swait.ge [sflag:s31], $0x1400  }
0xba: {  	[sflag:s31] =	ssyncset.done $0x0  }
0xbb: {  	[sflag:s31] =	ssyncadd.s32 $0xFFFFEC00  }
0xbc: {  	_ =	swait.ge [sflag:s31], $0x1400  }
0xbd: {  	[sflag:s31] =	ssyncset.done $0x0  }
0xbe: {  	[sflag:s31] =	ssyncadd.s32 $0xFFFFEC00  }
0xbf: {  	_ =	swait.ge [sflag:s31], $0x1400  }
0xc0: {  	[sflag:s31] =	ssyncset.done $0x0  }
0xc1: {  	s9 =	simm.s32 @!p1 $0x12;
	[sflag:s31] =	ssyncadd.s32 $0xFFFFEC00  }
0xc2: {  	_ =	swait.ge @!p1 [sflag:s9], $0x1400  }
0xc3: {  	[sflag:s9] =	ssyncset.done @!p1 $0x0  }
0xc4: {  	[sflag:s9] =	ssyncadd.s32 @!p1 $0xFFFFEC00  }
0xc5: {  	_ =	swait.ge [sflag:s3], $0x2710  }
0xc6: {  	[sflag:s3] =	ssyncset.done $0x0  }
0xc7: {  	[sflag:s3] =	ssyncadd.s32 $0xFFFFD8F0  }
0xc8: {  	_ =	swait.ge [sflag:s3], $0x2710  }
0xc9: {  	[sflag:s3] =	ssyncset.done $0x0  }
0xca: {  	[sflag:s3] =	ssyncadd.s32 $0xFFFFD8F0  }
0xcb: {  	[tilespmem:s1], [sflag:$0x2] =	stream.indirect.gather [hbm4b:s13+s4], $0x40, s28, s4, $0xb8;
	[tilespmem:$0x18A60] =	vst v63  }
0xcc: {  	s9 =	simm.s32 $0x9C90  }
0xcd: {  	[tilespmem:s5], [sflag:$0x3] =	stream.indirect.gather [hbm4b:s13+s4], $0x40, s9, s4, $0xb8;
	[tilespmem:$0x18A60] =	vst v63  }
0xce: {  	s28 =	simm.s32 $0x9CE0  }
0xcf: {  	[tilespmem:s6], [sflag:$0x4] =	stream.indirect.gather [hbm4b:s13+s4], $0x40, s28, s4, $0xb8;
	[tilespmem:$0x18A60] =	vst v63  }
0xd0: {  	s29 =	simm.s32 $0x9D30  }
0xd1: {  	[tilespmem:s7], [sflag:$0x5] =	stream.indirect.gather [hbm4b:s13+s4], $0x40, s29, s4, $0xb8;
	[tilespmem:$0x18A60] =	vst v63  }
0xd2: {  	s31 =	simm.s32 $0x9D80  }
0xd3: {  	[tilespmem:s8], [sflag:$0x6] =	stream.indirect.gather [hbm4b:s13+s4], $0x40, s31, s4, $0xb8;
	[tilespmem:$0x18A60] =	vst v63  }
0xd4: {  	s9 =	simm.s32 $0x9DD0  }
0xd5: {  	[tilespmem:s11], [sflag:$0x7] =	stream.indirect.gather [hbm4b:s13+s4], $0x40, s9, s4, $0xb8;
	[tilespmem:$0x18A60] =	vst v63  }
0xd6: {  	s28 =	simm.s32 $0x9E20;
	s29 =	simm.s32 $0x16260  }
0xd7: {  	[tilespmem:s29], [sflag:$0x8] =	stream.indirect.gather [hbm4b:s13+s4], $0x40, s28, s4, $0xb8;
	[tilespmem:$0x18A60] =	vst v63  }
0xd8: {  	s31 =	simm.s32 $0x9E70  }
0xd9: {  	[tilespmem:s12], [sflag:$0x9] =	stream.indirect.gather [hbm4b:s13+s4], $0x40, s31, s4, $0xb8;
	[tilespmem:$0x18A60] =	vst v63  }
0xda: {  	s30 =	simm.s32 $0x0;
	[bflag:$0x0] =	sbarrier.arrive $0xFFFF  }
.LBB2_4:
0xdb: {  	_ =	swait.ge [sflag:s14], $0x1400  }
0xdc: {  	s31 =	sshra.s32 s30, $0x2;
	[sflag:s14] =	ssyncset.done $0x0  }
0xdd: {  	s9 =	sadd.s32 $0xC350, s31;
	[sflag:s14] =	ssyncadd.s32 $0xFFFFEC00  }
0xde: {  	[spmem:s10] =	stream.indirect.scatter.add.f32 [tilespmem:s1], [sflag:$0xA], $0x40, s9, s4, $0xb8;
	[tilespmem:$0x18A60] =	vst v63  }
0xdf: {  	_ =	swait.ge [sflag:s15], $0x1400  }
0xe0: {  	[sflag:s15] =	ssyncset.done $0x0  }
0xe1: {  	s28 =	sadd.s32 $0x9EC0, s31;
	[sflag:s15] =	ssyncadd.s32 $0xFFFFEC00  }
0xe2: {  	[tilespmem:s1], [sflag:$0x2] =	stream.indirect.gather [hbm4b:s13+s4], $0x40, s28, s4, $0xb8;
	[tilespmem:$0x18A60] =	vst v63  }
0xe3: {  	_ =	swait.ge [sflag:s16], $0x1400  }
0xe4: {  	[sflag:s16] =	ssyncset.done $0x0  }
0xe5: {  	s29 =	sadd.s32 $0xC3A0, s31;
	[sflag:s16] =	ssyncadd.s32 $0xFFFFEC00  }
0xe6: {  	[spmem:s10] =	stream.indirect.scatter.add.f32 [tilespmem:s5], [sflag:$0xB], $0x40, s29, s4, $0xb8;
	[tilespmem:$0x18A60] =	vst v63  }
0xe7: {  	_ =	swait.ge [sflag:s17], $0x1400  }
0xe8: {  	[sflag:s17] =	ssyncset.done $0x0  }
0xe9: {  	s2 =	sadd.s32 $0x9F10, s31;
	[sflag:s17] =	ssyncadd.s32 $0xFFFFEC00  }
0xea: {  	[tilespmem:s5], [sflag:$0x3] =	stream.indirect.gather [hbm4b:s13+s4], $0x40, s2, s4, $0xb8;
	[tilespmem:$0x18A60] =	vst v63  }
0xeb: {  	_ =	swait.ge [sflag:s18], $0x1400  }
0xec: {  	[sflag:s18] =	ssyncset.done $0x0  }
0xed: {  	s28 =	sadd.s32 $0xC3F0, s31;
	[sflag:s18] =	ssyncadd.s32 $0xFFFFEC00  }
0xee: {  	[spmem:s10] =	stream.indirect.scatter.add.f32 [tilespmem:s6], [sflag:$0xC], $0x40, s28, s4, $0xb8;
	[tilespmem:$0x18A60] =	vst v63  }
0xef: {  	_ =	swait.ge [sflag:s19], $0x1400  }
0xf0: {  	[sflag:s19] =	ssyncset.done $0x0  }
0xf1: {  	s29 =	sadd.s32 $0x9F60, s31;
	[sflag:s19] =	ssyncadd.s32 $0xFFFFEC00  }
0xf2: {  	[tilespmem:s6], [sflag:$0x4] =	stream.indirect.gather [hbm4b:s13+s4], $0x40, s29, s4, $0xb8;
	[tilespmem:$0x18A60] =	vst v63  }
0xf3: {  	_ =	swait.ge [sflag:s20], $0x1400  }
0xf4: {  	[sflag:s20] =	ssyncset.done $0x0  }
0xf5: {  	s2 =	sadd.s32 $0xC440, s31;
	[sflag:s20] =	ssyncadd.s32 $0xFFFFEC00  }
0xf6: {  	[spmem:s10] =	stream.indirect.scatter.add.f32 [tilespmem:s7], [sflag:$0xD], $0x40, s2, s4, $0xb8;
	[tilespmem:$0x18A60] =	vst v63  }
0xf7: {  	_ =	swait.ge [sflag:s21], $0x1400  }
0xf8: {  	[sflag:s21] =	ssyncset.done $0x0  }
0xf9: {  	s28 =	sadd.s32 $0x9FB0, s31;
	[sflag:s21] =	ssyncadd.s32 $0xFFFFEC00  }
0xfa: {  	[tilespmem:s7], [sflag:$0x5] =	stream.indirect.gather [hbm4b:s13+s4], $0x40, s28, s4, $0xb8;
	[tilespmem:$0x18A60] =	vst v63  }
0xfb: {  	_ =	swait.ge [sflag:s22], $0x1400  }
0xfc: {  	[sflag:s22] =	ssyncset.done $0x0  }
0xfd: {  	s29 =	sadd.s32 $0xC490, s31;
	[sflag:s22] =	ssyncadd.s32 $0xFFFFEC00  }
0xfe: {  	[spmem:s10] =	stream.indirect.scatter.add.f32 [tilespmem:s8], [sflag:$0xE], $0x40, s29, s4, $0xb8;
	[tilespmem:$0x18A60] =	vst v63  }
0xff: {  	_ =	swait.ge [sflag:s23], $0x1400  }
0x100: {  	[sflag:s23] =	ssyncset.done $0x0  }
0x101: {  	s2 =	sadd.s32 $0xA000, s31;
	[sflag:s23] =	ssyncadd.s32 $0xFFFFEC00  }
0x102: {  	[tilespmem:s8], [sflag:$0x6] =	stream.indirect.gather [hbm4b:s13+s4], $0x40, s2, s4, $0xb8;
	[tilespmem:$0x18A60] =	vst v63  }
0x103: {  	_ =	swait.ge [sflag:s24], $0x1400  }
0x104: {  	[sflag:s24] =	ssyncset.done $0x0  }
0x105: {  	s28 =	sadd.s32 $0xC4E0, s31;
	[sflag:s24] =	ssyncadd.s32 $0xFFFFEC00  }
0x106: {  	[spmem:s10] =	stream.indirect.scatter.add.f32 [tilespmem:s11], [sflag:$0xF], $0x40, s28, s4, $0xb8;
	[tilespmem:$0x18A60] =	vst v63  }
0x107: {  	_ =	swait.ge [sflag:s25], $0x1400  }
0x108: {  	p2 =	seq.s32 s30, $0x8C00;
	[sflag:s25] =	ssyncset.done $0x0  }
0x109: {  	s9 =	simm.s32 @p2 $0x8;
	[sflag:s25] =	ssyncadd.s32 $0xFFFFEC00  }
0x10a: {  	_ =	swait.ge @p2 [sflag:s9], $0x1400  }
0x10b: {  	[sflag:s9] =	ssyncset.done @p2 $0x0  }
0x10c: {  	[sflag:s9] =	ssyncadd.s32 @p2 $0xFFFFEC00;
	s9 =	sshra.s32 @p2 s30, $0x2  }
0x10d: {  	s29 =	simm.s32 @p2 $0x50;
	s28 =	simm.s32 @p2 $0x16260;
	s9 =	sadd.s32 @p2 $0xC530, s9  }
0x10e: {  	[spmem:s10] =	stream.indirect.scatter.add.f32 @p2 [tilespmem:s28], [sflag:$0x10], $0x40, s9, s29, $0xb8;
	[tilespmem:$0x18A60] =	vst v63  }
0x10f: {  	s9 =	simm.s32 @p2 $0x10  }
0x110: {  	_ =	swait.ge @p2 [sflag:s9], $0x1400  }
0x111: {  	[sflag:s9] =	ssyncset.done @p2 $0x0  }
0x112: {  	[sflag:s9] =	ssyncadd.s32 @p2 $0xFFFFEC00;
	s9 =	sshra.s32 @!p2 s30, $0x2  }
0x113: {  	s2 =	simm.s32 @!p2 $0x14E60;
	s29 =	simm.s32 @!p2 $0x50;
	s28 =	sadd.s32 @!p2 $0xA050, s9  }
0x114: {  	[tilespmem:s2], [sflag:$0x7] =	stream.indirect.gather @!p2 [hbm4b:s13+s29], $0x40, s28, s29, $0xb8;
	[tilespmem:$0x18A60] =	vst v63  }
0x115: {  	s2 =	simm.s32 @!p2 $0x8  }
0x116: {  	_ =	swait.ge @!p2 [sflag:s2], $0x1400  }
0x117: {  	[sflag:s2] =	ssyncset.done @!p2 $0x0  }
0x118: {  	s28 =	simm.s32 @!p2 $0x16260;
	[sflag:s2] =	ssyncadd.s32 @!p2 $0xFFFFEC00;
	s2 =	sadd.s32 @!p2 $0xC530, s9  }
0x119: {  	[spmem:s10] =	stream.indirect.scatter.add.f32 @!p2 [tilespmem:s28], [sflag:$0x10], $0x40, s2, s29, $0xb8;
	[tilespmem:$0x18A60] =	vst v63  }
0x11a: {  	s2 =	simm.s32 @!p2 $0x10  }
0x11b: {  	_ =	swait.ge @!p2 [sflag:s2], $0x1400  }
0x11c: {  	[sflag:s2] =	ssyncset.done @!p2 $0x0  }
0x11d: {  	[sflag:s2] =	ssyncadd.s32 @!p2 $0xFFFFEC00;
	s2 =	sadd.s32 @!p2 $0xA0A0, s9  }
0x11e: {  	[tilespmem:s28], [sflag:$0x8] =	stream.indirect.gather @!p2 [hbm4b:s13+s29], $0x40, s2, s29, $0xb8;
	[tilespmem:$0x18A60] =	vst v63  }
0x11f: {  	_ =	swait.ge [sflag:s26], $0x1400  }
0x120: {  	[sflag:s26] =	ssyncset.done $0x0  }
.Ltmp3:
0x121: {  	s29 =	sadd.s32 $0xC580, s31;
	[sflag:s26] =	ssyncadd.s32 $0xFFFFEC00;
	(pc) =	sbr.rel @p2 .LBB2_6-.Ltmp3, $4  }
0x122: {  	[spmem:s10] =	stream.indirect.scatter.add.f32 [tilespmem:s12], [sflag:$0x11], $0x40, s29, s4, $0xb8;
	[tilespmem:$0x18A60] =	vst v63  }
0x123: {  	_ =	swait.ge [sflag:s0], $0x1400  }
0x124: {  	[sflag:s0] =	ssyncset.done $0x0  }
0x125: {  	[sflag:s0] =	ssyncadd.s32 $0xFFFFEC00  }
.Ltmp4:
0x126: {  	(pc) =	sbr.rel .LBB2_4-.Ltmp4, $3  }
0x127: {  	_ =	sdelay $0x1  }
0x128: {  	s2 =	sadd.s32 $0xA0F0, s31;
	s30 =	sadd.s32 $0xA00, s30  }
0x129: {  	[tilespmem:s12], [sflag:$0x9] =	stream.indirect.gather [hbm4b:s13+s4], $0x40, s2, s4, $0xb8;
	[tilespmem:$0x18A60] =	vst v63  }
.LBB2_7:
0x12a: {  	_ =	sfence.sel $0x180000  }
0x12b: {  	[bflag:$0x0] =	sbarrier.arrive $0xFFFF  }
0x12c: {  	_ =	strace $0x9000004D  }
0x12d: {  	s0 =	stileid.u32;
	[bflag:$0x2] =	sbarrier.arrive $0xFFFF  }
0x12e: {  	p0 =	sne.s32 s0, $0x0;
	s0 =	rddreg [dreg:$0x3]  }
0x12f: {  	s0 =	sadd.s32 @!p0 $0x100000, s0  }
0x130: {  	[sflag:s0] =	ssyncadd.tile.s32 @!p0 $0x1;
	_ =	shalt  }
.Lfunc_end2:
_tile_overlayer_lowered:
.L_overlay_start_2:
0x131: {  	(tag) =	ssettag $0x2  }
0x132: {  	s0 =	rddreg [dreg:$0x0];
	s2 =	stileid.u32  }
0x133: {  	s1 =	rddreg [dreg:$0x1];
	p0 =	sne.s32 s2, $0x0  }
0x134: {  	s3 =	rddreg [dreg:$0x2];
	[bflag:$0x3] =	sbarrier.arrive $0xFFFF;
	s2 =	simm.s32 @!p0 $0x1C13  }
0x135: {  	[timem:s3], [sflag:s2] =	dma.local @!p0 [hbm:s0], s1  }
0x136: {  	s0 =	simm.s32 @!p0 $0x13  }
0x137: {  	_ =	swait.ge @!p0 [sflag:s0], s1  }
0x138: {  	s1 =	ssub.s32 @!p0 $0x0, s1;
	[sflag:s0] =	ssyncset.done @!p0 $0x0  }
0x139: {  	[sflag:s0] =	ssyncadd.s32 @!p0 s1  }
0x13a: {  	[bflag:$0x3] =	sbarrier.arrive $0xFFFF  }
0x13b: {  	_ =	shalt  }

// kernel: kernel.9.cloned.1.call-start
scs
__scs_entry_jumppad:
0x0: {  	(pc) =	sbr.rel $0x88, $3  }
0x1: {  	(tag) =	ssettag $0x0;
	lr =	simm.s32 $0x1  }
0x2: {  	[smem:$0x3F9D] =	sst lr;
	_ =	strace $0xD0000000  }
0x3: {  	_ = 	snop  }
0x4: {  	_ = 	snop  }
0x5: {  	_ = 	snop  }
0x6: {  	_ = 	snop  }
0x7: {  	_ = 	snop  }
__scs_overlays_trampoline_lowered:
0x8: {  	[smem:$0x3FAC] =	sst s0  }
0x9: {  	[smem:$0x3FAD] =	sst s1  }
0xa: {  	[smem:$0x3FAE] =	sst s2  }
0xb: {  	[smem:$0x3FAF] =	sst s3  }
0xc: {  	[smem:$0x3FB0] =	sst s4  }
0xd: {  	[smem:$0x3FB1] =	sst s5  }
0xe: {  	[smem:$0x3FB2] =	sst s6  }
0xf: {  	[smem:$0x3FB3] =	sst s7  }
0x10: {  	[smem:$0x3FB4] =	sst s8  }
0x11: {  	[smem:$0x3FB5] =	sst s9;
	s0 =	simm.s32 @!p0 $0x0  }
0x12: {  	s1 =	sld [smem:$0x3F9B];
	s0 =	simm.s32 @p0 $0x1  }
0x13: {  	[smem:$0x3FB6] =	sst s0;
	s0 =	simm.s32 @!p1 $0x0  }
0x14: {  	s2 =	sld [smem:$0x3F9A];
	s0 =	simm.s32 @p1 $0x1  }
0x15: {  	[smem:$0x3FB7] =	sst s0;
	s0 =	simm.s32 @!p2 $0x0  }
0x16: {  	s3 =	sld [smem:$0x3FDB];
	s0 =	simm.s32 @p2 $0x1  }
0x17: {  	s4 =	simm.s32 $0x1BF5;
	[smem:$0x3FB9] =	sst s0  }
0x18: {  	s0 =	sld [smem:$0x3F9C];
	_ =	swait.ge [sflag:s4], $0x0  }
0x19: {  	s7 =	sld [smem:$0x3F9D]  }
0x1a: {  	s8 =	sadd.s32 $0xFFFFE003, lr  }
0x1b: {  	s9 =	sadd.s32 $0xFFFFFEF7, lr;
	s5 =	simm.s32 $0xFFFFFFFF;
	p2 =	slt.u32 s8, $0xFFFFF086  }
0x1c: {  	p1 =	slt.u32 s9, $0xF7A;
	s5 =	simm.s32 @!p2 $0x0  }
0x1d: {  	s5 =	simm.s32 @p1 $0x1;
	p0 =	seq.s32 s7, s2  }
0x1e: {  	s7 =	smul.u32 @!p0 $0xF7A, s2;
	p2 =	seq.s32 @!p0 s5, $0x0  }
0x1f: {  	s9 =	smul.u32 $0xF7A, s1;
	s8 =	simm.s32 @!p0 $0x1BF5;
	p2 =	por !p2, p0  }
0x20: {  	[sflag:s8] =	ssyncset.s32 @!p0 $0xFFFFF086;
	s6 =	sadd.s32 @!p0 s3, s7;
	s7 =	simm.s32 @!p0 $0x108  }
0x21: {  	s3 =	sadd.s32 s3, s9;
	s6 =	sadd.s32 @!p0 $0x88, s6;
	s7 =	simm.s32 @p2 $0x1082  }
0x22: {  	[simem:s7], [sflag:s8] =	dma.local @!p0 [hbm:s6], $0xF7A  }
0x23: {  	s9 =	sor.u32 $0xD0000000, s2;
	s6 =	simm.s32 $0x108;
	_ =	swait.ge @!p0 [sflag:s8], $0x0  }
0x24: {  	s3 =	sadd.s32 $0x88, s3;
	s6 =	simm.s32 @!p1 $0x1082;
	[sflag:s4] =	ssyncset.s32 $0xFFFFF086  }
0x25: {  	[simem:s6], [sflag:s4] =	dma.local [hbm:s3], $0xF7A  }
0x26: {  	[smem:$0x3F9D] =	sst s1;
	(tag) =	ssettag s2;
	_ =	strace s9  }
0x27: {  	s1 =	sld [smem:$0x3FAD]  }
0x28: {  	s2 =	sld [smem:$0x3FAE]  }
0x29: {  	s4 =	sld [smem:$0x3FB0]  }
0x2a: {  	p0 =	seq.s32 s5, $0x0;
	s5 =	sld [smem:$0x3FB1]  }
0x2b: {  	s6 =	sld [smem:$0x3FB2]  }
0x2c: {  	s7 =	sld [smem:$0x3FB3]  }
0x2d: {  	s3 =	simm.s32 $0x108;
	s8 =	sld [smem:$0x3FB4]  }
0x2e: {  	s3 =	simm.s32 @!p0 $0x1082;
	s9 =	sld [smem:$0x3FB5]  }
0x2f: {  	lr =	sadd.s32 s0, s3;
	s0 =	sld [smem:$0x3FAC]  }
0x30: {  	s3 =	sld [smem:$0x3FAF]  }
0x31: {  	[smem:$0x3FB8] =	sst s10  }
0x32: {  	s10 =	sld [smem:$0x3FB6];
	_ =	sdelay $0x3  }
0x33: {  	p0 =	seq.s32 s10, $0x1;
	s10 =	sld [smem:$0x3FB8];
	_ =	sdelay $0x3  }
0x34: {  	[smem:$0x3FB8] =	sst s10  }
0x35: {  	s10 =	sld [smem:$0x3FB7];
	_ =	sdelay $0x3  }
0x36: {  	p1 =	seq.s32 s10, $0x1;
	s10 =	sld [smem:$0x3FB8];
	_ =	sdelay $0x3  }
0x37: {  	[smem:$0x3FB8] =	sst s10  }
0x38: {  	s10 =	sld [smem:$0x3FB9]  }
0x39: {  	_ = 	snop;
	(pc) =	sbr.ind lr, $3  }
0x3a: {  	_ = 	snop  }
0x3b: {  	_ = 	snop  }
0x3c: {  	p2 =	seq.s32 s10, $0x1;
	s10 =	sld [smem:$0x3FB8]  }
0x3d: {  	_ =	shalt  }
0x3e: {  	_ =	shalt  }
0x3f: {  	_ =	shalt  }
0x40: {  	_ =	shalt  }
0x41: {  	_ =	shalt  }
0x42: {  	_ =	shalt  }
0x43: {  	_ =	shalt  }
0x44: {  	_ =	shalt  }
0x45: {  	_ =	shalt  }
0x46: {  	_ =	shalt  }
0x47: {  	_ =	shalt  }
0x48: {  	_ =	shalt  }
0x49: {  	_ =	shalt  }
0x4a: {  	_ =	shalt  }
0x4b: {  	_ =	shalt  }
0x4c: {  	_ =	shalt  }
0x4d: {  	_ =	shalt  }
0x4e: {  	_ =	shalt  }
0x4f: {  	_ =	shalt  }
0x50: {  	_ =	shalt  }
0x51: {  	_ =	shalt  }
0x52: {  	_ =	shalt  }
0x53: {  	_ =	shalt  }
0x54: {  	_ =	shalt  }
0x55: {  	_ =	shalt  }
0x56: {  	_ =	shalt  }
0x57: {  	_ =	shalt  }
0x58: {  	_ =	shalt  }
0x59: {  	_ =	shalt  }
0x5a: {  	_ =	shalt  }
0x5b: {  	_ =	shalt  }
0x5c: {  	_ =	shalt  }
0x5d: {  	_ =	shalt  }
0x5e: {  	_ =	shalt  }
0x5f: {  	_ =	shalt  }
0x60: {  	_ =	shalt  }
0x61: {  	_ =	shalt  }
0x62: {  	_ =	shalt  }
0x63: {  	_ =	shalt  }
0x64: {  	_ =	shalt  }
0x65: {  	_ =	shalt  }
0x66: {  	_ =	shalt  }
0x67: {  	_ =	shalt  }
0x68: {  	_ =	shalt  }
0x69: {  	_ =	shalt  }
0x6a: {  	_ =	shalt  }
0x6b: {  	_ =	shalt  }
0x6c: {  	_ =	shalt  }
0x6d: {  	_ =	shalt  }
0x6e: {  	_ =	shalt  }
0x6f: {  	_ =	shalt  }
0x70: {  	_ =	shalt  }
0x71: {  	_ =	shalt  }
0x72: {  	_ =	shalt  }
0x73: {  	_ =	shalt  }
0x74: {  	_ =	shalt  }
0x75: {  	_ =	shalt  }
0x76: {  	_ =	shalt  }
0x77: {  	_ =	shalt  }
0x78: {  	_ =	shalt  }
0x79: {  	_ =	shalt  }
0x7a: {  	_ =	shalt  }
0x7b: {  	_ =	shalt  }
0x7c: {  	_ =	shalt  }
0x7d: {  	_ =	shalt  }
0x7e: {  	_ =	shalt  }
0x7f: {  	_ =	shalt  }
0x80: {  	_ =	shalt  }
0x81: {  	_ =	shalt  }
0x82: {  	_ =	shalt  }
0x83: {  	_ =	shalt  }
0x84: {  	_ =	shalt  }
0x85: {  	_ =	shalt  }
0x86: {  	_ =	shalt  }
0x87: {  	_ =	shalt  }
.Lfunc_end0:
.L_simem_size_0:
called_computation_lowered:
.L_overlay_start_0:
0x88: {  	s2 =	sld [smem:$0x3FD9]  }
0x89: {  	s3 =	sld [smem:$0x3FFE];
	_ =	sdelay $0x1  }
0x8a: {  	s1 =	srdreg.scid  }
0x8b: {  	s0 =	sand.u32 $0x1, s1  }
0x8c: {  	s17 =	sshll.u32 s0, $0xA;
	s2 =	sadd.s32 s3, s2  }
0x8d: {  	s2 =	sadd.s32 s2, s17  }
0x8e: {  	[smem:$0x3FC4] =	sst s2  }
0x8f: {  	_ = 	snop  }
0x90: {  	s2 =	sld [smem:$0x3FD0];
	(tm) =	ssettm $0x1  }
0x91: {  	s18 =	sld [smem:$0x3FFB];
	_ =	sdelay $0x3  }
0x92: {  	_ =	strace s18  }
0x93: {  	s3 =	sld [smem:$0x3FFC];
	_ =	sdelay $0x3  }
0x94: {  	_ =	strace s3  }
0x95: {  	s3 =	sld [smem:$0x3FFD];
	_ =	sdelay $0x3  }
0x96: {  	_ =	strace s3  }
0x97: {  	_ =	strace $0x8FFFFFFF  }
0x98: {  	s19 =	sld [smem:$0x3FDB];
	_ =	sdelay $0x1  }
0x99: {  	s4 =	simm.s32 $_scs_section_size  }
0x9a: {  	s5 =	simm.s32 $_size__tile_overlayer_lowered;
	s6 =	simm.s32 $_tile_overlayer_lowered  }
0x9b: {  	s22 =	simm.s32 $0x1BFF;
	s21 =	sshll.u32 s6, $0x1;
	s3 =	sadd.s32 s4, s19  }
0x9c: {  	s7 =	simm.s32 $0x0;
	s20 =	sshll.u32 s5, $0x1;
	s5 =	sadd.s32 s21, s3  }
0x9d: {  	[timem:s7], [sflag:s22] =	dma.local [hbm:s5], s20  }
0x9e: {  	_ =	swait.ge [sflag:s22], s20  }
0x9f: {  	s4 =	ssub.s32 $0x0, s20;
	[sflag:s22] =	ssyncset.done $0x0  }
0xa0: {  	[sflag:s22] =	ssyncadd.s32 s4;
	_ =	sdelay $0x1  }
0xa1: {  	s23 =	simm.s32 $0x1B8B  }
0xa2: {  	_ =	swait.ge [sflag:s23], $0x1  }
0xa3: {  	[sflag:s23] =	ssyncset.done $0x0  }
0xa4: {  	s25 =	simm.s32 $0x1B8E;
	s24 =	sld [smem:$0x3FFE];
	[sflag:s23] =	ssyncadd.s32 $0xFFFFFFFF  }
0xa5: {  	s26 =	simm.s32 $execute0_lowered;
	[smem:$0x3FD2] =	sst s25  }
0xa6: {  	s5 =	sshll.u32 s26, $0x1;
	_ =	strace $0x80000046;
	[dreg:$0x1] =	wrdreg $0xFFFFFFFF  }
0xa7: {  	s28 =	simm.s32 $_size_execute0_lowered;
	s3 =	sadd.s32 s3, s5;
	[dreg:$0x0] =	wrdreg $0x0  }
0xa8: {  	s5 =	sshll.u32 s28, $0x1;
	[dreg:$0x2] =	wrdreg s3  }
0xa9: {  	[dreg:$0x3] =	wrdreg s5  }
0xaa: {  	[dreg:$0x4] =	wrdreg $0xC0  }
0xab: {  	_ =	task [dreg:s7], $0x5FFFF  }
0xac: {  	[dreg:$0x1] =	wrdreg $0xFFFFFFFF  }
0xad: {  	[dreg:$0x0] =	wrdreg $0x60  }
0xae: {  	[dreg:$0x2] =	wrdreg s2  }
0xaf: {  	[dreg:$0x3] =	wrdreg s24  }
0xb0: {  	[dreg:$0x4] =	wrdreg $0x0  }
0xb1: {  	[dreg:$0x5] =	wrdreg $0x9  }
0xb2: {  	_ =	task.clear_ibuf [dreg:s7], $0x6FFFF;
	_ =	strace $0x90000046  }
0xb3: {  	s29 =	simm.s32 $0x9;
	_ =	strace $0x80000048  }
0xb4: {  	_ =	swait.ge [sflag:s29], $0x1  }
0xb5: {  	[sflag:s29] =	ssyncadd.s32 $0xFFFFFFFF  }
0xb6: {  	_ =	strace $0x90000048  }
0xb7: {  	_ =	sfence  }
0xb8: {  	s30 =	sld [smem:$0x0];
	_ =	sdelay $0x2  }
0xb9: {  	s31 =	sshll.u32 s1, $0xD;
	s1 =	sshrl.u32 s1, $0x2  }
0xba: {  	s3 =	sand.u32 $0x4000, s31;
	s1 =	sadd.s32 s1, s30  }
0xbb: {  	s0 =	sor.u32 s3, s0;
	s1 =	sshll.u32 s1, $0x11  }
0xbc: {  	s0 =	sor.u32 s1, s0  }
0xbd: {  	s0 =	sadd.s32 $0x8F2B, s0  }
0xbe: {  	[sflag:s0] =	ssyncadd.remote.s32 $0x1  }
0xbf: {  	_ =	sfence.sel $0xFFFF  }
0xc0: {  	[dreg:$0x0] =	wrdreg $0xFFFFFFFF;
	(pc) =	sbr.abs _section_cstart, $3  }
0xc1: {  	[dreg:$0x1] =	wrdreg $0xFFFFFFFF  }
0xc2: {  	_ =	task.clear_ibuf [dreg:s7], $0x2FFFF;
	_ =	strace $0x9FFFFFFF  }
0xc3: {  	(tm) =	ssettm $0x7FFFFFFF  }
tec
execute0_lowered:
.L_overlay_start_1:
0x0: {  	(tag) =	ssettag $0x1  }
0x1: {  	s0 =	srdreg.scid  }
0x2: {  	s29 =	stileid.u32;
	s0 =	sand.u32 $0x1, s0  }
0x3: {  	s1 =	rddreg [dreg:$0x0];
	s6 =	sor.u32 $0x10, s29;
	s5 =	smul.u32 $0x27100, s0  }
0x4: {  	s3 =	rddreg [dreg:$0x1];
	s4 =	simm.s32 $0x0;
	s7 =	smul.u32 $0x1400, s6  }
0x5: {  	s2 =	sshll.u32 s0, $0x4;
	s17 =	ssub.s32 $0x2, s0;
	s0 =	smul.u32 $0x500, s29  }
0x6: {  	s31 =	simm.s32 $0x2710;
	s20 =	sor.u32 $0x20, s29;
	s6 =	smul.u32 $0x500, s6  }
0x7: {  	[smem:$0x7FF] =	sst s4;
	s21 =	sor.u32 $0x30, s29;
	s22 =	smul.u32 $0x500, s20  }
0x8: {  	s3 =	sadd.s32 $0x1E00, s3;
	s8 =	sor.u32 $0x40, s29;
	s23 =	smul.u32 $0x500, s21  }
0x9: {  	s16 =	sor.u32 $0x50, s29;
	s24 =	smul.u32 $0x500, s8;
	s2 =	sor.u32 s29, s2  }
0xa: {  	p1 =	sgt.u32 s29, $0xC;
	s18 =	sshrl.u32 s17, $0x1;
	s2 =	smul.u32 $0x4E2, s2  }
0xb: {  	s4 =	ssub.s32 s17, s18;
	s9 =	sadd.s32 s5, s0;
	s18 =	sor.u32 $0x70, s29  }
0xc: {  	s17 =	sor.u32 $0x60, s29;
	s25 =	sadd.s32 s5, s6;
	s28 =	smul.u32 $0x500, s18  }
0xd: {  	s10 =	sadd.s32 s5, s22;
	s19 =	sadd.s32 s1, s2;
	s1 =	smul.u32 $0x1400, s20  }
0xe: {  	s11 =	sadd.s32 s5, s24;
	s9 =	sshrl.u32 s9, $0x3;
	s2 =	smul.u32 $0x1400, s21  }
0xf: {  	s26 =	sshrl.u32 s10, $0x3;
	s10 =	sadd.s32 s5, s23;
	s20 =	smul.u32 $0x1400, s8  }
0x10: {  	s12 =	sshrl.u32 s11, $0x3;
	p0 =	sgt.u32 s18, $0x7C;
	s21 =	smul.u32 $0x1400, s16  }
0x11: {  	s9 =	sadd.s32 s3, s9;
	s8 =	smul.u32 $0x1400, s18;
	[dreg:$0x4] =	wrdreg s19  }
0x12: {  	[dreg:$0x5] =	wrdreg s9;
	s9 =	sshrl.u32 s25, $0x3;
	s25 =	smul.u32 $0x500, s16  }
0x13: {  	s19 =	sshrl.u32 s7, $0x2;
	s7 =	smul.u32 $0x1400, s17;
	s9 =	sadd.s32 s3, s9  }
0x14: {  	s1 =	sshrl.u32 s1, $0x2;
	[dreg:$0x6] =	wrdreg s9;
	s9 =	sadd.s32 s3, s26  }
0x15: {  	s26 =	smul.u32 $0x500, s17;
	s13 =	sadd.s32 s5, s25;
	[dreg:$0x7] =	wrdreg s9  }
0x16: {  	s9 =	sshrl.u32 s10, $0x3;
	s10 =	sshrl.u32 s13, $0x3;
	s13 =	smax.u32 s4, $0x1  }
0x17: {  	s4 =	sshrl.u32 s20, $0x2;
	s20 =	sshrl.u32 s7, $0x2;
	s9 =	sadd.s32 s3, s9  }
0x18: {  	s11 =	sadd.s32 s5, s26;
	s5 =	sadd.s32 s5, s28;
	[dreg:$0x8] =	wrdreg s9  }
0x19: {  	s9 =	sadd.s32 s3, s12;
	s14 =	sshrl.u32 s11, $0x3;
	s11 =	rddreg [dreg:$0x2]  }
0x1a: {  	s5 =	sshrl.u32 s5, $0x3;
	[dreg:$0x9] =	wrdreg s9;
	s9 =	sadd.s32 s3, s10  }
0x1b: {  	s10 =	sadd.s32 s3, s14;
	s14 =	smul.u32 $0x1400, s29;
	s12 =	sadd.s32 s3, s5  }
0x1c: {  	s16 =	sadd.s32 s1, s11;
	s5 =	sshrl.u32 s2, $0x2;
	s18 =	sadd.s32 s4, s11  }
0x1d: {  	s20 =	sadd.s32 s20, s11;
	s0 =	sadd.s32 s0, s11;
	s2 =	sadd.s32 s6, s11  }
0x1e: {  	s3 =	sadd.s32 s22, s11;
	s4 =	sadd.s32 s23, s11;
	s6 =	sadd.s32 s25, s11  }
0x1f: {  	s7 =	sadd.s32 s28, s11;
	s1 =	simm.s32 $0x3;
	_ =	strace $0x80000047  }
0x20: {  	s17 =	sadd.s32 s5, s11;
	s5 =	sadd.s32 s24, s11;
	s22 =	sshrl.u32 s0, $0x3  }
0x21: {  	s23 =	sshrl.u32 s2, $0x3;
	s24 =	sshrl.u32 s3, $0x3;
	s25 =	sshrl.u32 s4, $0x3  }
0x22: {  	s28 =	sshrl.u32 s6, $0x3;
	s30 =	sshrl.u32 @!p0 s7, $0x3;
	s0 =	simm.s32 $0x1  }
0x23: {  	s2 =	simm.s32 $0x50;
	s3 =	simm.s32 $0x4E20;
	s15 =	sshrl.u32 s14, $0x2  }
0x24: {  	s4 =	simm.s32 $0x2;
	s14 =	sadd.s32 s15, s11;
	s15 =	sadd.s32 s19, s11  }
0x25: {  	s19 =	sshrl.u32 s21, $0x2;
	s21 =	sshrl.u32 s8, $0x2;
	s8 =	sadd.s32 s26, s11  }
0x26: {  	s26 =	sshrl.u32 s5, $0x3;
	s5 =	simm.s32 $0x0;
	s19 =	sadd.s32 s19, s11  }
0x27: {  	v0 =	vimm.f32 $1.000000000e+00;
	v1 =	vimm.f32 $0.0e+00;
	s21 =	sadd.s32 s21, s11;
	s29 =	sshrl.u32 s8, $0x3;
	s8 =	simm.s32 $0x5320  }
.LBB2_1:
0x28: {  	s6 =	simm.s32 $0x0;
	s7 =	rddreg [dreg:$0x4]  }
0x29: {  	[tilespmem:s31], [sflag:$0x1] =	stream.linear.gather [hbm4b:s7+s6], $0x2710, $0x38;
	[tilespmem:$0x5820] =	vst v63  }
0x2a: {  	s6 =	simm.s32 $0x0  }
.LBB2_2:
0x2b: {  	p2 =	sne.s32 s6, $0x13C0  }
.Ltmp0:
0x2c: {  	_ = 	snop;
	(pc) =	sbr.rel @p2 .LBB2_2-.Ltmp0, $3  }
0x2d: {  	_ =	sdelay $0x1  }
0x2e: {  	s7 =	sshra.s32 s6, $0x2  }
0x2f: {  	s6 =	sadd.s32 $0x40, s6;
	[tilespmem:s7+$0x4E20] =	vst v0  }
0x30: {  	s6 =	simm.s32 $0x40;
	s7 =	simm.s32 $0x0  }
.LBB2_4:
0x31: {  	p2 =	sne.s32 s6, $0x13C0;
	[tilespmem:s7+$0x5320] =	vst v1;
	s7 =	smov.u32 s6;
	s6 =	sadd.s32 $0x40, s6  }
.Ltmp1:
0x32: {  	(pc) =	sbr.rel @p2 .LBB2_4-.Ltmp1, $2  }
0x33: {  	_ =	sdelay $0x2  }
0x34: {  	s7 =	sshra.s32 s7, $0x2  }
0x35: {  	[tilespmem:s7+$0x5320] =	vst v1  }
0x36: {  	[spmem:s14] =	stream.linear.scatter [tilespmem:s8], [sflag:$0x3], $0x500, $0x38;
	[tilespmem:$0x5820] =	vst v63  }
0x37: {  	_ = 	snop  }
0x38: {  	[spmem:s15] =	stream.linear.scatter [tilespmem:s8], [sflag:$0x3], $0x500, $0x38;
	[tilespmem:$0x5820] =	vst v63  }
0x39: {  	_ = 	snop  }
0x3a: {  	[spmem:s16] =	stream.linear.scatter [tilespmem:s8], [sflag:$0x3], $0x500, $0x38;
	[tilespmem:$0x5820] =	vst v63  }
0x3b: {  	_ = 	snop  }
0x3c: {  	[spmem:s17] =	stream.linear.scatter [tilespmem:s8], [sflag:$0x3], $0x500, $0x38;
	[tilespmem:$0x5820] =	vst v63  }
0x3d: {  	_ = 	snop  }
0x3e: {  	[spmem:s18] =	stream.linear.scatter [tilespmem:s8], [sflag:$0x3], $0x500, $0x38;
	[tilespmem:$0x5820] =	vst v63  }
0x3f: {  	_ = 	snop  }
0x40: {  	[spmem:s19] =	stream.linear.scatter [tilespmem:s8], [sflag:$0x3], $0x500, $0x38;
	[tilespmem:$0x5820] =	vst v63  }
0x41: {  	_ = 	snop  }
0x42: {  	[spmem:s20] =	stream.linear.scatter [tilespmem:s8], [sflag:$0x3], $0x500, $0x38;
	[tilespmem:$0x5820] =	vst v63  }
0x43: {  	s6 =	simm.s32 @!p0 $0x5320  }
0x44: {  	[spmem:s21] =	stream.linear.scatter @!p0 [tilespmem:s6], [sflag:$0x3], $0x500, $0x38;
	[tilespmem:$0x5820] =	vst v63  }
0x45: {  	_ =	swait.ge [sflag:s1], $0x500  }
0x46: {  	[sflag:s1] =	ssyncset.done $0x0  }
0x47: {  	[sflag:s1] =	ssyncadd.s32 $0xFFFFFB00  }
0x48: {  	_ =	swait.ge [sflag:s1], $0x500  }
0x49: {  	[sflag:s1] =	ssyncset.done $0x0  }
0x4a: {  	[sflag:s1] =	ssyncadd.s32 $0xFFFFFB00  }
0x4b: {  	_ =	swait.ge [sflag:s1], $0x500  }
0x4c: {  	[sflag:s1] =	ssyncset.done $0x0  }
0x4d: {  	[sflag:s1] =	ssyncadd.s32 $0xFFFFFB00  }
0x4e: {  	_ =	swait.ge [sflag:s1], $0x500  }
0x4f: {  	[sflag:s1] =	ssyncset.done $0x0  }
0x50: {  	[sflag:s1] =	ssyncadd.s32 $0xFFFFFB00  }
0x51: {  	_ =	swait.ge [sflag:s1], $0x500  }
0x52: {  	[sflag:s1] =	ssyncset.done $0x0  }
0x53: {  	[sflag:s1] =	ssyncadd.s32 $0xFFFFFB00  }
0x54: {  	_ =	swait.ge [sflag:s1], $0x500  }
0x55: {  	[sflag:s1] =	ssyncset.done $0x0  }
0x56: {  	[sflag:s1] =	ssyncadd.s32 $0xFFFFFB00  }
0x57: {  	_ =	swait.ge [sflag:s1], $0x500  }
0x58: {  	[sflag:s1] =	ssyncset.done $0x0  }
0x59: {  	s6 =	simm.s32 @!p1 $0x3;
	[sflag:s1] =	ssyncadd.s32 $0xFFFFFB00  }
0x5a: {  	_ =	swait.ge @!p1 [sflag:s6], $0x500  }
0x5b: {  	[sflag:s6] =	ssyncset.done @!p1 $0x0  }
0x5c: {  	[sflag:s6] =	ssyncadd.s32 @!p1 $0xFFFFFB00  }
0x5d: {  	[bflag:$0x0] =	sbarrier.arrive $0xFFFF  }
0x5e: {  	_ =	swait.ge [sflag:s0], $0x2710  }
0x5f: {  	[sflag:s0] =	ssyncset.done $0x0  }
0x60: {  	[sflag:s0] =	ssyncadd.s32 $0xFFFFD8F0  }
0x61: {  	[spmem:s11] =	stream.indirect.scatter.add.f32 [tilespmem:s3], [sflag:$0x2], $0x10, s31, s2, $0xb8;
	[tilespmem:$0x5820] =	vst v63  }
0x62: {  	s7 =	simm.s32 $0x2760  }
0x63: {  	[spmem:s11] =	stream.indirect.scatter.add.f32 [tilespmem:s3], [sflag:$0x2], $0x10, s7, s2, $0xb8;
	[tilespmem:$0x5820] =	vst v63  }
0x64: {  	s7 =	simm.s32 $0x27B0  }
0x65: {  	[spmem:s11] =	stream.indirect.scatter.add.f32 [tilespmem:s3], [sflag:$0x2], $0x10, s7, s2, $0xb8;
	[tilespmem:$0x5820] =	vst v63  }
0x66: {  	s7 =	simm.s32 $0x2800  }
0x67: {  	[spmem:s11] =	stream.indirect.scatter.add.f32 [tilespmem:s3], [sflag:$0x2], $0x10, s7, s2, $0xb8;
	[tilespmem:$0x5820] =	vst v63  }
0x68: {  	s7 =	simm.s32 $0x2850  }
0x69: {  	[spmem:s11] =	stream.indirect.scatter.add.f32 [tilespmem:s3], [sflag:$0x2], $0x10, s7, s2, $0xb8;
	[tilespmem:$0x5820] =	vst v63  }
0x6a: {  	s6 =	simm.s32 $0x640;
	_ =	swait.ge [sflag:s4], $0x500  }
.LBB2_6:
0x6b: {  	s7 =	sshra.s32 s6, $0x2;
	[sflag:s4] =	ssyncset.done $0x0;
	p2 =	sne.s32 s6, $0x9B00  }
.Ltmp2:
0x6c: {  	s7 =	sadd.s32 $0x2710, s7;
	[sflag:s4] =	ssyncadd.s32 $0xFFFFFB00;
	(pc) =	sbr.rel @p2 .LBB2_6-.Ltmp2, $3  }
0x6d: {  	[spmem:s11] =	stream.indirect.scatter.add.f32 [tilespmem:s3], [sflag:$0x2], $0x10, s7, s2, $0xb8;
	[tilespmem:$0x5820] =	vst v63  }
0x6e: {  	s6 =	sadd.s32 $0x140, s6;
	_ =	sdelay $0x1  }
0x6f: {  	_ =	swait.ge [sflag:s4], $0x500  }
0x70: {  	[sflag:s4] =	ssyncset.done $0x0  }
0x71: {  	[sflag:s4] =	ssyncadd.s32 $0xFFFFFB00  }
0x72: {  	_ =	swait.ge [sflag:s4], $0x500  }
0x73: {  	[sflag:s4] =	ssyncset.done $0x0  }
0x74: {  	[sflag:s4] =	ssyncadd.s32 $0xFFFFFB00  }
0x75: {  	_ =	swait.ge [sflag:s4], $0x500  }
0x76: {  	[sflag:s4] =	ssyncset.done $0x0  }
0x77: {  	[sflag:s4] =	ssyncadd.s32 $0xFFFFFB00  }
0x78: {  	_ =	swait.ge [sflag:s4], $0x500  }
0x79: {  	[sflag:s4] =	ssyncset.done $0x0  }
0x7a: {  	[sflag:s4] =	ssyncadd.s32 $0xFFFFFB00  }
0x7b: {  	_ =	swait.ge [sflag:s4], $0x500  }
0x7c: {  	[sflag:s4] =	ssyncset.done $0x0  }
0x7d: {  	s6 =	stileid.u32;
	[sflag:s4] =	ssyncadd.s32 $0xFFFFFB00  }
0x7e: {  	s6 =	sshll.u32 s6, $0x6;
	[bflag:$0x0] =	sbarrier.arrive $0xFFFF  }
0x7f: {  	s6 =	sor.u32 $0x1C01, s6;
	s7 =	rddreg [dreg:$0x5]  }
0x80: {  	[hbm:s7], [sflag:s6] =	dma.local [spmem:s22], $0xA0  }
0x81: {  	s7 =	rddreg [dreg:$0x6]  }
0x82: {  	[hbm:s7], [sflag:s6] =	dma.local [spmem:s23], $0xA0  }
0x83: {  	s7 =	rddreg [dreg:$0x7]  }
0x84: {  	[hbm:s7], [sflag:s6] =	dma.local [spmem:s24], $0xA0  }
0x85: {  	s7 =	rddreg [dreg:$0x8]  }
0x86: {  	[hbm:s7], [sflag:s6] =	dma.local [spmem:s25], $0xA0  }
0x87: {  	s7 =	rddreg [dreg:$0x9]  }
0x88: {  	[hbm:s7], [sflag:s6] =	dma.local [spmem:s26], $0xA0  }
0x89: {  	[hbm:s9], [sflag:s6] =	dma.local [spmem:s28], $0xA0  }
0x8a: {  	[hbm:s10], [sflag:s6] =	dma.local [spmem:s29], $0xA0  }
0x8b: {  	[hbm:s12], [sflag:s6] =	dma.local @!p0 [spmem:s30], $0xA0  }
0x8c: {  	_ =	swait.ge [sflag:s0], $0xA0  }
0x8d: {  	[sflag:s0] =	ssyncset.done $0x0  }
0x8e: {  	[sflag:s0] =	ssyncadd.s32 $0xFFFFFF60  }
0x8f: {  	_ =	swait.ge [sflag:s0], $0xA0  }
0x90: {  	[sflag:s0] =	ssyncset.done $0x0  }
0x91: {  	[sflag:s0] =	ssyncadd.s32 $0xFFFFFF60  }
0x92: {  	_ =	swait.ge [sflag:s0], $0xA0  }
0x93: {  	[sflag:s0] =	ssyncset.done $0x0  }
0x94: {  	[sflag:s0] =	ssyncadd.s32 $0xFFFFFF60  }
0x95: {  	_ =	swait.ge [sflag:s0], $0xA0  }
0x96: {  	[sflag:s0] =	ssyncset.done $0x0  }
0x97: {  	[sflag:s0] =	ssyncadd.s32 $0xFFFFFF60  }
0x98: {  	_ =	swait.ge [sflag:s0], $0xA0  }
0x99: {  	[sflag:s0] =	ssyncset.done $0x0  }
0x9a: {  	[sflag:s0] =	ssyncadd.s32 $0xFFFFFF60  }
0x9b: {  	_ =	swait.ge [sflag:s0], $0xA0  }
0x9c: {  	[sflag:s0] =	ssyncset.done $0x0  }
0x9d: {  	s5 =	sadd.s32 $0x1, s5;
	[sflag:s0] =	ssyncadd.s32 $0xFFFFFF60  }
0x9e: {  	p2 =	sne.s32 s5, s13;
	_ =	swait.ge [sflag:s0], $0xA0  }
.Ltmp3:
0x9f: {  	[sflag:s0] =	ssyncset.done $0x0;
	(pc) =	sbr.rel @p2 .LBB2_1-.Ltmp3, $4  }
0xa0: {  	s6 =	simm.s32 @!p1 $0x1;
	[sflag:s0] =	ssyncadd.s32 $0xFFFFFF60  }
0xa1: {  	_ =	swait.ge @!p1 [sflag:s6], $0xA0  }
0xa2: {  	[sflag:s6] =	ssyncset.done @!p1 $0x0  }
0xa3: {  	[sflag:s6] =	ssyncadd.s32 @!p1 $0xFFFFFF60  }
0xa4: {  	_ =	sfence.sel $0x180000  }
0xa5: {  	[bflag:$0x0] =	sbarrier.arrive $0xFFFF  }
0xa6: {  	_ =	strace $0x90000047  }
0xa7: {  	s0 =	stileid.u32;
	[bflag:$0x2] =	sbarrier.arrive $0xFFFF  }
0xa8: {  	p0 =	sne.s32 s0, $0x0;
	s0 =	rddreg [dreg:$0x3]  }
0xa9: {  	s0 =	sadd.s32 @!p0 $0x100000, s0  }
0xaa: {  	[sflag:s0] =	ssyncadd.tile.s32 @!p0 $0x1;
	_ =	shalt  }
.Lfunc_end2:
_tile_overlayer_lowered:
.L_overlay_start_2:
0xab: {  	(tag) =	ssettag $0x2  }
0xac: {  	s0 =	rddreg [dreg:$0x0];
	s2 =	stileid.u32  }
0xad: {  	s1 =	rddreg [dreg:$0x1];
	p0 =	sne.s32 s2, $0x0  }
0xae: {  	s3 =	rddreg [dreg:$0x2];
	[bflag:$0x3] =	sbarrier.arrive $0xFFFF;
	s2 =	simm.s32 @!p0 $0x1C04  }
0xaf: {  	[timem:s3], [sflag:s2] =	dma.local @!p0 [hbm:s0], s1  }
0xb0: {  	s0 =	simm.s32 @!p0 $0x4  }
0xb1: {  	_ =	swait.ge @!p0 [sflag:s0], s1  }
0xb2: {  	s1 =	ssub.s32 @!p0 $0x0, s1;
	[sflag:s0] =	ssyncset.done @!p0 $0x0  }
0xb3: {  	[sflag:s0] =	ssyncadd.s32 @!p0 s1  }
0xb4: {  	[bflag:$0x3] =	sbarrier.arrive $0xFFFF  }
0xb5: {  	_ =	shalt  }

</sc_bundles>
